<compile_context>
chip_gen: v7x
topology: tpu7x:2x2x1
jax: 0.10.2.dev20260603
libtpu: 0.0.44.dev20260713+nightly
codegen_flags: <defaults>
</compile_context>

<pallas_src>
import functools

import jax
import jax.numpy as jnp
from jax import lax
from jax.experimental import pallas as pl
from jax.experimental.pallas import tpu as pltpu
from jax.experimental.pallas import tpu_sc as plsc

F32 = jnp.float32

N = 10000
E = 320000
D_NODE = 128
D_EDGE = 16
D_U = 16
H1 = 128
H2 = 64
D_OUT = 64

NW = 32
CG = 40
NCHG = E // CG
NPAD = 10240

EDGE_BLK = 4000
NODE_BLK = 2000
NEBLK = E // EDGE_BLK


def _pq_body(nf_ref, wp_ref, wq_ref, weu_ref, be1_ref, wnu_ref, bn1_ref,
             g_ref, p_ref, q_ref, cn_ref):
    nf = nf_ref[...]
    ce = jnp.dot(g_ref[...], weu_ref[...], preferred_element_type=F32) + be1_ref[...]
    p_ref[...] = jnp.dot(nf, wp_ref[...], preferred_element_type=F32) + ce
    q_ref[...] = jnp.dot(nf, wq_ref[...], preferred_element_type=F32)
    cn_ref[...] = jnp.dot(g_ref[...], wnu_ref[...], preferred_element_type=F32) + bn1_ref[...]


def _precompute(nf, wp, wq, weu, be1, wnu, bn1, g):
    return pl.pallas_call(
        _pq_body,
        out_shape=[
            jax.ShapeDtypeStruct((N, H1), F32),
            jax.ShapeDtypeStruct((N, H1), F32),
            jax.ShapeDtypeStruct((1, H1), F32),
        ],
    )(nf, wp, wq, weu, be1, wnu, bn1, g)


def _gather_body(p_hbm, q_hbm, src_hbm, dst_hbm, out_hbm,
                 is0, is1, id0, id1, rp0, rq0, rp1, rq1,
                 si0, si1, sp0, sp1, sq0, sq1, sw0, sw1):
    cid = lax.axis_index("c")
    sid = lax.axis_index("s")
    wid = sid * 2 + cid
    IS, ID = (is0, is1), (id0, id1)
    RP, RQ = (rp0, rp1), (rq0, rq1)
    SI, SP, SQ, SW = (si0, si1), (sp0, sp1), (sq0, sq1), (sw0, sw1)
    PT = NCHG // NW

    def ebase(c):
        return (wid + c * NW) * CG

    def issue_idx(c, s):
        pltpu.make_async_copy(src_hbm.at[pl.ds(ebase(c), CG)], IS[s], SI[s]).start()
        pltpu.make_async_copy(dst_hbm.at[pl.ds(ebase(c), CG)], ID[s], SI[s]).start()

    def wait_idx(c, s):
        pltpu.make_async_copy(src_hbm.at[pl.ds(ebase(c), CG)], IS[s], SI[s]).wait()
        pltpu.make_async_copy(dst_hbm.at[pl.ds(ebase(c), CG)], ID[s], SI[s]).wait()

    def issue_gather(s):
        pltpu.make_async_copy(p_hbm.at[IS[s]], RP[s], SP[s]).start()
        pltpu.make_async_copy(q_hbm.at[ID[s]], RQ[s], SQ[s]).start()

    def wait_gather(s):
        pltpu.make_async_copy(p_hbm.at[IS[s]], RP[s], SP[s]).wait()
        pltpu.make_async_copy(q_hbm.at[ID[s]], RQ[s], SQ[s]).wait()

    def add(s):
        rp, rq = RP[s], RQ[s]

        def add_row(r, _):
            for j in range(H1 // 16):
                sl = pl.ds(j * 16, 16)
                rp[r, sl] = rp[r, sl] + rq[r, sl]
            return 0

        lax.fori_loop(0, CG, add_row, 0, unroll=2)

    def issue_write(c, s):
        pltpu.make_async_copy(RP[s], out_hbm.at[pl.ds(ebase(c), CG)], SW[s]).start()

    def wait_write(c, s):
        pltpu.make_async_copy(RP[s], out_hbm.at[pl.ds(ebase(c), CG)], SW[s]).wait()

    issue_idx(0, 0)
    issue_idx(1, 1)
    wait_idx(0, 0)
    issue_gather(0)

    def body(t, _):
        a = 2 * t
        b = a + 1
        wait_idx(b, 1)

        @pl.when(t > 0)
        def _wb1():
            wait_write(b - 2, 1)

        issue_gather(1)
        wait_gather(0)

        @pl.when(a + 2 < PT)
        def _ia():
            issue_idx(a + 2, 0)

        add(0)
        issue_write(a, 0)
        wait_gather(1)

        @pl.when(b + 2 < PT)
        def _ib():
            issue_idx(b + 2, 1)

        add(1)
        issue_write(b, 1)

        @pl.when(a + 2 < PT)
        def _ga():
            wait_idx(a + 2, 0)
            wait_write(a, 0)
            issue_gather(0)

        return 0

    lax.fori_loop(0, PT // 2, body, 0)
    wait_write(PT - 2, 0)
    wait_write(PT - 1, 1)


def _sc_gather(p, q, src, dst):
    mesh = plsc.VectorSubcoreMesh(core_axis_name="c", subcore_axis_name="s")
    fn = functools.partial(
        pl.kernel,
        mesh=mesh,
        out_type=jax.ShapeDtypeStruct((E, H1), F32),
        scratch_types=[
            pltpu.VMEM((CG,), jnp.int32),
            pltpu.VMEM((CG,), jnp.int32),
            pltpu.VMEM((CG,), jnp.int32),
            pltpu.VMEM((CG,), jnp.int32),
            pltpu.VMEM((CG, H1), F32),
            pltpu.VMEM((CG, H1), F32),
            pltpu.VMEM((CG, H1), F32),
            pltpu.VMEM((CG, H1), F32),
            pltpu.SemaphoreType.DMA,
            pltpu.SemaphoreType.DMA,
            pltpu.SemaphoreType.DMA,
            pltpu.SemaphoreType.DMA,
            pltpu.SemaphoreType.DMA,
            pltpu.SemaphoreType.DMA,
            pltpu.SemaphoreType.DMA,
            pltpu.SemaphoreType.DMA,
        ],
    )(_gather_body)
    return fn(p, q, src, dst)


def _edge_body(g_ref, ef_ref, wa_ref, w2_ref, b2_ref, w3_ref, b3_ref,
               e_ref, epad_ref, ecomb_ref):
    z = g_ref[...] + jnp.dot(ef_ref[...], wa_ref[...], preferred_element_type=F32)
    h1 = jnp.maximum(z, 0.0)
    h2 = jnp.dot(h1, w2_ref[...], preferred_element_type=F32) + b2_ref[...]
    en = jnp.dot(jnp.maximum(h2, 0.0), w3_ref[...], preferred_element_type=F32) + b3_ref[...]
    e_ref[...] = en
    epad_ref[...] = jnp.concatenate([en, jnp.zeros_like(en)], axis=-1)
    ecomb_ref[...] = jnp.sum(en, axis=0, keepdims=True)[None]


def _tc_edge(g, ef, wa, w2, b2, w3, b3):
    nblk = E // EDGE_BLK
    return pl.pallas_call(
        _edge_body,
        grid=(nblk,),
        in_specs=[
            pl.BlockSpec((EDGE_BLK, H1), lambda i: (i, 0)),
            pl.BlockSpec((EDGE_BLK, D_EDGE), lambda i: (i, 0)),
            pl.BlockSpec((D_EDGE, H1), lambda i: (0, 0)),
            pl.BlockSpec((H1, H2), lambda i: (0, 0)),
            pl.BlockSpec((1, H2), lambda i: (0, 0)),
            pl.BlockSpec((H2, D_OUT), lambda i: (0, 0)),
            pl.BlockSpec((1, D_OUT), lambda i: (0, 0)),
        ],
        out_specs=[
            pl.BlockSpec((EDGE_BLK, D_OUT), lambda i: (i, 0)),
            pl.BlockSpec((EDGE_BLK, 2 * D_OUT), lambda i: (i, 0)),
            pl.BlockSpec((1, 1, D_OUT), lambda i: (i, 0, 0)),
        ],
        out_shape=[
            jax.ShapeDtypeStruct((E, D_OUT), F32),
            jax.ShapeDtypeStruct((E, 2 * D_OUT), F32),
            jax.ShapeDtypeStruct((nblk, 1, D_OUT), F32),
        ],
        compiler_params=pltpu.CompilerParams(
            dimension_semantics=("arbitrary",)),
    )(g, ef, wa, w2, b2, w3, b3)


CS = 40
NCHS = E // CS


def _scatter_body(e_hbm, dst_hbm, out_hbm, id0, id1, rw0, rw1,
                  si0, si1, sr0, sr1, sa0, sa1, acc_sh):
    cid = lax.axis_index("c")
    sid = lax.axis_index("s")
    wid = sid * 2 + cid
    ID, RW = (id0, id1), (rw0, rw1)
    SI, SR, SA = (si0, si1), (sr0, sr1), (sa0, sa1)
    zrows = NPAD // 16
    PT = NCHS // NW

    def zrow(r, _):
        for j in range(8):
            rw0[r, pl.ds(j * 16, 16)] = jnp.zeros((16,), F32)
        return 0

    lax.fori_loop(0, CS, zrow, 0, unroll=2)

    def zcopy(k, _):
        pltpu.sync_copy(rw0, acc_sh.at[pl.ds(sid * zrows + k * CS, CS)])
        return 0

    lax.fori_loop(0, zrows // CS, zcopy, 0)
    plsc.subcore_barrier()

    def ebase(c):
        return (wid + c * NW) * CS

    def issue_loads(c, s):
        pltpu.make_async_copy(dst_hbm.at[pl.ds(ebase(c), CS)], ID[s], SI[s]).start()
        pltpu.make_async_copy(e_hbm.at[pl.ds(ebase(c), CS)], RW[s], SR[s]).start()

    def wait_loads(c, s):
        pltpu.make_async_copy(dst_hbm.at[pl.ds(ebase(c), CS)], ID[s], SI[s]).wait()
        pltpu.make_async_copy(e_hbm.at[pl.ds(ebase(c), CS)], RW[s], SR[s]).wait()

    def issue_scatter(s):
        pltpu.make_async_copy(RW[s], acc_sh.at[ID[s]], SA[s]).start(add=True)

    def wait_scatter(s):
        pltpu.make_async_copy(RW[s], acc_sh.at[ID[s]], SA[s]).wait()

    issue_loads(0, 0)
    issue_loads(1, 1)

    def body(t, _):
        a = 2 * t
        b = a + 1
        wait_loads(a, 0)
        issue_scatter(0)
        wait_loads(b, 1)
        issue_scatter(1)
        wait_scatter(0)

        @pl.when(a + 2 < PT)
        def _la():
            issue_loads(a + 2, 0)

        wait_scatter(1)

        @pl.when(b + 2 < PT)
        def _lb():
            issue_loads(b + 2, 1)

        return 0

    lax.fori_loop(0, PT // 2, body, 0)
    plsc.subcore_barrier()

    @pl.when(sid < 15)
    def _full():
        pltpu.sync_copy(acc_sh.at[pl.ds(sid * zrows, zrows)],
                        out_hbm.at[cid, pl.ds(sid * zrows, zrows)])

    @pl.when(sid == 15)
    def _tail():
        pltpu.sync_copy(acc_sh.at[pl.ds(15 * zrows, N - 15 * zrows)],
                        out_hbm.at[cid, pl.ds(15 * zrows, N - 15 * zrows)])


def _sc_scatter(e_pad, dst):
    mesh = plsc.VectorSubcoreMesh(core_axis_name="c", subcore_axis_name="s")
    fn = functools.partial(
        pl.kernel,
        mesh=mesh,
        out_type=jax.ShapeDtypeStruct((2, N, 2 * D_OUT), F32),
        scratch_types=[
            pltpu.VMEM((CS,), jnp.int32),
            pltpu.VMEM((CS,), jnp.int32),
            pltpu.VMEM((CS, 2 * D_OUT), F32),
            pltpu.VMEM((CS, 2 * D_OUT), F32),
            pltpu.SemaphoreType.DMA,
            pltpu.SemaphoreType.DMA,
            pltpu.SemaphoreType.DMA,
            pltpu.SemaphoreType.DMA,
            pltpu.SemaphoreType.DMA,
            pltpu.SemaphoreType.DMA,
            pltpu.VMEM_SHARED((NPAD, 2 * D_OUT), F32),
        ],
    )(_scatter_body)
    return fn(e_pad, dst)


def _node_body(nf_ref, m0_ref, m1_ref, w1a_ref, w1b_ref, cn_ref,
               w2_ref, b2_ref, w3_ref, b3_ref,
               ecomb_ref, g_ref, wu1_ref, bu1_ref, wu2_ref, bu2_ref,
               wu3_ref, bu3_ref,
               n_ref, uout_ref, ncomb_acc):
    msgs = (m0_ref[...] + m1_ref[...])[:, :D_OUT]
    z = (jnp.dot(nf_ref[...], w1a_ref[...], preferred_element_type=F32)
         + jnp.dot(msgs, w1b_ref[...], preferred_element_type=F32)
         + cn_ref[...])
    h1 = jnp.maximum(z, 0.0)
    h2 = jnp.dot(h1, w2_ref[...], preferred_element_type=F32) + b2_ref[...]
    nn = jnp.dot(jnp.maximum(h2, 0.0), w3_ref[...], preferred_element_type=F32) + b3_ref[...]
    n_ref[...] = nn

    @pl.when(pl.program_id(0) == 0)
    def _init():
        ncomb_acc[...] = jnp.zeros_like(ncomb_acc)

    ncomb_acc[...] += jnp.sum(nn, axis=0, keepdims=True)

    @pl.when(pl.program_id(0) == pl.num_programs(0) - 1)
    def _global():
        ecomb = jnp.sum(ecomb_ref[...], axis=0)
        inp_u = jnp.concatenate(
            [ncomb_acc[...], ecomb, g_ref[...]], axis=-1)
        hu = jnp.maximum(jnp.dot(inp_u, wu1_ref[...], preferred_element_type=F32)
                         + bu1_ref[...], 0.0)
        hu = jnp.dot(hu, wu2_ref[...], preferred_element_type=F32) + bu2_ref[...]
        uout_ref[...] = (jnp.dot(jnp.maximum(hu, 0.0), wu3_ref[...],
                                 preferred_element_type=F32) + bu3_ref[...])


def _tc_node(nf, m0, m1, w1a, w1b, cn, w2, b2, w3, b3,
             ecomb, g, wu1, bu1, wu2, bu2, wu3, bu3):
    nblk = N // NODE_BLK
    full = lambda i: (0, 0)
    return pl.pallas_call(
        _node_body,
        grid=(nblk,),
        in_specs=[
            pl.BlockSpec((NODE_BLK, D_NODE), lambda i: (i, 0)),
            pl.BlockSpec((NODE_BLK, 2 * D_OUT), lambda i: (i, 0)),
            pl.BlockSpec((NODE_BLK, 2 * D_OUT), lambda i: (i, 0)),
            pl.BlockSpec((D_NODE, H1), full),
            pl.BlockSpec((D_OUT, H1), full),
            pl.BlockSpec((1, H1), full),
            pl.BlockSpec((H1, H2), full),
            pl.BlockSpec((1, H2), full),
            pl.BlockSpec((H2, D_OUT), full),
            pl.BlockSpec((1, D_OUT), full),
            pl.BlockSpec((NEBLK, 1, D_OUT), lambda i: (0, 0, 0)),
            pl.BlockSpec((1, D_U), full),
            pl.BlockSpec((2 * D_OUT + D_U, H1), full),
            pl.BlockSpec((1, H1), full),
            pl.BlockSpec((H1, H2), full),
            pl.BlockSpec((1, H2), full),
            pl.BlockSpec((H2, D_OUT), full),
            pl.BlockSpec((1, D_OUT), full),
        ],
        out_specs=[
            pl.BlockSpec((NODE_BLK, D_OUT), lambda i: (i, 0)),
            pl.BlockSpec((1, D_OUT), full),
        ],
        out_shape=[
            jax.ShapeDtypeStruct((N, D_OUT), F32),
            jax.ShapeDtypeStruct((1, D_OUT), F32),
        ],
        scratch_shapes=[pltpu.VMEM((1, D_OUT), F32)],
        compiler_params=pltpu.CompilerParams(
            dimension_semantics=("arbitrary",)),
    )(nf, m0, m1, w1a, w1b, cn, w2, b2, w3, b3,
      ecomb, g, wu1, bu1, wu2, bu2, wu3, bu3)


def kernel(edge_index, edge_feat, node_feat, g_repr,
           We1, be1, We2, be2, We3, be3,
           Wn1, bn1, Wn2, bn2, Wn3, bn3,
           Wu1, bu1, Wu2, bu2, Wu3, bu3):
    src = edge_index[0].astype(jnp.int32)
    dst = edge_index[1].astype(jnp.int32)

    p, q, cn = _precompute(
        node_feat,
        We1[D_EDGE:D_EDGE + D_NODE],
        We1[D_EDGE + D_NODE:D_EDGE + 2 * D_NODE],
        We1[D_EDGE + 2 * D_NODE:],
        be1.reshape(1, -1),
        Wn1[D_NODE + D_OUT:],
        bn1.reshape(1, -1),
        g_repr,
    )

    g = _sc_gather(p, q, src, dst)

    e_new, e_pad, e_comb = _tc_edge(g, edge_feat, We1[:D_EDGE],
                                    We2, be2.reshape(1, -1),
                                    We3, be3.reshape(1, -1))

    msgs2 = _sc_scatter(e_pad, dst)

    n_new, u_out = _tc_node(
        node_feat, msgs2[0], msgs2[1],
        Wn1[:D_NODE], Wn1[D_NODE:D_NODE + D_OUT], cn,
        Wn2, bn2.reshape(1, -1), Wn3, bn3.reshape(1, -1),
        e_comb, g_repr,
        Wu1, bu1.reshape(1, -1), Wu2, bu2.reshape(1, -1),
        Wu3, bu3.reshape(1, -1),
    )
    return (e_new, n_new, u_out)

# --- scband reference (transcript-rebuilt; emitter-appended) ---
"""Pipeline reference for scband-rfmblock-85847806312925 (READ-ONLY COPY).

The authoritative reference and input builder live on the scoring server;
editing this copy changes nothing except your own understanding.
"""

import jax, jax.numpy as jnp
import numpy as np

N = 10000
E = 320000
D_NODE = 128
D_EDGE = 16
D_U = 16
H1 = 128
H2 = 64
D_OUT = 64


def _lin(k, i, o):
    s = 1.0 / np.sqrt(i)
    kw, kb = jax.random.split(k)
    W = jax.random.uniform(kw, (i, o), minval=-s, maxval=s, dtype=jnp.float32)
    b = jax.random.uniform(kb, (o,), minval=-s, maxval=s, dtype=jnp.float32)
    return W, b


def setup_inputs(seed: int = 0) -> dict:
    key = jax.random.key(seed)
    ks = jax.random.split(key, 16)
    inp = {}
    inp['edge_index'] = jax.random.randint(ks[0], (2, E), 0, N, dtype=jnp.int64)
    inp['edge_feat'] = jax.random.normal(ks[1], (E, D_EDGE), dtype=jnp.float32)
    inp['node_feat'] = jax.random.normal(ks[2], (N, D_NODE), dtype=jnp.float32)
    inp['g_repr'] = jax.random.normal(ks[3], (1, D_U), dtype=jnp.float32)
    de_in = D_EDGE + 2 * D_NODE + D_U
    inp['We1'], inp['be1'] = _lin(ks[4], de_in, H1)
    inp['We2'], inp['be2'] = _lin(ks[5], H1, H2)
    inp['We3'], inp['be3'] = _lin(ks[6], H2, D_OUT)
    dn_in = D_NODE + D_U + D_OUT
    inp['Wn1'], inp['bn1'] = _lin(ks[7], dn_in, H1)
    inp['Wn2'], inp['bn2'] = _lin(ks[8], H1, H2)
    inp['Wn3'], inp['bn3'] = _lin(ks[9], H2, D_OUT)
    du_in = 2 * D_OUT + D_U
    inp['Wu1'], inp['bu1'] = _lin(ks[10], du_in, H1)
    inp['Wu2'], inp['bu2'] = _lin(ks[11], H1, H2)
    inp['Wu3'], inp['bu3'] = _lin(ks[12], H2, D_OUT)
    return inp


def reference(edge_index, edge_feat, node_feat, g_repr,
              We1, be1, We2, be2, We3, be3,
              Wn1, bn1, Wn2, bn2, Wn3, bn3,
              Wu1, bu1, Wu2, bu2, Wu3, bu3):
    src = edge_index[0]
    dst = edge_index[1]
    n_edges = edge_feat.shape[0]
    n_nodes = node_feat.shape[0]
    # edge update: fc_edge2(relu(fc_edge(inp))) where fc_edge = Lin->ReLU->Lin
    u_e = jnp.broadcast_to(g_repr, (n_edges, g_repr.shape[1]))
    inp_e = jnp.concatenate([edge_feat, node_feat[src], node_feat[dst], u_e], axis=-1)
    h = jnp.maximum(inp_e @ We1 + be1, 0.0)
    h = h @ We2 + be2
    e_new = jnp.maximum(h, 0.0) @ We3 + be3
    # message passing: copy edge feat, sum at dst (nodes w/o in-edges get 0)
    msgs = jax.ops.segment_sum(e_new, dst, num_segments=n_nodes)
    # node update
    u_n = jnp.broadcast_to(g_repr, (n_nodes, g_repr.shape[1]))
    inp_n = jnp.concatenate([node_feat, msgs, u_n], axis=-1)
    h = jnp.maximum(inp_n @ Wn1 + bn1, 0.0)
    h = h @ Wn2 + bn2
    n_new = jnp.maximum(h, 0.0) @ Wn3 + bn3
    # global (u) update
    e_comb = jnp.sum(e_new, axis=0, keepdims=True)
    n_comb = jnp.sum(n_new, axis=0, keepdims=True)
    inp_u = jnp.concatenate([n_comb, e_comb, g_repr], axis=-1)
    h = jnp.maximum(inp_u @ Wu1 + bu1, 0.0)
    h = h @ Wu2 + bu2
    u_out = jnp.maximum(h, 0.0) @ Wu3 + bu3
    return (e_new, n_new, u_out)

if __name__ == "__main__":
    import jax
    _d = setup_inputs()
    print(jax.jit(kernel)(*tuple(_d.values())))

</pallas_src>

<mosaic_0001>
#map = affine_map<(d0, d1) -> (0, 0)>
#map1 = affine_map<(d0, d1) -> (0)>
module attributes {stable_mosaic.version = 14 : i64} {
  func.func @_gather_body(%arg0: i32, %arg1: i32, %arg2: memref<10000x128xf32, #tpu.memory_space<hbm>>, %arg3: memref<10000x128xf32, #tpu.memory_space<hbm>>, %arg4: memref<320000xi32, #tpu.memory_space<hbm>>, %arg5: memref<320000xi32, #tpu.memory_space<hbm>>, %arg6: memref<320000x128xf32, #tpu.memory_space<hbm>>, %arg7: memref<40xi32, #tpu.memory_space<vmem>>, %arg8: memref<40xi32, #tpu.memory_space<vmem>>, %arg9: memref<40xi32, #tpu.memory_space<vmem>>, %arg10: memref<40xi32, #tpu.memory_space<vmem>>, %arg11: memref<40x128xf32, #tpu.memory_space<vmem>>, %arg12: memref<40x128xf32, #tpu.memory_space<vmem>>, %arg13: memref<40x128xf32, #tpu.memory_space<vmem>>, %arg14: memref<40x128xf32, #tpu.memory_space<vmem>>, %arg15: memref<!tpu.dma_semaphore, #tpu.memory_space<semaphore_mem>>, %arg16: memref<!tpu.dma_semaphore, #tpu.memory_space<semaphore_mem>>, %arg17: memref<!tpu.dma_semaphore, #tpu.memory_space<semaphore_mem>>, %arg18: memref<!tpu.dma_semaphore, #tpu.memory_space<semaphore_mem>>, %arg19: memref<!tpu.dma_semaphore, #tpu.memory_space<semaphore_mem>>, %arg20: memref<!tpu.dma_semaphore, #tpu.memory_space<semaphore_mem>>, %arg21: memref<!tpu.dma_semaphore, #tpu.memory_space<semaphore_mem>>, %arg22: memref<!tpu.dma_semaphore, #tpu.memory_space<semaphore_mem>>) attributes {dimension_semantics = [#tpu.dimension_semantics<core_parallel>, #tpu.dimension_semantics<subcore_parallel>], iteration_bounds = array<i64: 2, 16>, scalar_prefetch = 0 : i64, scratch_operands = 16 : i64, tpu.core_type = #tpu.core_type<sc_vector_subcore>, window_params = [{transform_indices = #map}, {transform_indices = #map}, {transform_indices = #map1}, {transform_indices = #map1}, {transform_indices = #map}]} {
    %mul3A = arith.constant 2 : i32
    %mul3A_0 = arith.muli %arg1, %mul3A : i32
    %add3A = arith.addi %mul3A_0, %arg0 : i32
    %add3A_1 = arith.constant 0 : i32
    %add3A_2 = arith.addi %add3A, %add3A_1 : i32
    %mul3A_3 = arith.constant 40 : i32
    %mul3A_4 = arith.muli %add3A_2, %mul3A_3 : i32
    %dma_start3A = tpu.memref_slice %arg4[%mul3A_4] : memref<320000xi32, #tpu.memory_space<hbm>> -> memref<40xi32, #tpu.memory_space<hbm>>
    %dma_start3A_5 = tpu.memref_slice %arg4[%mul3A_4] : memref<320000xi32, #tpu.memory_space<hbm>> -> memref<40xi32, #tpu.memory_space<hbm>>
    tpu.enqueue_dma source(%dma_start3A_5 : memref<40xi32, #tpu.memory_space<hbm>>) target(%arg7 : memref<40xi32, #tpu.memory_space<vmem>>) target_semaphore(%arg15 : memref<!tpu.dma_semaphore, #tpu.memory_space<semaphore_mem>>)
    %add3A_6 = arith.constant 0 : i32
    %add3A_7 = arith.addi %add3A, %add3A_6 : i32
    %mul3A_8 = arith.constant 40 : i32
    %mul3A_9 = arith.muli %add3A_7, %mul3A_8 : i32
    %dma_start3A_10 = tpu.memref_slice %arg5[%mul3A_9] : memref<320000xi32, #tpu.memory_space<hbm>> -> memref<40xi32, #tpu.memory_space<hbm>>
    %dma_start3A_11 = tpu.memref_slice %arg5[%mul3A_9] : memref<320000xi32, #tpu.memory_space<hbm>> -> memref<40xi32, #tpu.memory_space<hbm>>
    tpu.enqueue_dma source(%dma_start3A_11 : memref<40xi32, #tpu.memory_space<hbm>>) target(%arg9 : memref<40xi32, #tpu.memory_space<vmem>>) target_semaphore(%arg15 : memref<!tpu.dma_semaphore, #tpu.memory_space<semaphore_mem>>)
    %add3A_12 = arith.constant 32 : i32
    %add3A_13 = arith.addi %add3A, %add3A_12 : i32
    %mul3A_14 = arith.constant 40 : i32
    %mul3A_15 = arith.muli %add3A_13, %mul3A_14 : i32
    %dma_start3A_16 = tpu.memref_slice %arg4[%mul3A_15] : memref<320000xi32, #tpu.memory_space<hbm>> -> memref<40xi32, #tpu.memory_space<hbm>>
    %dma_start3A_17 = tpu.memref_slice %arg4[%mul3A_15] : memref<320000xi32, #tpu.memory_space<hbm>> -> memref<40xi32, #tpu.memory_space<hbm>>
    tpu.enqueue_dma source(%dma_start3A_17 : memref<40xi32, #tpu.memory_space<hbm>>) target(%arg8 : memref<40xi32, #tpu.memory_space<vmem>>) target_semaphore(%arg16 : memref<!tpu.dma_semaphore, #tpu.memory_space<semaphore_mem>>)
    %add3A_18 = arith.constant 32 : i32
    %add3A_19 = arith.addi %add3A, %add3A_18 : i32
    %mul3A_20 = arith.constant 40 : i32
    %mul3A_21 = arith.muli %add3A_19, %mul3A_20 : i32
    %dma_start3A_22 = tpu.memref_slice %arg5[%mul3A_21] : memref<320000xi32, #tpu.memory_space<hbm>> -> memref<40xi32, #tpu.memory_space<hbm>>
    %dma_start3A_23 = tpu.memref_slice %arg5[%mul3A_21] : memref<320000xi32, #tpu.memory_space<hbm>> -> memref<40xi32, #tpu.memory_space<hbm>>
    tpu.enqueue_dma source(%dma_start3A_23 : memref<40xi32, #tpu.memory_space<hbm>>) target(%arg10 : memref<40xi32, #tpu.memory_space<vmem>>) target_semaphore(%arg16 : memref<!tpu.dma_semaphore, #tpu.memory_space<semaphore_mem>>)
    %add3A_24 = arith.constant 0 : i32
    %add3A_25 = arith.addi %add3A, %add3A_24 : i32
    %mul3A_26 = arith.constant 40 : i32
    %mul3A_27 = arith.muli %add3A_25, %mul3A_26 : i32
    %dma_wait3A = tpu.memref_slice %arg4[%mul3A_27] : memref<320000xi32, #tpu.memory_space<hbm>> -> memref<40xi32, #tpu.memory_space<hbm>>
    %dma_wait3A_28 = tpu.memref_slice %arg4[%mul3A_27] : memref<320000xi32, #tpu.memory_space<hbm>> -> memref<40xi32, #tpu.memory_space<hbm>>
    tpu.wait_dma2 semaphore(%arg15 : memref<!tpu.dma_semaphore, #tpu.memory_space<semaphore_mem>>) src(%dma_wait3A_28 : memref<40xi32, #tpu.memory_space<hbm>>) dst(%arg7 : memref<40xi32, #tpu.memory_space<vmem>>)
    %add3A_29 = arith.constant 0 : i32
    %add3A_30 = arith.addi %add3A, %add3A_29 : i32
    %mul3A_31 = arith.constant 40 : i32
    %mul3A_32 = arith.muli %add3A_30, %mul3A_31 : i32
    %dma_wait3A_33 = tpu.memref_slice %arg5[%mul3A_32] : memref<320000xi32, #tpu.memory_space<hbm>> -> memref<40xi32, #tpu.memory_space<hbm>>
    %dma_wait3A_34 = tpu.memref_slice %arg5[%mul3A_32] : memref<320000xi32, #tpu.memory_space<hbm>> -> memref<40xi32, #tpu.memory_space<hbm>>
    tpu.wait_dma2 semaphore(%arg15 : memref<!tpu.dma_semaphore, #tpu.memory_space<semaphore_mem>>) src(%dma_wait3A_34 : memref<40xi32, #tpu.memory_space<hbm>>) dst(%arg9 : memref<40xi32, #tpu.memory_space<vmem>>)
    %dma_start3A_35 = arith.constant 0 : i32
    %dma_start3A_36 = arith.constant 0 : i32
    %dma_start3A_37 = tpu.memref_slice %arg2[%dma_start3A_35, %dma_start3A_36] : memref<10000x128xf32, #tpu.memory_space<hbm>> -> memref<10000x128xf32, #tpu.memory_space<hbm>>
    tpu.enqueue_indirect_dma source(%dma_start3A_37 : memref<10000x128xf32, #tpu.memory_space<hbm>>) target(%arg11 : memref<40x128xf32, #tpu.memory_space<vmem>>) offsets(%arg7 : memref<40xi32, #tpu.memory_space<vmem>>) semaphore(%arg17 : memref<!tpu.dma_semaphore, #tpu.memory_space<semaphore_mem>>)
    %dma_start3A_38 = arith.constant 0 : i32
    %dma_start3A_39 = arith.constant 0 : i32
    %dma_start3A_40 = tpu.memref_slice %arg3[%dma_start3A_38, %dma_start3A_39] : memref<10000x128xf32, #tpu.memory_space<hbm>> -> memref<10000x128xf32, #tpu.memory_space<hbm>>
    tpu.enqueue_indirect_dma source(%dma_start3A_40 : memref<10000x128xf32, #tpu.memory_space<hbm>>) target(%arg12 : memref<40x128xf32, #tpu.memory_space<vmem>>) offsets(%arg9 : memref<40xi32, #tpu.memory_space<vmem>>) semaphore(%arg19 : memref<!tpu.dma_semaphore, #tpu.memory_space<semaphore_mem>>)
    %scan3A = arith.constant 0 : i32
    %scan3A_41 = arith.constant 0 : i32
    %scan3A_42 = arith.constant 125 : i32
    %scan3A_43 = arith.addi %scan3A_41, %scan3A_42 : i32
    %scan3A_44 = arith.constant 1 : i32
    %scan3A_45 = scf.for %scan3A_63 = %scan3A_41 to %scan3A_43 step %scan3A_44 iter_args(%scan3A_64 = %scan3A) -> (i32)  : i32 {
      %mul3A_65 = arith.constant 2 : i32
      %mul3A_66 = arith.muli %mul3A_65, %scan3A_63 : i32
      %add3A_67 = arith.constant 1 : i32
      %add3A_68 = arith.addi %mul3A_66, %add3A_67 : i32
      %mul3A_69 = arith.constant 32 : i32
      %mul3A_70 = arith.muli %add3A_68, %mul3A_69 : i32
      %add3A_71 = arith.addi %add3A, %mul3A_70 : i32
      %mul3A_72 = arith.constant 40 : i32
      %mul3A_73 = arith.muli %add3A_71, %mul3A_72 : i32
      %dma_wait3A_74 = tpu.memref_slice %arg4[%mul3A_73] : memref<320000xi32, #tpu.memory_space<hbm>> -> memref<40xi32, #tpu.memory_space<hbm>>
      %dma_wait3A_75 = tpu.memref_slice %arg4[%mul3A_73] : memref<320000xi32, #tpu.memory_space<hbm>> -> memref<40xi32, #tpu.memory_space<hbm>>
      tpu.wait_dma2 semaphore(%arg16 : memref<!tpu.dma_semaphore, #tpu.memory_space<semaphore_mem>>) src(%dma_wait3A_75 : memref<40xi32, #tpu.memory_space<hbm>>) dst(%arg8 : memref<40xi32, #tpu.memory_space<vmem>>)
      %mul3A_76 = arith.constant 32 : i32
      %mul3A_77 = arith.muli %add3A_68, %mul3A_76 : i32
      %add3A_78 = arith.addi %add3A, %mul3A_77 : i32
      %mul3A_79 = arith.constant 40 : i32
      %mul3A_80 = arith.muli %add3A_78, %mul3A_79 : i32
      %dma_wait3A_81 = tpu.memref_slice %arg5[%mul3A_80] : memref<320000xi32, #tpu.memory_space<hbm>> -> memref<40xi32, #tpu.memory_space<hbm>>
      %dma_wait3A_82 = tpu.memref_slice %arg5[%mul3A_80] : memref<320000xi32, #tpu.memory_space<hbm>> -> memref<40xi32, #tpu.memory_space<hbm>>
      tpu.wait_dma2 semaphore(%arg16 : memref<!tpu.dma_semaphore, #tpu.memory_space<semaphore_mem>>) src(%dma_wait3A_82 : memref<40xi32, #tpu.memory_space<hbm>>) dst(%arg10 : memref<40xi32, #tpu.memory_space<vmem>>)
      %gt3A = arith.constant 0 : i32
      %gt3A_83 = arith.cmpi sgt, %scan3A_63, %gt3A : i32
      %convert_element_type3A = arith.extui %gt3A_83 : i1 to i32
      %cond3A = arith.constant 0 : i32
      %cond3A_84 = arith.cmpi ne, %convert_element_type3A, %cond3A : i32
      scf.if %cond3A_84 {
        %sub3A = arith.constant 2 : i32
        %sub3A_156 = arith.subi %add3A_68, %sub3A : i32
        %mul3A_157 = arith.constant 32 : i32
        %mul3A_158 = arith.muli %sub3A_156, %mul3A_157 : i32
        %add3A_159 = arith.addi %add3A, %mul3A_158 : i32
        %mul3A_160 = arith.constant 40 : i32
        %mul3A_161 = arith.muli %add3A_159, %mul3A_160 : i32
        %dma_wait3A_162 = arith.constant 0 : i32
        %dma_wait3A_163 = tpu.memref_slice %arg6[%mul3A_161, %dma_wait3A_162] : memref<320000x128xf32, #tpu.memory_space<hbm>> -> memref<40x128xf32, #tpu.memory_space<hbm>>
        %dma_wait3A_164 = arith.constant 0 : i32
        %dma_wait3A_165 = tpu.memref_slice %arg6[%mul3A_161, %dma_wait3A_164] : memref<320000x128xf32, #tpu.memory_space<hbm>> -> memref<40x128xf32, #tpu.memory_space<hbm>>
        tpu.wait_dma2 semaphore(%arg22 : memref<!tpu.dma_semaphore, #tpu.memory_space<semaphore_mem>>) src(%arg13 : memref<40x128xf32, #tpu.memory_space<vmem>>) dst(%dma_wait3A_165 : memref<40x128xf32, #tpu.memory_space<hbm>>)
      } else {
      }
      %dma_start3A_85 = arith.constant 0 : i32
      %dma_start3A_86 = arith.constant 0 : i32
      %dma_start3A_87 = tpu.memref_slice %arg2[%dma_start3A_85, %dma_start3A_86] : memref<10000x128xf32, #tpu.memory_space<hbm>> -> memref<10000x128xf32, #tpu.memory_space<hbm>>
      tpu.enqueue_indirect_dma source(%dma_start3A_87 : memref<10000x128xf32, #tpu.memory_space<hbm>>) target(%arg13 : memref<40x128xf32, #tpu.memory_space<vmem>>) offsets(%arg8 : memref<40xi32, #tpu.memory_space<vmem>>) semaphore(%arg18 : memref<!tpu.dma_semaphore, #tpu.memory_space<semaphore_mem>>)
      %dma_start3A_88 = arith.constant 0 : i32
      %dma_start3A_89 = arith.constant 0 : i32
      %dma_start3A_90 = tpu.memref_slice %arg3[%dma_start3A_88, %dma_start3A_89] : memref<10000x128xf32, #tpu.memory_space<hbm>> -> memref<10000x128xf32, #tpu.memory_space<hbm>>
      tpu.enqueue_indirect_dma source(%dma_start3A_90 : memref<10000x128xf32, #tpu.memory_space<hbm>>) target(%arg14 : memref<40x128xf32, #tpu.memory_space<vmem>>) offsets(%arg10 : memref<40xi32, #tpu.memory_space<vmem>>) semaphore(%arg20 : memref<!tpu.dma_semaphore, #tpu.memory_space<semaphore_mem>>)
      %dma_wait3A_91 = arith.constant 0 : i32
      %dma_wait3A_92 = arith.constant 0 : i32
      %dma_wait3A_93 = tpu.memref_slice %arg2[%dma_wait3A_91, %dma_wait3A_92] : memref<10000x128xf32, #tpu.memory_space<hbm>> -> memref<10000x128xf32, #tpu.memory_space<hbm>>
      tpu.wait_indirect_dma semaphore(%arg17 : memref<!tpu.dma_semaphore, #tpu.memory_space<semaphore_mem>>) src(%dma_wait3A_93 : memref<10000x128xf32, #tpu.memory_space<hbm>>) dst(%arg11 : memref<40x128xf32, #tpu.memory_space<vmem>>)
      %dma_wait3A_94 = arith.constant 0 : i32
      %dma_wait3A_95 = arith.constant 0 : i32
      %dma_wait3A_96 = tpu.memref_slice %arg3[%dma_wait3A_94, %dma_wait3A_95] : memref<10000x128xf32, #tpu.memory_space<hbm>> -> memref<10000x128xf32, #tpu.memory_space<hbm>>
      tpu.wait_indirect_dma semaphore(%arg19 : memref<!tpu.dma_semaphore, #tpu.memory_space<semaphore_mem>>) src(%dma_wait3A_96 : memref<10000x128xf32, #tpu.memory_space<hbm>>) dst(%arg12 : memref<40x128xf32, #tpu.memory_space<vmem>>)
      %add3A_97 = arith.constant 2 : i32
      %add3A_98 = arith.addi %mul3A_66, %add3A_97 : i32
      %lt3A = arith.constant 250 : i32
      %lt3A_99 = arith.cmpi slt, %add3A_98, %lt3A : i32
      %convert_element_type3A_100 = arith.extui %lt3A_99 : i1 to i32
      %cond3A_101 = arith.constant 0 : i32
      %cond3A_102 = arith.cmpi ne, %convert_element_type3A_100, %cond3A_101 : i32
      scf.if %cond3A_102 {
        %add3A_156 = arith.constant 2 : i32
        %add3A_157 = arith.addi %mul3A_66, %add3A_156 : i32
        %mul3A_158 = arith.constant 32 : i32
        %mul3A_159 = arith.muli %add3A_157, %mul3A_158 : i32
        %add3A_160 = arith.addi %add3A, %mul3A_159 : i32
        %mul3A_161 = arith.constant 40 : i32
        %mul3A_162 = arith.muli %add3A_160, %mul3A_161 : i32
        %dma_start3A_163 = tpu.memref_slice %arg4[%mul3A_162] : memref<320000xi32, #tpu.memory_space<hbm>> -> memref<40xi32, #tpu.memory_space<hbm>>
        %dma_start3A_164 = tpu.memref_slice %arg4[%mul3A_162] : memref<320000xi32, #tpu.memory_space<hbm>> -> memref<40xi32, #tpu.memory_space<hbm>>
        tpu.enqueue_dma source(%dma_start3A_164 : memref<40xi32, #tpu.memory_space<hbm>>) target(%arg7 : memref<40xi32, #tpu.memory_space<vmem>>) target_semaphore(%arg15 : memref<!tpu.dma_semaphore, #tpu.memory_space<semaphore_mem>>)
        %mul3A_165 = arith.constant 32 : i32
        %mul3A_166 = arith.muli %add3A_157, %mul3A_165 : i32
        %add3A_167 = arith.addi %add3A, %mul3A_166 : i32
        %mul3A_168 = arith.constant 40 : i32
        %mul3A_169 = arith.muli %add3A_167, %mul3A_168 : i32
        %dma_start3A_170 = tpu.memref_slice %arg5[%mul3A_169] : memref<320000xi32, #tpu.memory_space<hbm>> -> memref<40xi32, #tpu.memory_space<hbm>>
        %dma_start3A_171 = tpu.memref_slice %arg5[%mul3A_169] : memref<320000xi32, #tpu.memory_space<hbm>> -> memref<40xi32, #tpu.memory_space<hbm>>
        tpu.enqueue_dma source(%dma_start3A_171 : memref<40xi32, #tpu.memory_space<hbm>>) target(%arg9 : memref<40xi32, #tpu.memory_space<vmem>>) target_semaphore(%arg15 : memref<!tpu.dma_semaphore, #tpu.memory_space<semaphore_mem>>)
      } else {
      }
      %scan3A_103 = arith.constant 0 : i32
      %scan3A_104 = arith.constant 0 : i32
      %scan3A_105 = arith.constant 40 : i32
      %scan3A_106 = arith.addi %scan3A_104, %scan3A_105 : i32
      %scan3A_107 = arith.constant 2 : i32
      %scan3A_108 = scf.for %scan3A_156 = %scan3A_104 to %scan3A_106 step %scan3A_107 iter_args(%scan3A_157 = %scan3A_103) -> (i32)  : i32 {
        %get3A = arith.index_cast %scan3A_156 : i32 to index
        %get3A_158 = arith.constant 0 : index
        %get3A_159 = tpu.vector_load %arg11[%get3A, %get3A_158] {strides = array<i32>} : memref<40x128xf32, #tpu.memory_space<vmem>>, vector<1x16xf32>,
        %get3A_160 = vector.shape_cast %get3A_159 : vector<1x16xf32> to vector<16xf32>
        %get3A_161 = arith.index_cast %scan3A_156 : i32 to index
        %get3A_162 = arith.constant 0 : index
        %get3A_163 = tpu.vector_load %arg12[%get3A_161, %get3A_162] {strides = array<i32>} : memref<40x128xf32, #tpu.memory_space<vmem>>, vector<1x16xf32>,
        %get3A_164 = vector.shape_cast %get3A_163 : vector<1x16xf32> to vector<16xf32>
        %add3A_165 = arith.addf %get3A_160, %get3A_164 : vector<16xf32>
        %swap3A = arith.index_cast %scan3A_156 : i32 to index
        %swap3A_166 = arith.constant 0 : index
        %swap3A_167 = tpu.vector_load %arg11[%swap3A, %swap3A_166] {strides = array<i32>} : memref<40x128xf32, #tpu.memory_space<vmem>>, vector<1x16xf32>,
        %swap3A_168 = vector.shape_cast %swap3A_167 : vector<1x16xf32> to vector<16xf32>
        %swap3A_169 = vector.shape_cast %add3A_165 : vector<16xf32> to vector<1x16xf32>
        tpu.vector_store %arg11[%swap3A, %swap3A_166], %swap3A_169 {strides = array<i32>} : memref<40x128xf32, #tpu.memory_space<vmem>>, vector<1x16xf32>,
        %get3A_170 = arith.index_cast %scan3A_156 : i32 to index
        %get3A_171 = arith.constant 16 : index
        %get3A_172 = tpu.vector_load %arg11[%get3A_170, %get3A_171] {strides = array<i32>} : memref<40x128xf32, #tpu.memory_space<vmem>>, vector<1x16xf32>,
        %get3A_173 = vector.shape_cast %get3A_172 : vector<1x16xf32> to vector<16xf32>
        %get3A_174 = arith.index_cast %scan3A_156 : i32 to index
        %get3A_175 = arith.constant 16 : index
        %get3A_176 = tpu.vector_load %arg12[%get3A_174, %get3A_175] {strides = array<i32>} : memref<40x128xf32, #tpu.memory_space<vmem>>, vector<1x16xf32>,
        %get3A_177 = vector.shape_cast %get3A_176 : vector<1x16xf32> to vector<16xf32>
        %add3A_178 = arith.addf %get3A_173, %get3A_177 : vector<16xf32>
        %swap3A_179 = arith.index_cast %scan3A_156 : i32 to index
        %swap3A_180 = arith.constant 16 : index
        %swap3A_181 = tpu.vector_load %arg11[%swap3A_179, %swap3A_180] {strides = array<i32>} : memref<40x128xf32, #tpu.memory_space<vmem>>, vector<1x16xf32>,
        %swap3A_182 = vector.shape_cast %swap3A_181 : vector<1x16xf32> to vector<16xf32>
        %swap3A_183 = vector.shape_cast %add3A_178 : vector<16xf32> to vector<1x16xf32>
        tpu.vector_store %arg11[%swap3A_179, %swap3A_180], %swap3A_183 {strides = array<i32>} : memref<40x128xf32, #tpu.memory_space<vmem>>, vector<1x16xf32>,
        %get3A_184 = arith.index_cast %scan3A_156 : i32 to index
        %get3A_185 = arith.constant 32 : index
        %get3A_186 = tpu.vector_load %arg11[%get3A_184, %get3A_185] {strides = array<i32>} : memref<40x128xf32, #tpu.memory_space<vmem>>, vector<1x16xf32>,
        %get3A_187 = vector.shape_cast %get3A_186 : vector<1x16xf32> to vector<16xf32>
        %get3A_188 = arith.index_cast %scan3A_156 : i32 to index
        %get3A_189 = arith.constant 32 : index
        %get3A_190 = tpu.vector_load %arg12[%get3A_188, %get3A_189] {strides = array<i32>} : memref<40x128xf32, #tpu.memory_space<vmem>>, vector<1x16xf32>,
        %get3A_191 = vector.shape_cast %get3A_190 : vector<1x16xf32> to vector<16xf32>
        %add3A_192 = arith.addf %get3A_187, %get3A_191 : vector<16xf32>
        %swap3A_193 = arith.index_cast %scan3A_156 : i32 to index
        %swap3A_194 = arith.constant 32 : index
        %swap3A_195 = tpu.vector_load %arg11[%swap3A_193, %swap3A_194] {strides = array<i32>} : memref<40x128xf32, #tpu.memory_space<vmem>>, vector<1x16xf32>,
        %swap3A_196 = vector.shape_cast %swap3A_195 : vector<1x16xf32> to vector<16xf32>
        %swap3A_197 = vector.shape_cast %add3A_192 : vector<16xf32> to vector<1x16xf32>
        tpu.vector_store %arg11[%swap3A_193, %swap3A_194], %swap3A_197 {strides = array<i32>} : memref<40x128xf32, #tpu.memory_space<vmem>>, vector<1x16xf32>,
        %get3A_198 = arith.index_cast %scan3A_156 : i32 to index
        %get3A_199 = arith.constant 48 : index
        %get3A_200 = tpu.vector_load %arg11[%get3A_198, %get3A_199] {strides = array<i32>} : memref<40x128xf32, #tpu.memory_space<vmem>>, vector<1x16xf32>,
        %get3A_201 = vector.shape_cast %get3A_200 : vector<1x16xf32> to vector<16xf32>
        %get3A_202 = arith.index_cast %scan3A_156 : i32 to index
        %get3A_203 = arith.constant 48 : index
        %get3A_204 = tpu.vector_load %arg12[%get3A_202, %get3A_203] {strides = array<i32>} : memref<40x128xf32, #tpu.memory_space<vmem>>, vector<1x16xf32>,
        %get3A_205 = vector.shape_cast %get3A_204 : vector<1x16xf32> to vector<16xf32>
        %add3A_206 = arith.addf %get3A_201, %get3A_205 : vector<16xf32>
        %swap3A_207 = arith.index_cast %scan3A_156 : i32 to index
        %swap3A_208 = arith.constant 48 : index
        %swap3A_209 = tpu.vector_load %arg11[%swap3A_207, %swap3A_208] {strides = array<i32>} : memref<40x128xf32, #tpu.memory_space<vmem>>, vector<1x16xf32>,
        %swap3A_210 = vector.shape_cast %swap3A_209 : vector<1x16xf32> to vector<16xf32>
        %swap3A_211 = vector.shape_cast %add3A_206 : vector<16xf32> to vector<1x16xf32>
        tpu.vector_store %arg11[%swap3A_207, %swap3A_208], %swap3A_211 {strides = array<i32>} : memref<40x128xf32, #tpu.memory_space<vmem>>, vector<1x16xf32>,
        %get3A_212 = arith.index_cast %scan3A_156 : i32 to index
        %get3A_213 = arith.constant 64 : index
        %get3A_214 = tpu.vector_load %arg11[%get3A_212, %get3A_213] {strides = array<i32>} : memref<40x128xf32, #tpu.memory_space<vmem>>, vector<1x16xf32>,
        %get3A_215 = vector.shape_cast %get3A_214 : vector<1x16xf32> to vector<16xf32>
        %get3A_216 = arith.index_cast %scan3A_156 : i32 to index
        %get3A_217 = arith.constant 64 : index
        %get3A_218 = tpu.vector_load %arg12[%get3A_216, %get3A_217] {strides = array<i32>} : memref<40x128xf32, #tpu.memory_space<vmem>>, vector<1x16xf32>,
        %get3A_219 = vector.shape_cast %get3A_218 : vector<1x16xf32> to vector<16xf32>
        %add3A_220 = arith.addf %get3A_215, %get3A_219 : vector<16xf32>
        %swap3A_221 = arith.index_cast %scan3A_156 : i32 to index
        %swap3A_222 = arith.constant 64 : index
        %swap3A_223 = tpu.vector_load %arg11[%swap3A_221, %swap3A_222] {strides = array<i32>} : memref<40x128xf32, #tpu.memory_space<vmem>>, vector<1x16xf32>,
        %swap3A_224 = vector.shape_cast %swap3A_223 : vector<1x16xf32> to vector<16xf32>
        %swap3A_225 = vector.shape_cast %add3A_220 : vector<16xf32> to vector<1x16xf32>
        tpu.vector_store %arg11[%swap3A_221, %swap3A_222], %swap3A_225 {strides = array<i32>} : memref<40x128xf32, #tpu.memory_space<vmem>>, vector<1x16xf32>,
        %get3A_226 = arith.index_cast %scan3A_156 : i32 to index
        %get3A_227 = arith.constant 80 : index
        %get3A_228 = tpu.vector_load %arg11[%get3A_226, %get3A_227] {strides = array<i32>} : memref<40x128xf32, #tpu.memory_space<vmem>>, vector<1x16xf32>,
        %get3A_229 = vector.shape_cast %get3A_228 : vector<1x16xf32> to vector<16xf32>
        %get3A_230 = arith.index_cast %scan3A_156 : i32 to index
        %get3A_231 = arith.constant 80 : index
        %get3A_232 = tpu.vector_load %arg12[%get3A_230, %get3A_231] {strides = array<i32>} : memref<40x128xf32, #tpu.memory_space<vmem>>, vector<1x16xf32>,
        %get3A_233 = vector.shape_cast %get3A_232 : vector<1x16xf32> to vector<16xf32>
        %add3A_234 = arith.addf %get3A_229, %get3A_233 : vector<16xf32>
        %swap3A_235 = arith.index_cast %scan3A_156 : i32 to index
        %swap3A_236 = arith.constant 80 : index
        %swap3A_237 = tpu.vector_load %arg11[%swap3A_235, %swap3A_236] {strides = array<i32>} : memref<40x128xf32, #tpu.memory_space<vmem>>, vector<1x16xf32>,
        %swap3A_238 = vector.shape_cast %swap3A_237 : vector<1x16xf32> to vector<16xf32>
        %swap3A_239 = vector.shape_cast %add3A_234 : vector<16xf32> to vector<1x16xf32>
        tpu.vector_store %arg11[%swap3A_235, %swap3A_236], %swap3A_239 {strides = array<i32>} : memref<40x128xf32, #tpu.memory_space<vmem>>, vector<1x16xf32>,
        %get3A_240 = arith.index_cast %scan3A_156 : i32 to index
        %get3A_241 = arith.constant 96 : index
        %get3A_242 = tpu.vector_load %arg11[%get3A_240, %get3A_241] {strides = array<i32>} : memref<40x128xf32, #tpu.memory_space<vmem>>, vector<1x16xf32>,
        %get3A_243 = vector.shape_cast %get3A_242 : vector<1x16xf32> to vector<16xf32>
        %get3A_244 = arith.index_cast %scan3A_156 : i32 to index
        %get3A_245 = arith.constant 96 : index
        %get3A_246 = tpu.vector_load %arg12[%get3A_244, %get3A_245] {strides = array<i32>} : memref<40x128xf32, #tpu.memory_space<vmem>>, vector<1x16xf32>,
        %get3A_247 = vector.shape_cast %get3A_246 : vector<1x16xf32> to vector<16xf32>
        %add3A_248 = arith.addf %get3A_243, %get3A_247 : vector<16xf32>
        %swap3A_249 = arith.index_cast %scan3A_156 : i32 to index
        %swap3A_250 = arith.constant 96 : index
        %swap3A_251 = tpu.vector_load %arg11[%swap3A_249, %swap3A_250] {strides = array<i32>} : memref<40x128xf32, #tpu.memory_space<vmem>>, vector<1x16xf32>,
        %swap3A_252 = vector.shape_cast %swap3A_251 : vector<1x16xf32> to vector<16xf32>
        %swap3A_253 = vector.shape_cast %add3A_248 : vector<16xf32> to vector<1x16xf32>
        tpu.vector_store %arg11[%swap3A_249, %swap3A_250], %swap3A_253 {strides = array<i32>} : memref<40x128xf32, #tpu.memory_space<vmem>>, vector<1x16xf32>,
        %get3A_254 = arith.index_cast %scan3A_156 : i32 to index
        %get3A_255 = arith.constant 112 : index
        %get3A_256 = tpu.vector_load %arg11[%get3A_254, %get3A_255] {strides = array<i32>} : memref<40x128xf32, #tpu.memory_space<vmem>>, vector<1x16xf32>,
        %get3A_257 = vector.shape_cast %get3A_256 : vector<1x16xf32> to vector<16xf32>
        %get3A_258 = arith.index_cast %scan3A_156 : i32 to index
        %get3A_259 = arith.constant 112 : index
        %get3A_260 = tpu.vector_load %arg12[%get3A_258, %get3A_259] {strides = array<i32>} : memref<40x128xf32, #tpu.memory_space<vmem>>, vector<1x16xf32>,
        %get3A_261 = vector.shape_cast %get3A_260 : vector<1x16xf32> to vector<16xf32>
        %add3A_262 = arith.addf %get3A_257, %get3A_261 : vector<16xf32>
        %swap3A_263 = arith.index_cast %scan3A_156 : i32 to index
        %swap3A_264 = arith.constant 112 : index
        %swap3A_265 = tpu.vector_load %arg11[%swap3A_263, %swap3A_264] {strides = array<i32>} : memref<40x128xf32, #tpu.memory_space<vmem>>, vector<1x16xf32>,
        %swap3A_266 = vector.shape_cast %swap3A_265 : vector<1x16xf32> to vector<16xf32>
        %swap3A_267 = vector.shape_cast %add3A_262 : vector<16xf32> to vector<1x16xf32>
        tpu.vector_store %arg11[%swap3A_263, %swap3A_264], %swap3A_267 {strides = array<i32>} : memref<40x128xf32, #tpu.memory_space<vmem>>, vector<1x16xf32>,
        %scan3A_268 = arith.constant 0 : i32
        %scan3A_269 = arith.constant 1 : i32
        %scan3A_270 = arith.addi %scan3A_156, %scan3A_269 : i32
        %get3A_271 = arith.index_cast %scan3A_270 : i32 to index
        %get3A_272 = arith.constant 0 : index
        %get3A_273 = tpu.vector_load %arg11[%get3A_271, %get3A_272] {strides = array<i32>} : memref<40x128xf32, #tpu.memory_space<vmem>>, vector<1x16xf32>,
        %get3A_274 = vector.shape_cast %get3A_273 : vector<1x16xf32> to vector<16xf32>
        %get3A_275 = arith.index_cast %scan3A_270 : i32 to index
        %get3A_276 = arith.constant 0 : index
        %get3A_277 = tpu.vector_load %arg12[%get3A_275, %get3A_276] {strides = array<i32>} : memref<40x128xf32, #tpu.memory_space<vmem>>, vector<1x16xf32>,
        %get3A_278 = vector.shape_cast %get3A_277 : vector<1x16xf32> to vector<16xf32>
        %add3A_279 = arith.addf %get3A_274, %get3A_278 : vector<16xf32>
        %swap3A_280 = arith.index_cast %scan3A_270 : i32 to index
        %swap3A_281 = arith.constant 0 : index
        %swap3A_282 = tpu.vector_load %arg11[%swap3A_280, %swap3A_281] {strides = array<i32>} : memref<40x128xf32, #tpu.memory_space<vmem>>, vector<1x16xf32>,
        %swap3A_283 = vector.shape_cast %swap3A_282 : vector<1x16xf32> to vector<16xf32>
        %swap3A_284 = vector.shape_cast %add3A_279 : vector<16xf32> to vector<1x16xf32>
        tpu.vector_store %arg11[%swap3A_280, %swap3A_281], %swap3A_284 {strides = array<i32>} : memref<40x128xf32, #tpu.memory_space<vmem>>, vector<1x16xf32>,
        %get3A_285 = arith.index_cast %scan3A_270 : i32 to index
        %get3A_286 = arith.constant 16 : index
        %get3A_287 = tpu.vector_load %arg11[%get3A_285, %get3A_286] {strides = array<i32>} : memref<40x128xf32, #tpu.memory_space<vmem>>, vector<1x16xf32>,
        %get3A_288 = vector.shape_cast %get3A_287 : vector<1x16xf32> to vector<16xf32>
        %get3A_289 = arith.index_cast %scan3A_270 : i32 to index
        %get3A_290 = arith.constant 16 : index
        %get3A_291 = tpu.vector_load %arg12[%get3A_289, %get3A_290] {strides = array<i32>} : memref<40x128xf32, #tpu.memory_space<vmem>>, vector<1x16xf32>,
        %get3A_292 = vector.shape_cast %get3A_291 : vector<1x16xf32> to vector<16xf32>
        %add3A_293 = arith.addf %get3A_288, %get3A_292 : vector<16xf32>
        %swap3A_294 = arith.index_cast %scan3A_270 : i32 to index
        %swap3A_295 = arith.constant 16 : index
        %swap3A_296 = tpu.vector_load %arg11[%swap3A_294, %swap3A_295] {strides = array<i32>} : memref<40x128xf32, #tpu.memory_space<vmem>>, vector<1x16xf32>,
        %swap3A_297 = vector.shape_cast %swap3A_296 : vector<1x16xf32> to vector<16xf32>
        %swap3A_298 = vector.shape_cast %add3A_293 : vector<16xf32> to vector<1x16xf32>
        tpu.vector_store %arg11[%swap3A_294, %swap3A_295], %swap3A_298 {strides = array<i32>} : memref<40x128xf32, #tpu.memory_space<vmem>>, vector<1x16xf32>,
        %get3A_299 = arith.index_cast %scan3A_270 : i32 to index
        %get3A_300 = arith.constant 32 : index
        %get3A_301 = tpu.vector_load %arg11[%get3A_299, %get3A_300] {strides = array<i32>} : memref<40x128xf32, #tpu.memory_space<vmem>>, vector<1x16xf32>,
        %get3A_302 = vector.shape_cast %get3A_301 : vector<1x16xf32> to vector<16xf32>
        %get3A_303 = arith.index_cast %scan3A_270 : i32 to index
        %get3A_304 = arith.constant 32 : index
        %get3A_305 = tpu.vector_load %arg12[%get3A_303, %get3A_304] {strides = array<i32>} : memref<40x128xf32, #tpu.memory_space<vmem>>, vector<1x16xf32>,
        %get3A_306 = vector.shape_cast %get3A_305 : vector<1x16xf32> to vector<16xf32>
        %add3A_307 = arith.addf %get3A_302, %get3A_306 : vector<16xf32>
        %swap3A_308 = arith.index_cast %scan3A_270 : i32 to index
        %swap3A_309 = arith.constant 32 : index
        %swap3A_310 = tpu.vector_load %arg11[%swap3A_308, %swap3A_309] {strides = array<i32>} : memref<40x128xf32, #tpu.memory_space<vmem>>, vector<1x16xf32>,
        %swap3A_311 = vector.shape_cast %swap3A_310 : vector<1x16xf32> to vector<16xf32>
        %swap3A_312 = vector.shape_cast %add3A_307 : vector<16xf32> to vector<1x16xf32>
        tpu.vector_store %arg11[%swap3A_308, %swap3A_309], %swap3A_312 {strides = array<i32>} : memref<40x128xf32, #tpu.memory_space<vmem>>, vector<1x16xf32>,
        %get3A_313 = arith.index_cast %scan3A_270 : i32 to index
        %get3A_314 = arith.constant 48 : index
        %get3A_315 = tpu.vector_load %arg11[%get3A_313, %get3A_314] {strides = array<i32>} : memref<40x128xf32, #tpu.memory_space<vmem>>, vector<1x16xf32>,
        %get3A_316 = vector.shape_cast %get3A_315 : vector<1x16xf32> to vector<16xf32>
        %get3A_317 = arith.index_cast %scan3A_270 : i32 to index
        %get3A_318 = arith.constant 48 : index
        %get3A_319 = tpu.vector_load %arg12[%get3A_317, %get3A_318] {strides = array<i32>} : memref<40x128xf32, #tpu.memory_space<vmem>>, vector<1x16xf32>,
        %get3A_320 = vector.shape_cast %get3A_319 : vector<1x16xf32> to vector<16xf32>
        %add3A_321 = arith.addf %get3A_316, %get3A_320 : vector<16xf32>
        %swap3A_322 = arith.index_cast %scan3A_270 : i32 to index
        %swap3A_323 = arith.constant 48 : index
        %swap3A_324 = tpu.vector_load %arg11[%swap3A_322, %swap3A_323] {strides = array<i32>} : memref<40x128xf32, #tpu.memory_space<vmem>>, vector<1x16xf32>,
        %swap3A_325 = vector.shape_cast %swap3A_324 : vector<1x16xf32> to vector<16xf32>
        %swap3A_326 = vector.shape_cast %add3A_321 : vector<16xf32> to vector<1x16xf32>
        tpu.vector_store %arg11[%swap3A_322, %swap3A_323], %swap3A_326 {strides = array<i32>} : memref<40x128xf32, #tpu.memory_space<vmem>>, vector<1x16xf32>,
        %get3A_327 = arith.index_cast %scan3A_270 : i32 to index
        %get3A_328 = arith.constant 64 : index
        %get3A_329 = tpu.vector_load %arg11[%get3A_327, %get3A_328] {strides = array<i32>} : memref<40x128xf32, #tpu.memory_space<vmem>>, vector<1x16xf32>,
        %get3A_330 = vector.shape_cast %get3A_329 : vector<1x16xf32> to vector<16xf32>
        %get3A_331 = arith.index_cast %scan3A_270 : i32 to index
        %get3A_332 = arith.constant 64 : index
        %get3A_333 = tpu.vector_load %arg12[%get3A_331, %get3A_332] {strides = array<i32>} : memref<40x128xf32, #tpu.memory_space<vmem>>, vector<1x16xf32>,
        %get3A_334 = vector.shape_cast %get3A_333 : vector<1x16xf32> to vector<16xf32>
        %add3A_335 = arith.addf %get3A_330, %get3A_334 : vector<16xf32>
        %swap3A_336 = arith.index_cast %scan3A_270 : i32 to index
        %swap3A_337 = arith.constant 64 : index
        %swap3A_338 = tpu.vector_load %arg11[%swap3A_336, %swap3A_337] {strides = array<i32>} : memref<40x128xf32, #tpu.memory_space<vmem>>, vector<1x16xf32>,
        %swap3A_339 = vector.shape_cast %swap3A_338 : vector<1x16xf32> to vector<16xf32>
        %swap3A_340 = vector.shape_cast %add3A_335 : vector<16xf32> to vector<1x16xf32>
        tpu.vector_store %arg11[%swap3A_336, %swap3A_337], %swap3A_340 {strides = array<i32>} : memref<40x128xf32, #tpu.memory_space<vmem>>, vector<1x16xf32>,
        %get3A_341 = arith.index_cast %scan3A_270 : i32 to index
        %get3A_342 = arith.constant 80 : index
        %get3A_343 = tpu.vector_load %arg11[%get3A_341, %get3A_342] {strides = array<i32>} : memref<40x128xf32, #tpu.memory_space<vmem>>, vector<1x16xf32>,
        %get3A_344 = vector.shape_cast %get3A_343 : vector<1x16xf32> to vector<16xf32>
        %get3A_345 = arith.index_cast %scan3A_270 : i32 to index
        %get3A_346 = arith.constant 80 : index
        %get3A_347 = tpu.vector_load %arg12[%get3A_345, %get3A_346] {strides = array<i32>} : memref<40x128xf32, #tpu.memory_space<vmem>>, vector<1x16xf32>,
        %get3A_348 = vector.shape_cast %get3A_347 : vector<1x16xf32> to vector<16xf32>
        %add3A_349 = arith.addf %get3A_344, %get3A_348 : vector<16xf32>
        %swap3A_350 = arith.index_cast %scan3A_270 : i32 to index
        %swap3A_351 = arith.constant 80 : index
        %swap3A_352 = tpu.vector_load %arg11[%swap3A_350, %swap3A_351] {strides = array<i32>} : memref<40x128xf32, #tpu.memory_space<vmem>>, vector<1x16xf32>,
        %swap3A_353 = vector.shape_cast %swap3A_352 : vector<1x16xf32> to vector<16xf32>
        %swap3A_354 = vector.shape_cast %add3A_349 : vector<16xf32> to vector<1x16xf32>
        tpu.vector_store %arg11[%swap3A_350, %swap3A_351], %swap3A_354 {strides = array<i32>} : memref<40x128xf32, #tpu.memory_space<vmem>>, vector<1x16xf32>,
        %get3A_355 = arith.index_cast %scan3A_270 : i32 to index
        %get3A_356 = arith.constant 96 : index
        %get3A_357 = tpu.vector_load %arg11[%get3A_355, %get3A_356] {strides = array<i32>} : memref<40x128xf32, #tpu.memory_space<vmem>>, vector<1x16xf32>,
        %get3A_358 = vector.shape_cast %get3A_357 : vector<1x16xf32> to vector<16xf32>
        %get3A_359 = arith.index_cast %scan3A_270 : i32 to index
        %get3A_360 = arith.constant 96 : index
        %get3A_361 = tpu.vector_load %arg12[%get3A_359, %get3A_360] {strides = array<i32>} : memref<40x128xf32, #tpu.memory_space<vmem>>, vector<1x16xf32>,
        %get3A_362 = vector.shape_cast %get3A_361 : vector<1x16xf32> to vector<16xf32>
        %add3A_363 = arith.addf %get3A_358, %get3A_362 : vector<16xf32>
        %swap3A_364 = arith.index_cast %scan3A_270 : i32 to index
        %swap3A_365 = arith.constant 96 : index
        %swap3A_366 = tpu.vector_load %arg11[%swap3A_364, %swap3A_365] {strides = array<i32>} : memref<40x128xf32, #tpu.memory_space<vmem>>, vector<1x16xf32>,
        %swap3A_367 = vector.shape_cast %swap3A_366 : vector<1x16xf32> to vector<16xf32>
        %swap3A_368 = vector.shape_cast %add3A_363 : vector<16xf32> to vector<1x16xf32>
        tpu.vector_store %arg11[%swap3A_364, %swap3A_365], %swap3A_368 {strides = array<i32>} : memref<40x128xf32, #tpu.memory_space<vmem>>, vector<1x16xf32>,
        %get3A_369 = arith.index_cast %scan3A_270 : i32 to index
        %get3A_370 = arith.constant 112 : index
        %get3A_371 = tpu.vector_load %arg11[%get3A_369, %get3A_370] {strides = array<i32>} : memref<40x128xf32, #tpu.memory_space<vmem>>, vector<1x16xf32>,
        %get3A_372 = vector.shape_cast %get3A_371 : vector<1x16xf32> to vector<16xf32>
        %get3A_373 = arith.index_cast %scan3A_270 : i32 to index
        %get3A_374 = arith.constant 112 : index
        %get3A_375 = tpu.vector_load %arg12[%get3A_373, %get3A_374] {strides = array<i32>} : memref<40x128xf32, #tpu.memory_space<vmem>>, vector<1x16xf32>,
        %get3A_376 = vector.shape_cast %get3A_375 : vector<1x16xf32> to vector<16xf32>
        %add3A_377 = arith.addf %get3A_372, %get3A_376 : vector<16xf32>
        %swap3A_378 = arith.index_cast %scan3A_270 : i32 to index
        %swap3A_379 = arith.constant 112 : index
        %swap3A_380 = tpu.vector_load %arg11[%swap3A_378, %swap3A_379] {strides = array<i32>} : memref<40x128xf32, #tpu.memory_space<vmem>>, vector<1x16xf32>,
        %swap3A_381 = vector.shape_cast %swap3A_380 : vector<1x16xf32> to vector<16xf32>
        %swap3A_382 = vector.shape_cast %add3A_377 : vector<16xf32> to vector<1x16xf32>
        tpu.vector_store %arg11[%swap3A_378, %swap3A_379], %swap3A_382 {strides = array<i32>} : memref<40x128xf32, #tpu.memory_space<vmem>>, vector<1x16xf32>,
        %scan3A_383 = arith.constant 0 : i32
        scf.yield %scan3A_383 : i32
      }
      %scan3A_109 = arith.constant 40 : i32
      %mul3A_110 = arith.constant 32 : i32
      %mul3A_111 = arith.muli %mul3A_66, %mul3A_110 : i32
      %add3A_112 = arith.addi %add3A, %mul3A_111 : i32
      %mul3A_113 = arith.constant 40 : i32
      %mul3A_114 = arith.muli %add3A_112, %mul3A_113 : i32
      %dma_start3A_115 = arith.constant 0 : i32
      %dma_start3A_116 = tpu.memref_slice %arg6[%mul3A_114, %dma_start3A_115] : memref<320000x128xf32, #tpu.memory_space<hbm>> -> memref<40x128xf32, #tpu.memory_space<hbm>>
      %dma_start3A_117 = arith.constant 0 : i32
      %dma_start3A_118 = tpu.memref_slice %arg6[%mul3A_114, %dma_start3A_117] : memref<320000x128xf32, #tpu.memory_space<hbm>> -> memref<40x128xf32, #tpu.memory_space<hbm>>
      tpu.enqueue_dma source(%arg11 : memref<40x128xf32, #tpu.memory_space<vmem>>) target(%dma_start3A_118 : memref<40x128xf32, #tpu.memory_space<hbm>>) target_semaphore(%arg21 : memref<!tpu.dma_semaphore, #tpu.memory_space<semaphore_mem>>)
      %dma_wait3A_119 = arith.constant 0 : i32
      %dma_wait3A_120 = arith.constant 0 : i32
      %dma_wait3A_121 = tpu.memref_slice %arg2[%dma_wait3A_119, %dma_wait3A_120] : memref<10000x128xf32, #tpu.memory_space<hbm>> -> memref<10000x128xf32, #tpu.memory_space<hbm>>
      tpu.wait_indirect_dma semaphore(%arg18 : memref<!tpu.dma_semaphore, #tpu.memory_space<semaphore_mem>>) src(%dma_wait3A_121 : memref<10000x128xf32, #tpu.memory_space<hbm>>) dst(%arg13 : memref<40x128xf32, #tpu.memory_space<vmem>>)
      %dma_wait3A_122 = arith.constant 0 : i32
      %dma_wait3A_123 = arith.constant 0 : i32
      %dma_wait3A_124 = tpu.memref_slice %arg3[%dma_wait3A_122, %dma_wait3A_123] : memref<10000x128xf32, #tpu.memory_space<hbm>> -> memref<10000x128xf32, #tpu.memory_space<hbm>>
      tpu.wait_indirect_dma semaphore(%arg20 : memref<!tpu.dma_semaphore, #tpu.memory_space<semaphore_mem>>) src(%dma_wait3A_124 : memref<10000x128xf32, #tpu.memory_space<hbm>>) dst(%arg14 : memref<40x128xf32, #tpu.memory_space<vmem>>)
      %add3A_125 = arith.constant 2 : i32
      %add3A_126 = arith.addi %add3A_68, %add3A_125 : i32
      %lt3A_127 = arith.constant 250 : i32
      %lt3A_128 = arith.cmpi slt, %add3A_126, %lt3A_127 : i32
      %convert_element_type3A_129 = arith.extui %lt3A_128 : i1 to i32
      %cond3A_130 = arith.constant 0 : i32
      %cond3A_131 = arith.cmpi ne, %convert_element_type3A_129, %cond3A_130 : i32
      scf.if %cond3A_131 {
        %add3A_156 = arith.constant 2 : i32
        %add3A_157 = arith.addi %add3A_68, %add3A_156 : i32
        %mul3A_158 = arith.constant 32 : i32
        %mul3A_159 = arith.muli %add3A_157, %mul3A_158 : i32
        %add3A_160 = arith.addi %add3A, %mul3A_159 : i32
        %mul3A_161 = arith.constant 40 : i32
        %mul3A_162 = arith.muli %add3A_160, %mul3A_161 : i32
        %dma_start3A_163 = tpu.memref_slice %arg4[%mul3A_162] : memref<320000xi32, #tpu.memory_space<hbm>> -> memref<40xi32, #tpu.memory_space<hbm>>
        %dma_start3A_164 = tpu.memref_slice %arg4[%mul3A_162] : memref<320000xi32, #tpu.memory_space<hbm>> -> memref<40xi32, #tpu.memory_space<hbm>>
        tpu.enqueue_dma source(%dma_start3A_164 : memref<40xi32, #tpu.memory_space<hbm>>) target(%arg8 : memref<40xi32, #tpu.memory_space<vmem>>) target_semaphore(%arg16 : memref<!tpu.dma_semaphore, #tpu.memory_space<semaphore_mem>>)
        %mul3A_165 = arith.constant 32 : i32
        %mul3A_166 = arith.muli %add3A_157, %mul3A_165 : i32
        %add3A_167 = arith.addi %add3A, %mul3A_166 : i32
        %mul3A_168 = arith.constant 40 : i32
        %mul3A_169 = arith.muli %add3A_167, %mul3A_168 : i32
        %dma_start3A_170 = tpu.memref_slice %arg5[%mul3A_169] : memref<320000xi32, #tpu.memory_space<hbm>> -> memref<40xi32, #tpu.memory_space<hbm>>
        %dma_start3A_171 = tpu.memref_slice %arg5[%mul3A_169] : memref<320000xi32, #tpu.memory_space<hbm>> -> memref<40xi32, #tpu.memory_space<hbm>>
        tpu.enqueue_dma source(%dma_start3A_171 : memref<40xi32, #tpu.memory_space<hbm>>) target(%arg10 : memref<40xi32, #tpu.memory_space<vmem>>) target_semaphore(%arg16 : memref<!tpu.dma_semaphore, #tpu.memory_space<semaphore_mem>>)
      } else {
      }
      %scan3A_132 = arith.constant 0 : i32
      %scan3A_133 = arith.constant 0 : i32
      %scan3A_134 = arith.constant 40 : i32
      %scan3A_135 = arith.addi %scan3A_133, %scan3A_134 : i32
      %scan3A_136 = arith.constant 2 : i32
      %scan3A_137 = scf.for %scan3A_156 = %scan3A_133 to %scan3A_135 step %scan3A_136 iter_args(%scan3A_157 = %scan3A_132) -> (i32)  : i32 {
        %get3A = arith.index_cast %scan3A_156 : i32 to index
        %get3A_158 = arith.constant 0 : index
        %get3A_159 = tpu.vector_load %arg13[%get3A, %get3A_158] {strides = array<i32>} : memref<40x128xf32, #tpu.memory_space<vmem>>, vector<1x16xf32>,
        %get3A_160 = vector.shape_cast %get3A_159 : vector<1x16xf32> to vector<16xf32>
        %get3A_161 = arith.index_cast %scan3A_156 : i32 to index
        %get3A_162 = arith.constant 0 : index
        %get3A_163 = tpu.vector_load %arg14[%get3A_161, %get3A_162] {strides = array<i32>} : memref<40x128xf32, #tpu.memory_space<vmem>>, vector<1x16xf32>,
        %get3A_164 = vector.shape_cast %get3A_163 : vector<1x16xf32> to vector<16xf32>
        %add3A_165 = arith.addf %get3A_160, %get3A_164 : vector<16xf32>
        %swap3A = arith.index_cast %scan3A_156 : i32 to index
        %swap3A_166 = arith.constant 0 : index
        %swap3A_167 = tpu.vector_load %arg13[%swap3A, %swap3A_166] {strides = array<i32>} : memref<40x128xf32, #tpu.memory_space<vmem>>, vector<1x16xf32>,
        %swap3A_168 = vector.shape_cast %swap3A_167 : vector<1x16xf32> to vector<16xf32>
        %swap3A_169 = vector.shape_cast %add3A_165 : vector<16xf32> to vector<1x16xf32>
        tpu.vector_store %arg13[%swap3A, %swap3A_166], %swap3A_169 {strides = array<i32>} : memref<40x128xf32, #tpu.memory_space<vmem>>, vector<1x16xf32>,
        %get3A_170 = arith.index_cast %scan3A_156 : i32 to index
        %get3A_171 = arith.constant 16 : index
        %get3A_172 = tpu.vector_load %arg13[%get3A_170, %get3A_171] {strides = array<i32>} : memref<40x128xf32, #tpu.memory_space<vmem>>, vector<1x16xf32>,
        %get3A_173 = vector.shape_cast %get3A_172 : vector<1x16xf32> to vector<16xf32>
        %get3A_174 = arith.index_cast %scan3A_156 : i32 to index
        %get3A_175 = arith.constant 16 : index
        %get3A_176 = tpu.vector_load %arg14[%get3A_174, %get3A_175] {strides = array<i32>} : memref<40x128xf32, #tpu.memory_space<vmem>>, vector<1x16xf32>,
        %get3A_177 = vector.shape_cast %get3A_176 : vector<1x16xf32> to vector<16xf32>
        %add3A_178 = arith.addf %get3A_173, %get3A_177 : vector<16xf32>
        %swap3A_179 = arith.index_cast %scan3A_156 : i32 to index
        %swap3A_180 = arith.constant 16 : index
        %swap3A_181 = tpu.vector_load %arg13[%swap3A_179, %swap3A_180] {strides = array<i32>} : memref<40x128xf32, #tpu.memory_space<vmem>>, vector<1x16xf32>,
        %swap3A_182 = vector.shape_cast %swap3A_181 : vector<1x16xf32> to vector<16xf32>
        %swap3A_183 = vector.shape_cast %add3A_178 : vector<16xf32> to vector<1x16xf32>
        tpu.vector_store %arg13[%swap3A_179, %swap3A_180], %swap3A_183 {strides = array<i32>} : memref<40x128xf32, #tpu.memory_space<vmem>>, vector<1x16xf32>,
        %get3A_184 = arith.index_cast %scan3A_156 : i32 to index
        %get3A_185 = arith.constant 32 : index
        %get3A_186 = tpu.vector_load %arg13[%get3A_184, %get3A_185] {strides = array<i32>} : memref<40x128xf32, #tpu.memory_space<vmem>>, vector<1x16xf32>,
        %get3A_187 = vector.shape_cast %get3A_186 : vector<1x16xf32> to vector<16xf32>
        %get3A_188 = arith.index_cast %scan3A_156 : i32 to index
        %get3A_189 = arith.constant 32 : index
        %get3A_190 = tpu.vector_load %arg14[%get3A_188, %get3A_189] {strides = array<i32>} : memref<40x128xf32, #tpu.memory_space<vmem>>, vector<1x16xf32>,
        %get3A_191 = vector.shape_cast %get3A_190 : vector<1x16xf32> to vector<16xf32>
        %add3A_192 = arith.addf %get3A_187, %get3A_191 : vector<16xf32>
        %swap3A_193 = arith.index_cast %scan3A_156 : i32 to index
        %swap3A_194 = arith.constant 32 : index
        %swap3A_195 = tpu.vector_load %arg13[%swap3A_193, %swap3A_194] {strides = array<i32>} : memref<40x128xf32, #tpu.memory_space<vmem>>, vector<1x16xf32>,
        %swap3A_196 = vector.shape_cast %swap3A_195 : vector<1x16xf32> to vector<16xf32>
        %swap3A_197 = vector.shape_cast %add3A_192 : vector<16xf32> to vector<1x16xf32>
        tpu.vector_store %arg13[%swap3A_193, %swap3A_194], %swap3A_197 {strides = array<i32>} : memref<40x128xf32, #tpu.memory_space<vmem>>, vector<1x16xf32>,
        %get3A_198 = arith.index_cast %scan3A_156 : i32 to index
        %get3A_199 = arith.constant 48 : index
        %get3A_200 = tpu.vector_load %arg13[%get3A_198, %get3A_199] {strides = array<i32>} : memref<40x128xf32, #tpu.memory_space<vmem>>, vector<1x16xf32>,
        %get3A_201 = vector.shape_cast %get3A_200 : vector<1x16xf32> to vector<16xf32>
        %get3A_202 = arith.index_cast %scan3A_156 : i32 to index
        %get3A_203 = arith.constant 48 : index
        %get3A_204 = tpu.vector_load %arg14[%get3A_202, %get3A_203] {strides = array<i32>} : memref<40x128xf32, #tpu.memory_space<vmem>>, vector<1x16xf32>,
        %get3A_205 = vector.shape_cast %get3A_204 : vector<1x16xf32> to vector<16xf32>
        %add3A_206 = arith.addf %get3A_201, %get3A_205 : vector<16xf32>
        %swap3A_207 = arith.index_cast %scan3A_156 : i32 to index
        %swap3A_208 = arith.constant 48 : index
        %swap3A_209 = tpu.vector_load %arg13[%swap3A_207, %swap3A_208] {strides = array<i32>} : memref<40x128xf32, #tpu.memory_space<vmem>>, vector<1x16xf32>,
        %swap3A_210 = vector.shape_cast %swap3A_209 : vector<1x16xf32> to vector<16xf32>
        %swap3A_211 = vector.shape_cast %add3A_206 : vector<16xf32> to vector<1x16xf32>
        tpu.vector_store %arg13[%swap3A_207, %swap3A_208], %swap3A_211 {strides = array<i32>} : memref<40x128xf32, #tpu.memory_space<vmem>>, vector<1x16xf32>,
        %get3A_212 = arith.index_cast %scan3A_156 : i32 to index
        %get3A_213 = arith.constant 64 : index
        %get3A_214 = tpu.vector_load %arg13[%get3A_212, %get3A_213] {strides = array<i32>} : memref<40x128xf32, #tpu.memory_space<vmem>>, vector<1x16xf32>,
        %get3A_215 = vector.shape_cast %get3A_214 : vector<1x16xf32> to vector<16xf32>
        %get3A_216 = arith.index_cast %scan3A_156 : i32 to index
        %get3A_217 = arith.constant 64 : index
        %get3A_218 = tpu.vector_load %arg14[%get3A_216, %get3A_217] {strides = array<i32>} : memref<40x128xf32, #tpu.memory_space<vmem>>, vector<1x16xf32>,
        %get3A_219 = vector.shape_cast %get3A_218 : vector<1x16xf32> to vector<16xf32>
        %add3A_220 = arith.addf %get3A_215, %get3A_219 : vector<16xf32>
        %swap3A_221 = arith.index_cast %scan3A_156 : i32 to index
        %swap3A_222 = arith.constant 64 : index
        %swap3A_223 = tpu.vector_load %arg13[%swap3A_221, %swap3A_222] {strides = array<i32>} : memref<40x128xf32, #tpu.memory_space<vmem>>, vector<1x16xf32>,
        %swap3A_224 = vector.shape_cast %swap3A_223 : vector<1x16xf32> to vector<16xf32>
        %swap3A_225 = vector.shape_cast %add3A_220 : vector<16xf32> to vector<1x16xf32>
        tpu.vector_store %arg13[%swap3A_221, %swap3A_222], %swap3A_225 {strides = array<i32>} : memref<40x128xf32, #tpu.memory_space<vmem>>, vector<1x16xf32>,
        %get3A_226 = arith.index_cast %scan3A_156 : i32 to index
        %get3A_227 = arith.constant 80 : index
        %get3A_228 = tpu.vector_load %arg13[%get3A_226, %get3A_227] {strides = array<i32>} : memref<40x128xf32, #tpu.memory_space<vmem>>, vector<1x16xf32>,
        %get3A_229 = vector.shape_cast %get3A_228 : vector<1x16xf32> to vector<16xf32>
        %get3A_230 = arith.index_cast %scan3A_156 : i32 to index
        %get3A_231 = arith.constant 80 : index
        %get3A_232 = tpu.vector_load %arg14[%get3A_230, %get3A_231] {strides = array<i32>} : memref<40x128xf32, #tpu.memory_space<vmem>>, vector<1x16xf32>,
        %get3A_233 = vector.shape_cast %get3A_232 : vector<1x16xf32> to vector<16xf32>
        %add3A_234 = arith.addf %get3A_229, %get3A_233 : vector<16xf32>
        %swap3A_235 = arith.index_cast %scan3A_156 : i32 to index
        %swap3A_236 = arith.constant 80 : index
        %swap3A_237 = tpu.vector_load %arg13[%swap3A_235, %swap3A_236] {strides = array<i32>} : memref<40x128xf32, #tpu.memory_space<vmem>>, vector<1x16xf32>,
        %swap3A_238 = vector.shape_cast %swap3A_237 : vector<1x16xf32> to vector<16xf32>
        %swap3A_239 = vector.shape_cast %add3A_234 : vector<16xf32> to vector<1x16xf32>
        tpu.vector_store %arg13[%swap3A_235, %swap3A_236], %swap3A_239 {strides = array<i32>} : memref<40x128xf32, #tpu.memory_space<vmem>>, vector<1x16xf32>,
        %get3A_240 = arith.index_cast %scan3A_156 : i32 to index
        %get3A_241 = arith.constant 96 : index
        %get3A_242 = tpu.vector_load %arg13[%get3A_240, %get3A_241] {strides = array<i32>} : memref<40x128xf32, #tpu.memory_space<vmem>>, vector<1x16xf32>,
        %get3A_243 = vector.shape_cast %get3A_242 : vector<1x16xf32> to vector<16xf32>
        %get3A_244 = arith.index_cast %scan3A_156 : i32 to index
        %get3A_245 = arith.constant 96 : index
        %get3A_246 = tpu.vector_load %arg14[%get3A_244, %get3A_245] {strides = array<i32>} : memref<40x128xf32, #tpu.memory_space<vmem>>, vector<1x16xf32>,
        %get3A_247 = vector.shape_cast %get3A_246 : vector<1x16xf32> to vector<16xf32>
        %add3A_248 = arith.addf %get3A_243, %get3A_247 : vector<16xf32>
        %swap3A_249 = arith.index_cast %scan3A_156 : i32 to index
        %swap3A_250 = arith.constant 96 : index
        %swap3A_251 = tpu.vector_load %arg13[%swap3A_249, %swap3A_250] {strides = array<i32>} : memref<40x128xf32, #tpu.memory_space<vmem>>, vector<1x16xf32>,
        %swap3A_252 = vector.shape_cast %swap3A_251 : vector<1x16xf32> to vector<16xf32>
        %swap3A_253 = vector.shape_cast %add3A_248 : vector<16xf32> to vector<1x16xf32>
        tpu.vector_store %arg13[%swap3A_249, %swap3A_250], %swap3A_253 {strides = array<i32>} : memref<40x128xf32, #tpu.memory_space<vmem>>, vector<1x16xf32>,
        %get3A_254 = arith.index_cast %scan3A_156 : i32 to index
        %get3A_255 = arith.constant 112 : index
        %get3A_256 = tpu.vector_load %arg13[%get3A_254, %get3A_255] {strides = array<i32>} : memref<40x128xf32, #tpu.memory_space<vmem>>, vector<1x16xf32>,
        %get3A_257 = vector.shape_cast %get3A_256 : vector<1x16xf32> to vector<16xf32>
        %get3A_258 = arith.index_cast %scan3A_156 : i32 to index
        %get3A_259 = arith.constant 112 : index
        %get3A_260 = tpu.vector_load %arg14[%get3A_258, %get3A_259] {strides = array<i32>} : memref<40x128xf32, #tpu.memory_space<vmem>>, vector<1x16xf32>,
        %get3A_261 = vector.shape_cast %get3A_260 : vector<1x16xf32> to vector<16xf32>
        %add3A_262 = arith.addf %get3A_257, %get3A_261 : vector<16xf32>
        %swap3A_263 = arith.index_cast %scan3A_156 : i32 to index
        %swap3A_264 = arith.constant 112 : index
        %swap3A_265 = tpu.vector_load %arg13[%swap3A_263, %swap3A_264] {strides = array<i32>} : memref<40x128xf32, #tpu.memory_space<vmem>>, vector<1x16xf32>,
        %swap3A_266 = vector.shape_cast %swap3A_265 : vector<1x16xf32> to vector<16xf32>
        %swap3A_267 = vector.shape_cast %add3A_262 : vector<16xf32> to vector<1x16xf32>
        tpu.vector_store %arg13[%swap3A_263, %swap3A_264], %swap3A_267 {strides = array<i32>} : memref<40x128xf32, #tpu.memory_space<vmem>>, vector<1x16xf32>,
        %scan3A_268 = arith.constant 0 : i32
        %scan3A_269 = arith.constant 1 : i32
        %scan3A_270 = arith.addi %scan3A_156, %scan3A_269 : i32
        %get3A_271 = arith.index_cast %scan3A_270 : i32 to index
        %get3A_272 = arith.constant 0 : index
        %get3A_273 = tpu.vector_load %arg13[%get3A_271, %get3A_272] {strides = array<i32>} : memref<40x128xf32, #tpu.memory_space<vmem>>, vector<1x16xf32>,
        %get3A_274 = vector.shape_cast %get3A_273 : vector<1x16xf32> to vector<16xf32>
        %get3A_275 = arith.index_cast %scan3A_270 : i32 to index
        %get3A_276 = arith.constant 0 : index
        %get3A_277 = tpu.vector_load %arg14[%get3A_275, %get3A_276] {strides = array<i32>} : memref<40x128xf32, #tpu.memory_space<vmem>>, vector<1x16xf32>,
        %get3A_278 = vector.shape_cast %get3A_277 : vector<1x16xf32> to vector<16xf32>
        %add3A_279 = arith.addf %get3A_274, %get3A_278 : vector<16xf32>
        %swap3A_280 = arith.index_cast %scan3A_270 : i32 to index
        %swap3A_281 = arith.constant 0 : index
        %swap3A_282 = tpu.vector_load %arg13[%swap3A_280, %swap3A_281] {strides = array<i32>} : memref<40x128xf32, #tpu.memory_space<vmem>>, vector<1x16xf32>,
        %swap3A_283 = vector.shape_cast %swap3A_282 : vector<1x16xf32> to vector<16xf32>
        %swap3A_284 = vector.shape_cast %add3A_279 : vector<16xf32> to vector<1x16xf32>
        tpu.vector_store %arg13[%swap3A_280, %swap3A_281], %swap3A_284 {strides = array<i32>} : memref<40x128xf32, #tpu.memory_space<vmem>>, vector<1x16xf32>,
        %get3A_285 = arith.index_cast %scan3A_270 : i32 to index
        %get3A_286 = arith.constant 16 : index
        %get3A_287 = tpu.vector_load %arg13[%get3A_285, %get3A_286] {strides = array<i32>} : memref<40x128xf32, #tpu.memory_space<vmem>>, vector<1x16xf32>,
        %get3A_288 = vector.shape_cast %get3A_287 : vector<1x16xf32> to vector<16xf32>
        %get3A_289 = arith.index_cast %scan3A_270 : i32 to index
        %get3A_290 = arith.constant 16 : index
        %get3A_291 = tpu.vector_load %arg14[%get3A_289, %get3A_290] {strides = array<i32>} : memref<40x128xf32, #tpu.memory_space<vmem>>, vector<1x16xf32>,
        %get3A_292 = vector.shape_cast %get3A_291 : vector<1x16xf32> to vector<16xf32>
        %add3A_293 = arith.addf %get3A_288, %get3A_292 : vector<16xf32>
        %swap3A_294 = arith.index_cast %scan3A_270 : i32 to index
        %swap3A_295 = arith.constant 16 : index
        %swap3A_296 = tpu.vector_load %arg13[%swap3A_294, %swap3A_295] {strides = array<i32>} : memref<40x128xf32, #tpu.memory_space<vmem>>, vector<1x16xf32>,
        %swap3A_297 = vector.shape_cast %swap3A_296 : vector<1x16xf32> to vector<16xf32>
        %swap3A_298 = vector.shape_cast %add3A_293 : vector<16xf32> to vector<1x16xf32>
        tpu.vector_store %arg13[%swap3A_294, %swap3A_295], %swap3A_298 {strides = array<i32>} : memref<40x128xf32, #tpu.memory_space<vmem>>, vector<1x16xf32>,
        %get3A_299 = arith.index_cast %scan3A_270 : i32 to index
        %get3A_300 = arith.constant 32 : index
        %get3A_301 = tpu.vector_load %arg13[%get3A_299, %get3A_300] {strides = array<i32>} : memref<40x128xf32, #tpu.memory_space<vmem>>, vector<1x16xf32>,
        %get3A_302 = vector.shape_cast %get3A_301 : vector<1x16xf32> to vector<16xf32>
        %get3A_303 = arith.index_cast %scan3A_270 : i32 to index
        %get3A_304 = arith.constant 32 : index
        %get3A_305 = tpu.vector_load %arg14[%get3A_303, %get3A_304] {strides = array<i32>} : memref<40x128xf32, #tpu.memory_space<vmem>>, vector<1x16xf32>,
        %get3A_306 = vector.shape_cast %get3A_305 : vector<1x16xf32> to vector<16xf32>
        %add3A_307 = arith.addf %get3A_302, %get3A_306 : vector<16xf32>
        %swap3A_308 = arith.index_cast %scan3A_270 : i32 to index
        %swap3A_309 = arith.constant 32 : index
        %swap3A_310 = tpu.vector_load %arg13[%swap3A_308, %swap3A_309] {strides = array<i32>} : memref<40x128xf32, #tpu.memory_space<vmem>>, vector<1x16xf32>,
        %swap3A_311 = vector.shape_cast %swap3A_310 : vector<1x16xf32> to vector<16xf32>
        %swap3A_312 = vector.shape_cast %add3A_307 : vector<16xf32> to vector<1x16xf32>
        tpu.vector_store %arg13[%swap3A_308, %swap3A_309], %swap3A_312 {strides = array<i32>} : memref<40x128xf32, #tpu.memory_space<vmem>>, vector<1x16xf32>,
        %get3A_313 = arith.index_cast %scan3A_270 : i32 to index
        %get3A_314 = arith.constant 48 : index
        %get3A_315 = tpu.vector_load %arg13[%get3A_313, %get3A_314] {strides = array<i32>} : memref<40x128xf32, #tpu.memory_space<vmem>>, vector<1x16xf32>,
        %get3A_316 = vector.shape_cast %get3A_315 : vector<1x16xf32> to vector<16xf32>
        %get3A_317 = arith.index_cast %scan3A_270 : i32 to index
        %get3A_318 = arith.constant 48 : index
        %get3A_319 = tpu.vector_load %arg14[%get3A_317, %get3A_318] {strides = array<i32>} : memref<40x128xf32, #tpu.memory_space<vmem>>, vector<1x16xf32>,
        %get3A_320 = vector.shape_cast %get3A_319 : vector<1x16xf32> to vector<16xf32>
        %add3A_321 = arith.addf %get3A_316, %get3A_320 : vector<16xf32>
        %swap3A_322 = arith.index_cast %scan3A_270 : i32 to index
        %swap3A_323 = arith.constant 48 : index
        %swap3A_324 = tpu.vector_load %arg13[%swap3A_322, %swap3A_323] {strides = array<i32>} : memref<40x128xf32, #tpu.memory_space<vmem>>, vector<1x16xf32>,
        %swap3A_325 = vector.shape_cast %swap3A_324 : vector<1x16xf32> to vector<16xf32>
        %swap3A_326 = vector.shape_cast %add3A_321 : vector<16xf32> to vector<1x16xf32>
        tpu.vector_store %arg13[%swap3A_322, %swap3A_323], %swap3A_326 {strides = array<i32>} : memref<40x128xf32, #tpu.memory_space<vmem>>, vector<1x16xf32>,
        %get3A_327 = arith.index_cast %scan3A_270 : i32 to index
        %get3A_328 = arith.constant 64 : index
        %get3A_329 = tpu.vector_load %arg13[%get3A_327, %get3A_328] {strides = array<i32>} : memref<40x128xf32, #tpu.memory_space<vmem>>, vector<1x16xf32>,
        %get3A_330 = vector.shape_cast %get3A_329 : vector<1x16xf32> to vector<16xf32>
        %get3A_331 = arith.index_cast %scan3A_270 : i32 to index
        %get3A_332 = arith.constant 64 : index
        %get3A_333 = tpu.vector_load %arg14[%get3A_331, %get3A_332] {strides = array<i32>} : memref<40x128xf32, #tpu.memory_space<vmem>>, vector<1x16xf32>,
        %get3A_334 = vector.shape_cast %get3A_333 : vector<1x16xf32> to vector<16xf32>
        %add3A_335 = arith.addf %get3A_330, %get3A_334 : vector<16xf32>
        %swap3A_336 = arith.index_cast %scan3A_270 : i32 to index
        %swap3A_337 = arith.constant 64 : index
        %swap3A_338 = tpu.vector_load %arg13[%swap3A_336, %swap3A_337] {strides = array<i32>} : memref<40x128xf32, #tpu.memory_space<vmem>>, vector<1x16xf32>,
        %swap3A_339 = vector.shape_cast %swap3A_338 : vector<1x16xf32> to vector<16xf32>
        %swap3A_340 = vector.shape_cast %add3A_335 : vector<16xf32> to vector<1x16xf32>
        tpu.vector_store %arg13[%swap3A_336, %swap3A_337], %swap3A_340 {strides = array<i32>} : memref<40x128xf32, #tpu.memory_space<vmem>>, vector<1x16xf32>,
        %get3A_341 = arith.index_cast %scan3A_270 : i32 to index
        %get3A_342 = arith.constant 80 : index
        %get3A_343 = tpu.vector_load %arg13[%get3A_341, %get3A_342] {strides = array<i32>} : memref<40x128xf32, #tpu.memory_space<vmem>>, vector<1x16xf32>,
        %get3A_344 = vector.shape_cast %get3A_343 : vector<1x16xf32> to vector<16xf32>
        %get3A_345 = arith.index_cast %scan3A_270 : i32 to index
        %get3A_346 = arith.constant 80 : index
        %get3A_347 = tpu.vector_load %arg14[%get3A_345, %get3A_346] {strides = array<i32>} : memref<40x128xf32, #tpu.memory_space<vmem>>, vector<1x16xf32>,
        %get3A_348 = vector.shape_cast %get3A_347 : vector<1x16xf32> to vector<16xf32>
        %add3A_349 = arith.addf %get3A_344, %get3A_348 : vector<16xf32>
        %swap3A_350 = arith.index_cast %scan3A_270 : i32 to index
        %swap3A_351 = arith.constant 80 : index
        %swap3A_352 = tpu.vector_load %arg13[%swap3A_350, %swap3A_351] {strides = array<i32>} : memref<40x128xf32, #tpu.memory_space<vmem>>, vector<1x16xf32>,
        %swap3A_353 = vector.shape_cast %swap3A_352 : vector<1x16xf32> to vector<16xf32>
        %swap3A_354 = vector.shape_cast %add3A_349 : vector<16xf32> to vector<1x16xf32>
        tpu.vector_store %arg13[%swap3A_350, %swap3A_351], %swap3A_354 {strides = array<i32>} : memref<40x128xf32, #tpu.memory_space<vmem>>, vector<1x16xf32>,
        %get3A_355 = arith.index_cast %scan3A_270 : i32 to index
        %get3A_356 = arith.constant 96 : index
        %get3A_357 = tpu.vector_load %arg13[%get3A_355, %get3A_356] {strides = array<i32>} : memref<40x128xf32, #tpu.memory_space<vmem>>, vector<1x16xf32>,
        %get3A_358 = vector.shape_cast %get3A_357 : vector<1x16xf32> to vector<16xf32>
        %get3A_359 = arith.index_cast %scan3A_270 : i32 to index
        %get3A_360 = arith.constant 96 : index
        %get3A_361 = tpu.vector_load %arg14[%get3A_359, %get3A_360] {strides = array<i32>} : memref<40x128xf32, #tpu.memory_space<vmem>>, vector<1x16xf32>,
        %get3A_362 = vector.shape_cast %get3A_361 : vector<1x16xf32> to vector<16xf32>
        %add3A_363 = arith.addf %get3A_358, %get3A_362 : vector<16xf32>
        %swap3A_364 = arith.index_cast %scan3A_270 : i32 to index
        %swap3A_365 = arith.constant 96 : index
        %swap3A_366 = tpu.vector_load %arg13[%swap3A_364, %swap3A_365] {strides = array<i32>} : memref<40x128xf32, #tpu.memory_space<vmem>>, vector<1x16xf32>,
        %swap3A_367 = vector.shape_cast %swap3A_366 : vector<1x16xf32> to vector<16xf32>
        %swap3A_368 = vector.shape_cast %add3A_363 : vector<16xf32> to vector<1x16xf32>
        tpu.vector_store %arg13[%swap3A_364, %swap3A_365], %swap3A_368 {strides = array<i32>} : memref<40x128xf32, #tpu.memory_space<vmem>>, vector<1x16xf32>,
        %get3A_369 = arith.index_cast %scan3A_270 : i32 to index
        %get3A_370 = arith.constant 112 : index
        %get3A_371 = tpu.vector_load %arg13[%get3A_369, %get3A_370] {strides = array<i32>} : memref<40x128xf32, #tpu.memory_space<vmem>>, vector<1x16xf32>,
        %get3A_372 = vector.shape_cast %get3A_371 : vector<1x16xf32> to vector<16xf32>
        %get3A_373 = arith.index_cast %scan3A_270 : i32 to index
        %get3A_374 = arith.constant 112 : index
        %get3A_375 = tpu.vector_load %arg14[%get3A_373, %get3A_374] {strides = array<i32>} : memref<40x128xf32, #tpu.memory_space<vmem>>, vector<1x16xf32>,
        %get3A_376 = vector.shape_cast %get3A_375 : vector<1x16xf32> to vector<16xf32>
        %add3A_377 = arith.addf %get3A_372, %get3A_376 : vector<16xf32>
        %swap3A_378 = arith.index_cast %scan3A_270 : i32 to index
        %swap3A_379 = arith.constant 112 : index
        %swap3A_380 = tpu.vector_load %arg13[%swap3A_378, %swap3A_379] {strides = array<i32>} : memref<40x128xf32, #tpu.memory_space<vmem>>, vector<1x16xf32>,
        %swap3A_381 = vector.shape_cast %swap3A_380 : vector<1x16xf32> to vector<16xf32>
        %swap3A_382 = vector.shape_cast %add3A_377 : vector<16xf32> to vector<1x16xf32>
        tpu.vector_store %arg13[%swap3A_378, %swap3A_379], %swap3A_382 {strides = array<i32>} : memref<40x128xf32, #tpu.memory_space<vmem>>, vector<1x16xf32>,
        %scan3A_383 = arith.constant 0 : i32
        scf.yield %scan3A_383 : i32
      }
      %scan3A_138 = arith.constant 40 : i32
      %mul3A_139 = arith.constant 32 : i32
      %mul3A_140 = arith.muli %add3A_68, %mul3A_139 : i32
      %add3A_141 = arith.addi %add3A, %mul3A_140 : i32
      %mul3A_142 = arith.constant 40 : i32
      %mul3A_143 = arith.muli %add3A_141, %mul3A_142 : i32
      %dma_start3A_144 = arith.constant 0 : i32
      %dma_start3A_145 = tpu.memref_slice %arg6[%mul3A_143, %dma_start3A_144] : memref<320000x128xf32, #tpu.memory_space<hbm>> -> memref<40x128xf32, #tpu.memory_space<hbm>>
      %dma_start3A_146 = arith.constant 0 : i32
      %dma_start3A_147 = tpu.memref_slice %arg6[%mul3A_143, %dma_start3A_146] : memref<320000x128xf32, #tpu.memory_space<hbm>> -> memref<40x128xf32, #tpu.memory_space<hbm>>
      tpu.enqueue_dma source(%arg13 : memref<40x128xf32, #tpu.memory_space<vmem>>) target(%dma_start3A_147 : memref<40x128xf32, #tpu.memory_space<hbm>>) target_semaphore(%arg22 : memref<!tpu.dma_semaphore, #tpu.memory_space<semaphore_mem>>)
      %add3A_148 = arith.constant 2 : i32
      %add3A_149 = arith.addi %mul3A_66, %add3A_148 : i32
      %lt3A_150 = arith.constant 250 : i32
      %lt3A_151 = arith.cmpi slt, %add3A_149, %lt3A_150 : i32
      %convert_element_type3A_152 = arith.extui %lt3A_151 : i1 to i32
      %cond3A_153 = arith.constant 0 : i32
      %cond3A_154 = arith.cmpi ne, %convert_element_type3A_152, %cond3A_153 : i32
      scf.if %cond3A_154 {
        %add3A_156 = arith.constant 2 : i32
        %add3A_157 = arith.addi %mul3A_66, %add3A_156 : i32
        %mul3A_158 = arith.constant 32 : i32
        %mul3A_159 = arith.muli %add3A_157, %mul3A_158 : i32
        %add3A_160 = arith.addi %add3A, %mul3A_159 : i32
        %mul3A_161 = arith.constant 40 : i32
        %mul3A_162 = arith.muli %add3A_160, %mul3A_161 : i32
        %dma_wait3A_163 = tpu.memref_slice %arg4[%mul3A_162] : memref<320000xi32, #tpu.memory_space<hbm>> -> memref<40xi32, #tpu.memory_space<hbm>>
        %dma_wait3A_164 = tpu.memref_slice %arg4[%mul3A_162] : memref<320000xi32, #tpu.memory_space<hbm>> -> memref<40xi32, #tpu.memory_space<hbm>>
        tpu.wait_dma2 semaphore(%arg15 : memref<!tpu.dma_semaphore, #tpu.memory_space<semaphore_mem>>) src(%dma_wait3A_164 : memref<40xi32, #tpu.memory_space<hbm>>) dst(%arg7 : memref<40xi32, #tpu.memory_space<vmem>>)
        %mul3A_165 = arith.constant 32 : i32
        %mul3A_166 = arith.muli %add3A_157, %mul3A_165 : i32
        %add3A_167 = arith.addi %add3A, %mul3A_166 : i32
        %mul3A_168 = arith.constant 40 : i32
        %mul3A_169 = arith.muli %add3A_167, %mul3A_168 : i32
        %dma_wait3A_170 = tpu.memref_slice %arg5[%mul3A_169] : memref<320000xi32, #tpu.memory_space<hbm>> -> memref<40xi32, #tpu.memory_space<hbm>>
        %dma_wait3A_171 = tpu.memref_slice %arg5[%mul3A_169] : memref<320000xi32, #tpu.memory_space<hbm>> -> memref<40xi32, #tpu.memory_space<hbm>>
        tpu.wait_dma2 semaphore(%arg15 : memref<!tpu.dma_semaphore, #tpu.memory_space<semaphore_mem>>) src(%dma_wait3A_171 : memref<40xi32, #tpu.memory_space<hbm>>) dst(%arg9 : memref<40xi32, #tpu.memory_space<vmem>>)
        %mul3A_172 = arith.constant 32 : i32
        %mul3A_173 = arith.muli %mul3A_66, %mul3A_172 : i32
        %add3A_174 = arith.addi %add3A, %mul3A_173 : i32
        %mul3A_175 = arith.constant 40 : i32
        %mul3A_176 = arith.muli %add3A_174, %mul3A_175 : i32
        %dma_wait3A_177 = arith.constant 0 : i32
        %dma_wait3A_178 = tpu.memref_slice %arg6[%mul3A_176, %dma_wait3A_177] : memref<320000x128xf32, #tpu.memory_space<hbm>> -> memref<40x128xf32, #tpu.memory_space<hbm>>
        %dma_wait3A_179 = arith.constant 0 : i32
        %dma_wait3A_180 = tpu.memref_slice %arg6[%mul3A_176, %dma_wait3A_179] : memref<320000x128xf32, #tpu.memory_space<hbm>> -> memref<40x128xf32, #tpu.memory_space<hbm>>
        tpu.wait_dma2 semaphore(%arg21 : memref<!tpu.dma_semaphore, #tpu.memory_space<semaphore_mem>>) src(%arg11 : memref<40x128xf32, #tpu.memory_space<vmem>>) dst(%dma_wait3A_180 : memref<40x128xf32, #tpu.memory_space<hbm>>)
        %dma_start3A_181 = arith.constant 0 : i32
        %dma_start3A_182 = arith.constant 0 : i32
        %dma_start3A_183 = tpu.memref_slice %arg2[%dma_start3A_181, %dma_start3A_182] : memref<10000x128xf32, #tpu.memory_space<hbm>> -> memref<10000x128xf32, #tpu.memory_space<hbm>>
        tpu.enqueue_indirect_dma source(%dma_start3A_183 : memref<10000x128xf32, #tpu.memory_space<hbm>>) target(%arg11 : memref<40x128xf32, #tpu.memory_space<vmem>>) offsets(%arg7 : memref<40xi32, #tpu.memory_space<vmem>>) semaphore(%arg17 : memref<!tpu.dma_semaphore, #tpu.memory_space<semaphore_mem>>)
        %dma_start3A_184 = arith.constant 0 : i32
        %dma_start3A_185 = arith.constant 0 : i32
        %dma_start3A_186 = tpu.memref_slice %arg3[%dma_start3A_184, %dma_start3A_185] : memref<10000x128xf32, #tpu.memory_space<hbm>> -> memref<10000x128xf32, #tpu.memory_space<hbm>>
        tpu.enqueue_indirect_dma source(%dma_start3A_186 : memref<10000x128xf32, #tpu.memory_space<hbm>>) target(%arg12 : memref<40x128xf32, #tpu.memory_space<vmem>>) offsets(%arg9 : memref<40xi32, #tpu.memory_space<vmem>>) semaphore(%arg19 : memref<!tpu.dma_semaphore, #tpu.memory_space<semaphore_mem>>)
      } else {
      }
      %scan3A_155 = arith.constant 0 : i32
      scf.yield %scan3A_155 : i32
    }
    %scan3A_46 = arith.constant 125 : i32
    %add3A_47 = arith.constant 7936 : i32
    %add3A_48 = arith.addi %add3A, %add3A_47 : i32
    %mul3A_49 = arith.constant 40 : i32
    %mul3A_50 = arith.muli %add3A_48, %mul3A_49 : i32
    %dma_wait3A_51 = arith.constant 0 : i32
    %dma_wait3A_52 = tpu.memref_slice %arg6[%mul3A_50, %dma_wait3A_51] : memref<320000x128xf32, #tpu.memory_space<hbm>> -> memref<40x128xf32, #tpu.memory_space<hbm>>
    %dma_wait3A_53 = arith.constant 0 : i32
    %dma_wait3A_54 = tpu.memref_slice %arg6[%mul3A_50, %dma_wait3A_53] : memref<320000x128xf32, #tpu.memory_space<hbm>> -> memref<40x128xf32, #tpu.memory_space<hbm>>
    tpu.wait_dma2 semaphore(%arg21 : memref<!tpu.dma_semaphore, #tpu.memory_space<semaphore_mem>>) src(%arg11 : memref<40x128xf32, #tpu.memory_space<vmem>>) dst(%dma_wait3A_54 : memref<40x128xf32, #tpu.memory_space<hbm>>)
    %add3A_55 = arith.constant 7968 : i32
    %add3A_56 = arith.addi %add3A, %add3A_55 : i32
    %mul3A_57 = arith.constant 40 : i32
    %mul3A_58 = arith.muli %add3A_56, %mul3A_57 : i32
    %dma_wait3A_59 = arith.constant 0 : i32
    %dma_wait3A_60 = tpu.memref_slice %arg6[%mul3A_58, %dma_wait3A_59] : memref<320000x128xf32, #tpu.memory_space<hbm>> -> memref<40x128xf32, #tpu.memory_space<hbm>>
    %dma_wait3A_61 = arith.constant 0 : i32
    %dma_wait3A_62 = tpu.memref_slice %arg6[%mul3A_58, %dma_wait3A_61] : memref<320000x128xf32, #tpu.memory_space<hbm>> -> memref<40x128xf32, #tpu.memory_space<hbm>>
    tpu.wait_dma2 semaphore(%arg22 : memref<!tpu.dma_semaphore, #tpu.memory_space<semaphore_mem>>) src(%arg13 : memref<40x128xf32, #tpu.memory_space<vmem>>) dst(%dma_wait3A_62 : memref<40x128xf32, #tpu.memory_space<hbm>>)
    return
  }
}

#map = affine_map<(d0, d1) -> (0, 0)>
#map1 = affine_map<(d0, d1) -> (0)>
#map2 = affine_map<(d0, d1) -> (0, 0, 0)>
module attributes {stable_mosaic.version = 14 : i64} {
  func.func @_scatter_body(%arg0: i32, %arg1: i32, %arg2: memref<320000x128xf32, #tpu.memory_space<hbm>>, %arg3: memref<320000xi32, #tpu.memory_space<hbm>>, %arg4: memref<2x10000x128xf32, #tpu.memory_space<hbm>>, %arg5: memref<40xi32, #tpu.memory_space<vmem>>, %arg6: memref<40xi32, #tpu.memory_space<vmem>>, %arg7: memref<40x128xf32, #tpu.memory_space<vmem>>, %arg8: memref<40x128xf32, #tpu.memory_space<vmem>>, %arg9: memref<!tpu.dma_semaphore, #tpu.memory_space<semaphore_mem>>, %arg10: memref<!tpu.dma_semaphore, #tpu.memory_space<semaphore_mem>>, %arg11: memref<!tpu.dma_semaphore, #tpu.memory_space<semaphore_mem>>, %arg12: memref<!tpu.dma_semaphore, #tpu.memory_space<semaphore_mem>>, %arg13: memref<!tpu.dma_semaphore, #tpu.memory_space<semaphore_mem>>, %arg14: memref<!tpu.dma_semaphore, #tpu.memory_space<semaphore_mem>>, %arg15: memref<10240x128xf32, #tpu.memory_space<vmem_shared>>) attributes {dimension_semantics = [#tpu.dimension_semantics<core_parallel>, #tpu.dimension_semantics<subcore_parallel>], iteration_bounds = array<i64: 2, 16>, scalar_prefetch = 0 : i64, scratch_operands = 11 : i64, tpu.core_type = #tpu.core_type<sc_vector_subcore>, window_params = [{transform_indices = #map}, {transform_indices = #map1}, {transform_indices = #map2}]} {
    %mul3A = arith.constant 2 : i32
    %mul3A_0 = arith.muli %arg1, %mul3A : i32
    %add3A = arith.addi %mul3A_0, %arg0 : i32
    %scan3A = arith.constant 0 : i32
    %scan3A_1 = arith.constant 0 : i32
    %scan3A_2 = arith.constant 40 : i32
    %scan3A_3 = arith.addi %scan3A_1, %scan3A_2 : i32
    %scan3A_4 = arith.constant 2 : i32
    %scan3A_5 = scf.for %scan3A_55 = %scan3A_1 to %scan3A_3 step %scan3A_4 iter_args(%scan3A_56 = %scan3A) -> (i32)  : i32 {
      %broadcast_in_dim3A = arith.constant 0.000000e+00 : f32
      %broadcast_in_dim3A_57 = vector.broadcast %broadcast_in_dim3A : f32 to vector<16xf32>
      %swap3A = arith.index_cast %scan3A_55 : i32 to index
      %swap3A_58 = arith.constant 0 : index
      %swap3A_59 = tpu.vector_load %arg7[%swap3A, %swap3A_58] {strides = array<i32>} : memref<40x128xf32, #tpu.memory_space<vmem>>, vector<1x16xf32>,
      %swap3A_60 = vector.shape_cast %swap3A_59 : vector<1x16xf32> to vector<16xf32>
      %swap3A_61 = vector.shape_cast %broadcast_in_dim3A_57 : vector<16xf32> to vector<1x16xf32>
      tpu.vector_store %arg7[%swap3A, %swap3A_58], %swap3A_61 {strides = array<i32>} : memref<40x128xf32, #tpu.memory_space<vmem>>, vector<1x16xf32>,
      %broadcast_in_dim3A_62 = arith.constant 0.000000e+00 : f32
      %broadcast_in_dim3A_63 = vector.broadcast %broadcast_in_dim3A_62 : f32 to vector<16xf32>
      %swap3A_64 = arith.index_cast %scan3A_55 : i32 to index
      %swap3A_65 = arith.constant 16 : index
      %swap3A_66 = tpu.vector_load %arg7[%swap3A_64, %swap3A_65] {strides = array<i32>} : memref<40x128xf32, #tpu.memory_space<vmem>>, vector<1x16xf32>,
      %swap3A_67 = vector.shape_cast %swap3A_66 : vector<1x16xf32> to vector<16xf32>
      %swap3A_68 = vector.shape_cast %broadcast_in_dim3A_63 : vector<16xf32> to vector<1x16xf32>
      tpu.vector_store %arg7[%swap3A_64, %swap3A_65], %swap3A_68 {strides = array<i32>} : memref<40x128xf32, #tpu.memory_space<vmem>>, vector<1x16xf32>,
      %broadcast_in_dim3A_69 = arith.constant 0.000000e+00 : f32
      %broadcast_in_dim3A_70 = vector.broadcast %broadcast_in_dim3A_69 : f32 to vector<16xf32>
      %swap3A_71 = arith.index_cast %scan3A_55 : i32 to index
      %swap3A_72 = arith.constant 32 : index
      %swap3A_73 = tpu.vector_load %arg7[%swap3A_71, %swap3A_72] {strides = array<i32>} : memref<40x128xf32, #tpu.memory_space<vmem>>, vector<1x16xf32>,
      %swap3A_74 = vector.shape_cast %swap3A_73 : vector<1x16xf32> to vector<16xf32>
      %swap3A_75 = vector.shape_cast %broadcast_in_dim3A_70 : vector<16xf32> to vector<1x16xf32>
      tpu.vector_store %arg7[%swap3A_71, %swap3A_72], %swap3A_75 {strides = array<i32>} : memref<40x128xf32, #tpu.memory_space<vmem>>, vector<1x16xf32>,
      %broadcast_in_dim3A_76 = arith.constant 0.000000e+00 : f32
      %broadcast_in_dim3A_77 = vector.broadcast %broadcast_in_dim3A_76 : f32 to vector<16xf32>
      %swap3A_78 = arith.index_cast %scan3A_55 : i32 to index
      %swap3A_79 = arith.constant 48 : index
      %swap3A_80 = tpu.vector_load %arg7[%swap3A_78, %swap3A_79] {strides = array<i32>} : memref<40x128xf32, #tpu.memory_space<vmem>>, vector<1x16xf32>,
      %swap3A_81 = vector.shape_cast %swap3A_80 : vector<1x16xf32> to vector<16xf32>
      %swap3A_82 = vector.shape_cast %broadcast_in_dim3A_77 : vector<16xf32> to vector<1x16xf32>
      tpu.vector_store %arg7[%swap3A_78, %swap3A_79], %swap3A_82 {strides = array<i32>} : memref<40x128xf32, #tpu.memory_space<vmem>>, vector<1x16xf32>,
      %broadcast_in_dim3A_83 = arith.constant 0.000000e+00 : f32
      %broadcast_in_dim3A_84 = vector.broadcast %broadcast_in_dim3A_83 : f32 to vector<16xf32>
      %swap3A_85 = arith.index_cast %scan3A_55 : i32 to index
      %swap3A_86 = arith.constant 64 : index
      %swap3A_87 = tpu.vector_load %arg7[%swap3A_85, %swap3A_86] {strides = array<i32>} : memref<40x128xf32, #tpu.memory_space<vmem>>, vector<1x16xf32>,
      %swap3A_88 = vector.shape_cast %swap3A_87 : vector<1x16xf32> to vector<16xf32>
      %swap3A_89 = vector.shape_cast %broadcast_in_dim3A_84 : vector<16xf32> to vector<1x16xf32>
      tpu.vector_store %arg7[%swap3A_85, %swap3A_86], %swap3A_89 {strides = array<i32>} : memref<40x128xf32, #tpu.memory_space<vmem>>, vector<1x16xf32>,
      %broadcast_in_dim3A_90 = arith.constant 0.000000e+00 : f32
      %broadcast_in_dim3A_91 = vector.broadcast %broadcast_in_dim3A_90 : f32 to vector<16xf32>
      %swap3A_92 = arith.index_cast %scan3A_55 : i32 to index
      %swap3A_93 = arith.constant 80 : index
      %swap3A_94 = tpu.vector_load %arg7[%swap3A_92, %swap3A_93] {strides = array<i32>} : memref<40x128xf32, #tpu.memory_space<vmem>>, vector<1x16xf32>,
      %swap3A_95 = vector.shape_cast %swap3A_94 : vector<1x16xf32> to vector<16xf32>
      %swap3A_96 = vector.shape_cast %broadcast_in_dim3A_91 : vector<16xf32> to vector<1x16xf32>
      tpu.vector_store %arg7[%swap3A_92, %swap3A_93], %swap3A_96 {strides = array<i32>} : memref<40x128xf32, #tpu.memory_space<vmem>>, vector<1x16xf32>,
      %broadcast_in_dim3A_97 = arith.constant 0.000000e+00 : f32
      %broadcast_in_dim3A_98 = vector.broadcast %broadcast_in_dim3A_97 : f32 to vector<16xf32>
      %swap3A_99 = arith.index_cast %scan3A_55 : i32 to index
      %swap3A_100 = arith.constant 96 : index
      %swap3A_101 = tpu.vector_load %arg7[%swap3A_99, %swap3A_100] {strides = array<i32>} : memref<40x128xf32, #tpu.memory_space<vmem>>, vector<1x16xf32>,
      %swap3A_102 = vector.shape_cast %swap3A_101 : vector<1x16xf32> to vector<16xf32>
      %swap3A_103 = vector.shape_cast %broadcast_in_dim3A_98 : vector<16xf32> to vector<1x16xf32>
      tpu.vector_store %arg7[%swap3A_99, %swap3A_100], %swap3A_103 {strides = array<i32>} : memref<40x128xf32, #tpu.memory_space<vmem>>, vector<1x16xf32>,
      %broadcast_in_dim3A_104 = arith.constant 0.000000e+00 : f32
      %broadcast_in_dim3A_105 = vector.broadcast %broadcast_in_dim3A_104 : f32 to vector<16xf32>
      %swap3A_106 = arith.index_cast %scan3A_55 : i32 to index
      %swap3A_107 = arith.constant 112 : index
      %swap3A_108 = tpu.vector_load %arg7[%swap3A_106, %swap3A_107] {strides = array<i32>} : memref<40x128xf32, #tpu.memory_space<vmem>>, vector<1x16xf32>,
      %swap3A_109 = vector.shape_cast %swap3A_108 : vector<1x16xf32> to vector<16xf32>
      %swap3A_110 = vector.shape_cast %broadcast_in_dim3A_105 : vector<16xf32> to vector<1x16xf32>
      tpu.vector_store %arg7[%swap3A_106, %swap3A_107], %swap3A_110 {strides = array<i32>} : memref<40x128xf32, #tpu.memory_space<vmem>>, vector<1x16xf32>,
      %scan3A_111 = arith.constant 0 : i32
      %scan3A_112 = arith.constant 1 : i32
      %scan3A_113 = arith.addi %scan3A_55, %scan3A_112 : i32
      %broadcast_in_dim3A_114 = arith.constant 0.000000e+00 : f32
      %broadcast_in_dim3A_115 = vector.broadcast %broadcast_in_dim3A_114 : f32 to vector<16xf32>
      %swap3A_116 = arith.index_cast %scan3A_113 : i32 to index
      %swap3A_117 = arith.constant 0 : index
      %swap3A_118 = tpu.vector_load %arg7[%swap3A_116, %swap3A_117] {strides = array<i32>} : memref<40x128xf32, #tpu.memory_space<vmem>>, vector<1x16xf32>,
      %swap3A_119 = vector.shape_cast %swap3A_118 : vector<1x16xf32> to vector<16xf32>
      %swap3A_120 = vector.shape_cast %broadcast_in_dim3A_115 : vector<16xf32> to vector<1x16xf32>
      tpu.vector_store %arg7[%swap3A_116, %swap3A_117], %swap3A_120 {strides = array<i32>} : memref<40x128xf32, #tpu.memory_space<vmem>>, vector<1x16xf32>,
      %broadcast_in_dim3A_121 = arith.constant 0.000000e+00 : f32
      %broadcast_in_dim3A_122 = vector.broadcast %broadcast_in_dim3A_121 : f32 to vector<16xf32>
      %swap3A_123 = arith.index_cast %scan3A_113 : i32 to index
      %swap3A_124 = arith.constant 16 : index
      %swap3A_125 = tpu.vector_load %arg7[%swap3A_123, %swap3A_124] {strides = array<i32>} : memref<40x128xf32, #tpu.memory_space<vmem>>, vector<1x16xf32>,
      %swap3A_126 = vector.shape_cast %swap3A_125 : vector<1x16xf32> to vector<16xf32>
      %swap3A_127 = vector.shape_cast %broadcast_in_dim3A_122 : vector<16xf32> to vector<1x16xf32>
      tpu.vector_store %arg7[%swap3A_123, %swap3A_124], %swap3A_127 {strides = array<i32>} : memref<40x128xf32, #tpu.memory_space<vmem>>, vector<1x16xf32>,
      %broadcast_in_dim3A_128 = arith.constant 0.000000e+00 : f32
      %broadcast_in_dim3A_129 = vector.broadcast %broadcast_in_dim3A_128 : f32 to vector<16xf32>
      %swap3A_130 = arith.index_cast %scan3A_113 : i32 to index
      %swap3A_131 = arith.constant 32 : index
      %swap3A_132 = tpu.vector_load %arg7[%swap3A_130, %swap3A_131] {strides = array<i32>} : memref<40x128xf32, #tpu.memory_space<vmem>>, vector<1x16xf32>,
      %swap3A_133 = vector.shape_cast %swap3A_132 : vector<1x16xf32> to vector<16xf32>
      %swap3A_134 = vector.shape_cast %broadcast_in_dim3A_129 : vector<16xf32> to vector<1x16xf32>
      tpu.vector_store %arg7[%swap3A_130, %swap3A_131], %swap3A_134 {strides = array<i32>} : memref<40x128xf32, #tpu.memory_space<vmem>>, vector<1x16xf32>,
      %broadcast_in_dim3A_135 = arith.constant 0.000000e+00 : f32
      %broadcast_in_dim3A_136 = vector.broadcast %broadcast_in_dim3A_135 : f32 to vector<16xf32>
      %swap3A_137 = arith.index_cast %scan3A_113 : i32 to index
      %swap3A_138 = arith.constant 48 : index
      %swap3A_139 = tpu.vector_load %arg7[%swap3A_137, %swap3A_138] {strides = array<i32>} : memref<40x128xf32, #tpu.memory_space<vmem>>, vector<1x16xf32>,
      %swap3A_140 = vector.shape_cast %swap3A_139 : vector<1x16xf32> to vector<16xf32>
      %swap3A_141 = vector.shape_cast %broadcast_in_dim3A_136 : vector<16xf32> to vector<1x16xf32>
      tpu.vector_store %arg7[%swap3A_137, %swap3A_138], %swap3A_141 {strides = array<i32>} : memref<40x128xf32, #tpu.memory_space<vmem>>, vector<1x16xf32>,
      %broadcast_in_dim3A_142 = arith.constant 0.000000e+00 : f32
      %broadcast_in_dim3A_143 = vector.broadcast %broadcast_in_dim3A_142 : f32 to vector<16xf32>
      %swap3A_144 = arith.index_cast %scan3A_113 : i32 to index
      %swap3A_145 = arith.constant 64 : index
      %swap3A_146 = tpu.vector_load %arg7[%swap3A_144, %swap3A_145] {strides = array<i32>} : memref<40x128xf32, #tpu.memory_space<vmem>>, vector<1x16xf32>,
      %swap3A_147 = vector.shape_cast %swap3A_146 : vector<1x16xf32> to vector<16xf32>
      %swap3A_148 = vector.shape_cast %broadcast_in_dim3A_143 : vector<16xf32> to vector<1x16xf32>
      tpu.vector_store %arg7[%swap3A_144, %swap3A_145], %swap3A_148 {strides = array<i32>} : memref<40x128xf32, #tpu.memory_space<vmem>>, vector<1x16xf32>,
      %broadcast_in_dim3A_149 = arith.constant 0.000000e+00 : f32
      %broadcast_in_dim3A_150 = vector.broadcast %broadcast_in_dim3A_149 : f32 to vector<16xf32>
      %swap3A_151 = arith.index_cast %scan3A_113 : i32 to index
      %swap3A_152 = arith.constant 80 : index
      %swap3A_153 = tpu.vector_load %arg7[%swap3A_151, %swap3A_152] {strides = array<i32>} : memref<40x128xf32, #tpu.memory_space<vmem>>, vector<1x16xf32>,
      %swap3A_154 = vector.shape_cast %swap3A_153 : vector<1x16xf32> to vector<16xf32>
      %swap3A_155 = vector.shape_cast %broadcast_in_dim3A_150 : vector<16xf32> to vector<1x16xf32>
      tpu.vector_store %arg7[%swap3A_151, %swap3A_152], %swap3A_155 {strides = array<i32>} : memref<40x128xf32, #tpu.memory_space<vmem>>, vector<1x16xf32>,
      %broadcast_in_dim3A_156 = arith.constant 0.000000e+00 : f32
      %broadcast_in_dim3A_157 = vector.broadcast %broadcast_in_dim3A_156 : f32 to vector<16xf32>
      %swap3A_158 = arith.index_cast %scan3A_113 : i32 to index
      %swap3A_159 = arith.constant 96 : index
      %swap3A_160 = tpu.vector_load %arg7[%swap3A_158, %swap3A_159] {strides = array<i32>} : memref<40x128xf32, #tpu.memory_space<vmem>>, vector<1x16xf32>,
      %swap3A_161 = vector.shape_cast %swap3A_160 : vector<1x16xf32> to vector<16xf32>
      %swap3A_162 = vector.shape_cast %broadcast_in_dim3A_157 : vector<16xf32> to vector<1x16xf32>
      tpu.vector_store %arg7[%swap3A_158, %swap3A_159], %swap3A_162 {strides = array<i32>} : memref<40x128xf32, #tpu.memory_space<vmem>>, vector<1x16xf32>,
      %broadcast_in_dim3A_163 = arith.constant 0.000000e+00 : f32
      %broadcast_in_dim3A_164 = vector.broadcast %broadcast_in_dim3A_163 : f32 to vector<16xf32>
      %swap3A_165 = arith.index_cast %scan3A_113 : i32 to index
      %swap3A_166 = arith.constant 112 : index
      %swap3A_167 = tpu.vector_load %arg7[%swap3A_165, %swap3A_166] {strides = array<i32>} : memref<40x128xf32, #tpu.memory_space<vmem>>, vector<1x16xf32>,
      %swap3A_168 = vector.shape_cast %swap3A_167 : vector<1x16xf32> to vector<16xf32>
      %swap3A_169 = vector.shape_cast %broadcast_in_dim3A_164 : vector<16xf32> to vector<1x16xf32>
      tpu.vector_store %arg7[%swap3A_165, %swap3A_166], %swap3A_169 {strides = array<i32>} : memref<40x128xf32, #tpu.memory_space<vmem>>, vector<1x16xf32>,
      %scan3A_170 = arith.constant 0 : i32
      scf.yield %scan3A_170 : i32
    }
    %scan3A_6 = arith.constant 40 : i32
    %scan3A_7 = arith.constant 0 : i32
    %scan3A_8 = arith.constant 0 : i32
    %scan3A_9 = arith.constant 16 : i32
    %scan3A_10 = arith.addi %scan3A_8, %scan3A_9 : i32
    %scan3A_11 = arith.constant 1 : i32
    %scan3A_12 = scf.for %scan3A_55 = %scan3A_8 to %scan3A_10 step %scan3A_11 iter_args(%scan3A_56 = %scan3A_7) -> (i32)  : i32 {
      %mul3A_57 = arith.constant 640 : i32
      %mul3A_58 = arith.muli %arg1, %mul3A_57 : i32
      %mul3A_59 = arith.constant 40 : i32
      %mul3A_60 = arith.muli %scan3A_55, %mul3A_59 : i32
      %add3A_61 = arith.addi %mul3A_58, %mul3A_60 : i32
      "tpu.region"() ({
        %run_scoped3A = tpu.sem_alloc : memref<!tpu.dma_semaphore, #tpu.memory_space<semaphore_mem>>
        %dma_start3A_63 = arith.constant 0 : i32
        %dma_start3A_64 = tpu.memref_slice %arg15[%add3A_61, %dma_start3A_63] : memref<10240x128xf32, #tpu.memory_space<vmem_shared>> -> memref<40x128xf32, #tpu.memory_space<vmem_shared>>
        %dma_start3A_65 = arith.constant 0 : i32
        %dma_start3A_66 = tpu.memref_slice %arg15[%add3A_61, %dma_start3A_65] : memref<10240x128xf32, #tpu.memory_space<vmem_shared>> -> memref<40x128xf32, #tpu.memory_space<vmem_shared>>
        tpu.enqueue_dma source(%arg7 : memref<40x128xf32, #tpu.memory_space<vmem>>) target(%dma_start3A_66 : memref<40x128xf32, #tpu.memory_space<vmem_shared>>) target_semaphore(%run_scoped3A : memref<!tpu.dma_semaphore, #tpu.memory_space<semaphore_mem>>)
        %dma_wait3A = arith.constant 0 : i32
        %dma_wait3A_67 = tpu.memref_slice %arg15[%add3A_61, %dma_wait3A] : memref<10240x128xf32, #tpu.memory_space<vmem_shared>> -> memref<40x128xf32, #tpu.memory_space<vmem_shared>>
        %dma_wait3A_68 = arith.constant 0 : i32
        %dma_wait3A_69 = tpu.memref_slice %arg15[%add3A_61, %dma_wait3A_68] : memref<10240x128xf32, #tpu.memory_space<vmem_shared>> -> memref<40x128xf32, #tpu.memory_space<vmem_shared>>
        tpu.wait_dma2 semaphore(%run_scoped3A : memref<!tpu.dma_semaphore, #tpu.memory_space<semaphore_mem>>) src(%arg7 : memref<40x128xf32, #tpu.memory_space<vmem>>) dst(%dma_wait3A_69 : memref<40x128xf32, #tpu.memory_space<vmem_shared>>)
        tpu.yield
      }) : () -> ()
      %scan3A_62 = arith.constant 0 : i32
      scf.yield %scan3A_62 : i32
    }
    %scan3A_13 = arith.constant 16 : i32
    %barrier3A = arith.constant 0 : index
    tpu.barrier barrier_id(%barrier3A)
    %add3A_14 = arith.constant 0 : i32
    %add3A_15 = arith.addi %add3A, %add3A_14 : i32
    %mul3A_16 = arith.constant 40 : i32
    %mul3A_17 = arith.muli %add3A_15, %mul3A_16 : i32
    %dma_start3A = tpu.memref_slice %arg3[%mul3A_17] : memref<320000xi32, #tpu.memory_space<hbm>> -> memref<40xi32, #tpu.memory_space<hbm>>
    %dma_start3A_18 = tpu.memref_slice %arg3[%mul3A_17] : memref<320000xi32, #tpu.memory_space<hbm>> -> memref<40xi32, #tpu.memory_space<hbm>>
    tpu.enqueue_dma source(%dma_start3A_18 : memref<40xi32, #tpu.memory_space<hbm>>) target(%arg5 : memref<40xi32, #tpu.memory_space<vmem>>) target_semaphore(%arg9 : memref<!tpu.dma_semaphore, #tpu.memory_space<semaphore_mem>>)
    %add3A_19 = arith.constant 0 : i32
    %add3A_20 = arith.addi %add3A, %add3A_19 : i32
    %mul3A_21 = arith.constant 40 : i32
    %mul3A_22 = arith.muli %add3A_20, %mul3A_21 : i32
    %dma_start3A_23 = arith.constant 0 : i32
    %dma_start3A_24 = tpu.memref_slice %arg2[%mul3A_22, %dma_start3A_23] : memref<320000x128xf32, #tpu.memory_space<hbm>> -> memref<40x128xf32, #tpu.memory_space<hbm>>
    %dma_start3A_25 = arith.constant 0 : i32
    %dma_start3A_26 = tpu.memref_slice %arg2[%mul3A_22, %dma_start3A_25] : memref<320000x128xf32, #tpu.memory_space<hbm>> -> memref<40x128xf32, #tpu.memory_space<hbm>>
    tpu.enqueue_dma source(%dma_start3A_26 : memref<40x128xf32, #tpu.memory_space<hbm>>) target(%arg7 : memref<40x128xf32, #tpu.memory_space<vmem>>) target_semaphore(%arg11 : memref<!tpu.dma_semaphore, #tpu.memory_space<semaphore_mem>>)
    %add3A_27 = arith.constant 32 : i32
    %add3A_28 = arith.addi %add3A, %add3A_27 : i32
    %mul3A_29 = arith.constant 40 : i32
    %mul3A_30 = arith.muli %add3A_28, %mul3A_29 : i32
    %dma_start3A_31 = tpu.memref_slice %arg3[%mul3A_30] : memref<320000xi32, #tpu.memory_space<hbm>> -> memref<40xi32, #tpu.memory_space<hbm>>
    %dma_start3A_32 = tpu.memref_slice %arg3[%mul3A_30] : memref<320000xi32, #tpu.memory_space<hbm>> -> memref<40xi32, #tpu.memory_space<hbm>>
    tpu.enqueue_dma source(%dma_start3A_32 : memref<40xi32, #tpu.memory_space<hbm>>) target(%arg6 : memref<40xi32, #tpu.memory_space<vmem>>) target_semaphore(%arg10 : memref<!tpu.dma_semaphore, #tpu.memory_space<semaphore_mem>>)
    %add3A_33 = arith.constant 32 : i32
    %add3A_34 = arith.addi %add3A, %add3A_33 : i32
    %mul3A_35 = arith.constant 40 : i32
    %mul3A_36 = arith.muli %add3A_34, %mul3A_35 : i32
    %dma_start3A_37 = arith.constant 0 : i32
    %dma_start3A_38 = tpu.memref_slice %arg2[%mul3A_36, %dma_start3A_37] : memref<320000x128xf32, #tpu.memory_space<hbm>> -> memref<40x128xf32, #tpu.memory_space<hbm>>
    %dma_start3A_39 = arith.constant 0 : i32
    %dma_start3A_40 = tpu.memref_slice %arg2[%mul3A_36, %dma_start3A_39] : memref<320000x128xf32, #tpu.memory_space<hbm>> -> memref<40x128xf32, #tpu.memory_space<hbm>>
    tpu.enqueue_dma source(%dma_start3A_40 : memref<40x128xf32, #tpu.memory_space<hbm>>) target(%arg8 : memref<40x128xf32, #tpu.memory_space<vmem>>) target_semaphore(%arg12 : memref<!tpu.dma_semaphore, #tpu.memory_space<semaphore_mem>>)
    %scan3A_41 = arith.constant 0 : i32
    %scan3A_42 = arith.constant 0 : i32
    %scan3A_43 = arith.constant 125 : i32
    %scan3A_44 = arith.addi %scan3A_42, %scan3A_43 : i32
    %scan3A_45 = arith.constant 1 : i32
    %scan3A_46 = scf.for %scan3A_55 = %scan3A_42 to %scan3A_44 step %scan3A_45 iter_args(%scan3A_56 = %scan3A_41) -> (i32)  : i32 {
      %mul3A_57 = arith.constant 2 : i32
      %mul3A_58 = arith.muli %mul3A_57, %scan3A_55 : i32
      %add3A_59 = arith.constant 1 : i32
      %add3A_60 = arith.addi %mul3A_58, %add3A_59 : i32
      %mul3A_61 = arith.constant 32 : i32
      %mul3A_62 = arith.muli %mul3A_58, %mul3A_61 : i32
      %add3A_63 = arith.addi %add3A, %mul3A_62 : i32
      %mul3A_64 = arith.constant 40 : i32
      %mul3A_65 = arith.muli %add3A_63, %mul3A_64 : i32
      %dma_wait3A = tpu.memref_slice %arg3[%mul3A_65] : memref<320000xi32, #tpu.memory_space<hbm>> -> memref<40xi32, #tpu.memory_space<hbm>>
      %dma_wait3A_66 = tpu.memref_slice %arg3[%mul3A_65] : memref<320000xi32, #tpu.memory_space<hbm>> -> memref<40xi32, #tpu.memory_space<hbm>>
      tpu.wait_dma2 semaphore(%arg9 : memref<!tpu.dma_semaphore, #tpu.memory_space<semaphore_mem>>) src(%dma_wait3A_66 : memref<40xi32, #tpu.memory_space<hbm>>) dst(%arg5 : memref<40xi32, #tpu.memory_space<vmem>>)
      %mul3A_67 = arith.constant 32 : i32
      %mul3A_68 = arith.muli %mul3A_58, %mul3A_67 : i32
      %add3A_69 = arith.addi %add3A, %mul3A_68 : i32
      %mul3A_70 = arith.constant 40 : i32
      %mul3A_71 = arith.muli %add3A_69, %mul3A_70 : i32
      %dma_wait3A_72 = arith.constant 0 : i32
      %dma_wait3A_73 = tpu.memref_slice %arg2[%mul3A_71, %dma_wait3A_72] : memref<320000x128xf32, #tpu.memory_space<hbm>> -> memref<40x128xf32, #tpu.memory_space<hbm>>
      %dma_wait3A_74 = arith.constant 0 : i32
      %dma_wait3A_75 = tpu.memref_slice %arg2[%mul3A_71, %dma_wait3A_74] : memref<320000x128xf32, #tpu.memory_space<hbm>> -> memref<40x128xf32, #tpu.memory_space<hbm>>
      tpu.wait_dma2 semaphore(%arg11 : memref<!tpu.dma_semaphore, #tpu.memory_space<semaphore_mem>>) src(%dma_wait3A_75 : memref<40x128xf32, #tpu.memory_space<hbm>>) dst(%arg7 : memref<40x128xf32, #tpu.memory_space<vmem>>)
      %dma_start3A_76 = arith.constant 0 : i32
      %dma_start3A_77 = arith.constant 0 : i32
      %dma_start3A_78 = tpu.memref_slice %arg15[%dma_start3A_76, %dma_start3A_77] : memref<10240x128xf32, #tpu.memory_space<vmem_shared>> -> memref<10240x128xf32, #tpu.memory_space<vmem_shared>>
      tpu.enqueue_indirect_dma source(%arg7 : memref<40x128xf32, #tpu.memory_space<vmem>>) target(%dma_start3A_78 : memref<10240x128xf32, #tpu.memory_space<vmem_shared>>) offsets(%arg5 : memref<40xi32, #tpu.memory_space<vmem>>) semaphore(%arg13 : memref<!tpu.dma_semaphore, #tpu.memory_space<semaphore_mem>>) {add = true}
      %mul3A_79 = arith.constant 32 : i32
      %mul3A_80 = arith.muli %add3A_60, %mul3A_79 : i32
      %add3A_81 = arith.addi %add3A, %mul3A_80 : i32
      %mul3A_82 = arith.constant 40 : i32
      %mul3A_83 = arith.muli %add3A_81, %mul3A_82 : i32
      %dma_wait3A_84 = tpu.memref_slice %arg3[%mul3A_83] : memref<320000xi32, #tpu.memory_space<hbm>> -> memref<40xi32, #tpu.memory_space<hbm>>
      %dma_wait3A_85 = tpu.memref_slice %arg3[%mul3A_83] : memref<320000xi32, #tpu.memory_space<hbm>> -> memref<40xi32, #tpu.memory_space<hbm>>
      tpu.wait_dma2 semaphore(%arg10 : memref<!tpu.dma_semaphore, #tpu.memory_space<semaphore_mem>>) src(%dma_wait3A_85 : memref<40xi32, #tpu.memory_space<hbm>>) dst(%arg6 : memref<40xi32, #tpu.memory_space<vmem>>)
      %mul3A_86 = arith.constant 32 : i32
      %mul3A_87 = arith.muli %add3A_60, %mul3A_86 : i32
      %add3A_88 = arith.addi %add3A, %mul3A_87 : i32
      %mul3A_89 = arith.constant 40 : i32
      %mul3A_90 = arith.muli %add3A_88, %mul3A_89 : i32
      %dma_wait3A_91 = arith.constant 0 : i32
      %dma_wait3A_92 = tpu.memref_slice %arg2[%mul3A_90, %dma_wait3A_91] : memref<320000x128xf32, #tpu.memory_space<hbm>> -> memref<40x128xf32, #tpu.memory_space<hbm>>
      %dma_wait3A_93 = arith.constant 0 : i32
      %dma_wait3A_94 = tpu.memref_slice %arg2[%mul3A_90, %dma_wait3A_93] : memref<320000x128xf32, #tpu.memory_space<hbm>> -> memref<40x128xf32, #tpu.memory_space<hbm>>
      tpu.wait_dma2 semaphore(%arg12 : memref<!tpu.dma_semaphore, #tpu.memory_space<semaphore_mem>>) src(%dma_wait3A_94 : memref<40x128xf32, #tpu.memory_space<hbm>>) dst(%arg8 : memref<40x128xf32, #tpu.memory_space<vmem>>)
      %dma_start3A_95 = arith.constant 0 : i32
      %dma_start3A_96 = arith.constant 0 : i32
      %dma_start3A_97 = tpu.memref_slice %arg15[%dma_start3A_95, %dma_start3A_96] : memref<10240x128xf32, #tpu.memory_space<vmem_shared>> -> memref<10240x128xf32, #tpu.memory_space<vmem_shared>>
      tpu.enqueue_indirect_dma source(%arg8 : memref<40x128xf32, #tpu.memory_space<vmem>>) target(%dma_start3A_97 : memref<10240x128xf32, #tpu.memory_space<vmem_shared>>) offsets(%arg6 : memref<40xi32, #tpu.memory_space<vmem>>) semaphore(%arg14 : memref<!tpu.dma_semaphore, #tpu.memory_space<semaphore_mem>>) {add = true}
      %dma_wait3A_98 = arith.constant 0 : i32
      %dma_wait3A_99 = arith.constant 0 : i32
      %dma_wait3A_100 = tpu.memref_slice %arg15[%dma_wait3A_98, %dma_wait3A_99] : memref<10240x128xf32, #tpu.memory_space<vmem_shared>> -> memref<10240x128xf32, #tpu.memory_space<vmem_shared>>
      tpu.wait_indirect_dma semaphore(%arg13 : memref<!tpu.dma_semaphore, #tpu.memory_space<semaphore_mem>>) src(%arg7 : memref<40x128xf32, #tpu.memory_space<vmem>>) dst(%dma_wait3A_100 : memref<10240x128xf32, #tpu.memory_space<vmem_shared>>)
      %add3A_101 = arith.constant 2 : i32
      %add3A_102 = arith.addi %mul3A_58, %add3A_101 : i32
      %lt3A_103 = arith.constant 250 : i32
      %lt3A_104 = arith.cmpi slt, %add3A_102, %lt3A_103 : i32
      %convert_element_type3A_105 = arith.extui %lt3A_104 : i1 to i32
      %cond3A_106 = arith.constant 0 : i32
      %cond3A_107 = arith.cmpi ne, %convert_element_type3A_105, %cond3A_106 : i32
      scf.if %cond3A_107 {
        %add3A_119 = arith.constant 2 : i32
        %add3A_120 = arith.addi %mul3A_58, %add3A_119 : i32
        %mul3A_121 = arith.constant 32 : i32
        %mul3A_122 = arith.muli %add3A_120, %mul3A_121 : i32
        %add3A_123 = arith.addi %add3A, %mul3A_122 : i32
        %mul3A_124 = arith.constant 40 : i32
        %mul3A_125 = arith.muli %add3A_123, %mul3A_124 : i32
        %dma_start3A_126 = tpu.memref_slice %arg3[%mul3A_125] : memref<320000xi32, #tpu.memory_space<hbm>> -> memref<40xi32, #tpu.memory_space<hbm>>
        %dma_start3A_127 = tpu.memref_slice %arg3[%mul3A_125] : memref<320000xi32, #tpu.memory_space<hbm>> -> memref<40xi32, #tpu.memory_space<hbm>>
        tpu.enqueue_dma source(%dma_start3A_127 : memref<40xi32, #tpu.memory_space<hbm>>) target(%arg5 : memref<40xi32, #tpu.memory_space<vmem>>) target_semaphore(%arg9 : memref<!tpu.dma_semaphore, #tpu.memory_space<semaphore_mem>>)
        %mul3A_128 = arith.constant 32 : i32
        %mul3A_129 = arith.muli %add3A_120, %mul3A_128 : i32
        %add3A_130 = arith.addi %add3A, %mul3A_129 : i32
        %mul3A_131 = arith.constant 40 : i32
        %mul3A_132 = arith.muli %add3A_130, %mul3A_131 : i32
        %dma_start3A_133 = arith.constant 0 : i32
        %dma_start3A_134 = tpu.memref_slice %arg2[%mul3A_132, %dma_start3A_133] : memref<320000x128xf32, #tpu.memory_space<hbm>> -> memref<40x128xf32, #tpu.memory_space<hbm>>
        %dma_start3A_135 = arith.constant 0 : i32
        %dma_start3A_136 = tpu.memref_slice %arg2[%mul3A_132, %dma_start3A_135] : memref<320000x128xf32, #tpu.memory_space<hbm>> -> memref<40x128xf32, #tpu.memory_space<hbm>>
        tpu.enqueue_dma source(%dma_start3A_136 : memref<40x128xf32, #tpu.memory_space<hbm>>) target(%arg7 : memref<40x128xf32, #tpu.memory_space<vmem>>) target_semaphore(%arg11 : memref<!tpu.dma_semaphore, #tpu.memory_space<semaphore_mem>>)
      } else {
      }
      %dma_wait3A_108 = arith.constant 0 : i32
      %dma_wait3A_109 = arith.constant 0 : i32
      %dma_wait3A_110 = tpu.memref_slice %arg15[%dma_wait3A_108, %dma_wait3A_109] : memref<10240x128xf32, #tpu.memory_space<vmem_shared>> -> memref<10240x128xf32, #tpu.memory_space<vmem_shared>>
      tpu.wait_indirect_dma semaphore(%arg14 : memref<!tpu.dma_semaphore, #tpu.memory_space<semaphore_mem>>) src(%arg8 : memref<40x128xf32, #tpu.memory_space<vmem>>) dst(%dma_wait3A_110 : memref<10240x128xf32, #tpu.memory_space<vmem_shared>>)
      %add3A_111 = arith.constant 2 : i32
      %add3A_112 = arith.addi %add3A_60, %add3A_111 : i32
      %lt3A_113 = arith.constant 250 : i32
      %lt3A_114 = arith.cmpi slt, %add3A_112, %lt3A_113 : i32
      %convert_element_type3A_115 = arith.extui %lt3A_114 : i1 to i32
      %cond3A_116 = arith.constant 0 : i32
      %cond3A_117 = arith.cmpi ne, %convert_element_type3A_115, %cond3A_116 : i32
      scf.if %cond3A_117 {
        %add3A_119 = arith.constant 2 : i32
        %add3A_120 = arith.addi %add3A_60, %add3A_119 : i32
        %mul3A_121 = arith.constant 32 : i32
        %mul3A_122 = arith.muli %add3A_120, %mul3A_121 : i32
        %add3A_123 = arith.addi %add3A, %mul3A_122 : i32
        %mul3A_124 = arith.constant 40 : i32
        %mul3A_125 = arith.muli %add3A_123, %mul3A_124 : i32
        %dma_start3A_126 = tpu.memref_slice %arg3[%mul3A_125] : memref<320000xi32, #tpu.memory_space<hbm>> -> memref<40xi32, #tpu.memory_space<hbm>>
        %dma_start3A_127 = tpu.memref_slice %arg3[%mul3A_125] : memref<320000xi32, #tpu.memory_space<hbm>> -> memref<40xi32, #tpu.memory_space<hbm>>
        tpu.enqueue_dma source(%dma_start3A_127 : memref<40xi32, #tpu.memory_space<hbm>>) target(%arg6 : memref<40xi32, #tpu.memory_space<vmem>>) target_semaphore(%arg10 : memref<!tpu.dma_semaphore, #tpu.memory_space<semaphore_mem>>)
        %mul3A_128 = arith.constant 32 : i32
        %mul3A_129 = arith.muli %add3A_120, %mul3A_128 : i32
        %add3A_130 = arith.addi %add3A, %mul3A_129 : i32
        %mul3A_131 = arith.constant 40 : i32
        %mul3A_132 = arith.muli %add3A_130, %mul3A_131 : i32
        %dma_start3A_133 = arith.constant 0 : i32
        %dma_start3A_134 = tpu.memref_slice %arg2[%mul3A_132, %dma_start3A_133] : memref<320000x128xf32, #tpu.memory_space<hbm>> -> memref<40x128xf32, #tpu.memory_space<hbm>>
        %dma_start3A_135 = arith.constant 0 : i32
        %dma_start3A_136 = tpu.memref_slice %arg2[%mul3A_132, %dma_start3A_135] : memref<320000x128xf32, #tpu.memory_space<hbm>> -> memref<40x128xf32, #tpu.memory_space<hbm>>
        tpu.enqueue_dma source(%dma_start3A_136 : memref<40x128xf32, #tpu.memory_space<hbm>>) target(%arg8 : memref<40x128xf32, #tpu.memory_space<vmem>>) target_semaphore(%arg12 : memref<!tpu.dma_semaphore, #tpu.memory_space<semaphore_mem>>)
      } else {
      }
      %scan3A_118 = arith.constant 0 : i32
      scf.yield %scan3A_118 : i32
    }
    %scan3A_47 = arith.constant 125 : i32
    %barrier3A_48 = arith.constant 0 : index
    tpu.barrier barrier_id(%barrier3A_48)
    %lt3A = arith.constant 15 : i32
    %lt3A_49 = arith.cmpi slt, %arg1, %lt3A : i32
    %convert_element_type3A = arith.extui %lt3A_49 : i1 to i32
    %cond3A = arith.constant 0 : i32
    %cond3A_50 = arith.cmpi ne, %convert_element_type3A, %cond3A : i32
    scf.if %cond3A_50 {
      %mul3A_55 = arith.constant 640 : i32
      %mul3A_56 = arith.muli %arg1, %mul3A_55 : i32
      %mul3A_57 = arith.constant 640 : i32
      %mul3A_58 = arith.muli %arg1, %mul3A_57 : i32
      "tpu.region"() ({
        %run_scoped3A = tpu.sem_alloc : memref<!tpu.dma_semaphore, #tpu.memory_space<semaphore_mem>>
        %dma_start3A_59 = arith.constant 0 : i32
        %dma_start3A_60 = tpu.memref_slice %arg4[%arg0, %mul3A_58, %dma_start3A_59] : memref<2x10000x128xf32, #tpu.memory_space<hbm>> -> memref<1x640x128xf32, #tpu.memory_space<hbm>>
        %dma_start3A_61 = tpu.memref_squeeze %dma_start3A_60 : memref<1x640x128xf32, #tpu.memory_space<hbm>> -> memref<640x128xf32, #tpu.memory_space<hbm>>
        %dma_start3A_62 = arith.constant 0 : i32
        %dma_start3A_63 = tpu.memref_slice %arg15[%mul3A_56, %dma_start3A_62] : memref<10240x128xf32, #tpu.memory_space<vmem_shared>> -> memref<640x128xf32, #tpu.memory_space<vmem_shared>>
        tpu.enqueue_dma source(%dma_start3A_63 : memref<640x128xf32, #tpu.memory_space<vmem_shared>>) target(%dma_start3A_61 : memref<640x128xf32, #tpu.memory_space<hbm>>) target_semaphore(%run_scoped3A : memref<!tpu.dma_semaphore, #tpu.memory_space<semaphore_mem>>)
        %dma_wait3A = arith.constant 0 : i32
        %dma_wait3A_64 = tpu.memref_slice %arg4[%arg0, %mul3A_58, %dma_wait3A] : memref<2x10000x128xf32, #tpu.memory_space<hbm>> -> memref<1x640x128xf32, #tpu.memory_space<hbm>>
        %dma_wait3A_65 = tpu.memref_squeeze %dma_wait3A_64 : memref<1x640x128xf32, #tpu.memory_space<hbm>> -> memref<640x128xf32, #tpu.memory_space<hbm>>
        %dma_wait3A_66 = arith.constant 0 : i32
        %dma_wait3A_67 = tpu.memref_slice %arg15[%mul3A_56, %dma_wait3A_66] : memref<10240x128xf32, #tpu.memory_space<vmem_shared>> -> memref<640x128xf32, #tpu.memory_space<vmem_shared>>
        tpu.wait_dma2 semaphore(%run_scoped3A : memref<!tpu.dma_semaphore, #tpu.memory_space<semaphore_mem>>) src(%dma_wait3A_67 : memref<640x128xf32, #tpu.memory_space<vmem_shared>>) dst(%dma_wait3A_65 : memref<640x128xf32, #tpu.memory_space<hbm>>)
        tpu.yield
      }) : () -> ()
    } else {
    }
    %eq3A = arith.constant 15 : i32
    %eq3A_51 = arith.cmpi eq, %arg1, %eq3A : i32
    %convert_element_type3A_52 = arith.extui %eq3A_51 : i1 to i32
    %cond3A_53 = arith.constant 0 : i32
    %cond3A_54 = arith.cmpi ne, %convert_element_type3A_52, %cond3A_53 : i32
    scf.if %cond3A_54 {
      "tpu.region"() ({
        %run_scoped3A = tpu.sem_alloc : memref<!tpu.dma_semaphore, #tpu.memory_space<semaphore_mem>>
        %dma_start3A_55 = arith.constant 9600 : i32
        %dma_start3A_56 = arith.constant 0 : i32
        %dma_start3A_57 = tpu.memref_slice %arg4[%arg0, %dma_start3A_55, %dma_start3A_56] : memref<2x10000x128xf32, #tpu.memory_space<hbm>> -> memref<1x400x128xf32, #tpu.memory_space<hbm>>
        %dma_start3A_58 = tpu.memref_squeeze %dma_start3A_57 : memref<1x400x128xf32, #tpu.memory_space<hbm>> -> memref<400x128xf32, #tpu.memory_space<hbm>>
        %dma_start3A_59 = arith.constant 9600 : i32
        %dma_start3A_60 = arith.constant 0 : i32
        %dma_start3A_61 = tpu.memref_slice %arg15[%dma_start3A_59, %dma_start3A_60] : memref<10240x128xf32, #tpu.memory_space<vmem_shared>> -> memref<400x128xf32, #tpu.memory_space<vmem_shared>>
        tpu.enqueue_dma source(%dma_start3A_61 : memref<400x128xf32, #tpu.memory_space<vmem_shared>>) target(%dma_start3A_58 : memref<400x128xf32, #tpu.memory_space<hbm>>) target_semaphore(%run_scoped3A : memref<!tpu.dma_semaphore, #tpu.memory_space<semaphore_mem>>)
        %dma_wait3A = arith.constant 9600 : i32
        %dma_wait3A_62 = arith.constant 0 : i32
        %dma_wait3A_63 = tpu.memref_slice %arg4[%arg0, %dma_wait3A, %dma_wait3A_62] : memref<2x10000x128xf32, #tpu.memory_space<hbm>> -> memref<1x400x128xf32, #tpu.memory_space<hbm>>
        %dma_wait3A_64 = tpu.memref_squeeze %dma_wait3A_63 : memref<1x400x128xf32, #tpu.memory_space<hbm>> -> memref<400x128xf32, #tpu.memory_space<hbm>>
        %dma_wait3A_65 = arith.constant 9600 : i32
        %dma_wait3A_66 = arith.constant 0 : i32
        %dma_wait3A_67 = tpu.memref_slice %arg15[%dma_wait3A_65, %dma_wait3A_66] : memref<10240x128xf32, #tpu.memory_space<vmem_shared>> -> memref<400x128xf32, #tpu.memory_space<vmem_shared>>
        tpu.wait_dma2 semaphore(%run_scoped3A : memref<!tpu.dma_semaphore, #tpu.memory_space<semaphore_mem>>) src(%dma_wait3A_67 : memref<400x128xf32, #tpu.memory_space<vmem_shared>>) dst(%dma_wait3A_64 : memref<400x128xf32, #tpu.memory_space<hbm>>)
        tpu.yield
      }) : () -> ()
    } else {
    }
    return
  }
}

module attributes {stable_mosaic.version = 14 : i64} {
  func.func @_pq_body(%arg0: memref<10000x128xf32, #tpu.memory_space<vmem>>, %arg1: memref<128x128xf32, #tpu.memory_space<vmem>>, %arg2: memref<128x128xf32, #tpu.memory_space<vmem>>, %arg3: memref<16x128xf32, #tpu.memory_space<vmem>>, %arg4: memref<1x128xf32, #tpu.memory_space<vmem>>, %arg5: memref<16x128xf32, #tpu.memory_space<vmem>>, %arg6: memref<1x128xf32, #tpu.memory_space<vmem>>, %arg7: memref<1x16xf32, #tpu.memory_space<vmem>>, %arg8: memref<10000x128xf32, #tpu.memory_space<vmem>>, %arg9: memref<10000x128xf32, #tpu.memory_space<vmem>>, %arg10: memref<1x128xf32, #tpu.memory_space<vmem>>) attributes {dimension_semantics = [], scalar_prefetch = 0 : i64, scratch_operands = 0 : i64, tpu.core_type = #tpu.core_type<tc>} {
    %get3A = arith.constant 0 : index
    %get3A_0 = arith.constant 0 : index
    %get3A_1 = vector.load %arg0[%get3A, %get3A_0] : memref<10000x128xf32, #tpu.memory_space<vmem>>, vector<10000x128xf32>
    %get3A_2 = arith.constant 0 : index
    %get3A_3 = arith.constant 0 : index
    %get3A_4 = vector.load %arg7[%get3A_2, %get3A_3] : memref<1x16xf32, #tpu.memory_space<vmem>>, vector<1x16xf32>
    %get3A_5 = arith.constant 0 : index
    %get3A_6 = arith.constant 0 : index
    %get3A_7 = vector.load %arg3[%get3A_5, %get3A_6] : memref<16x128xf32, #tpu.memory_space<vmem>>, vector<16x128xf32>
    %dot_general3A = arith.constant dense<0.000000e+00> : vector<1x128xf32>
    %dot_general3A_8 = tpu.matmul %get3A_4, %get3A_7, %dot_general3A {dimension_numbers = #tpu.dot_dimension_numbers<[1], [0], [0], [1], [0, 0, 1, 1], [], []>, transpose_lhs_hint = false} : vector<1x16xf32>, vector<16x128xf32>, vector<1x128xf32> -> vector<1x128xf32>
    %get3A_9 = arith.constant 0 : index
    %get3A_10 = arith.constant 0 : index
    %get3A_11 = vector.load %arg4[%get3A_9, %get3A_10] : memref<1x128xf32, #tpu.memory_space<vmem>>, vector<1x128xf32>
    %add3A = arith.addf %dot_general3A_8, %get3A_11 : vector<1x128xf32>
    %get3A_12 = arith.constant 0 : index
    %get3A_13 = arith.constant 0 : index
    %get3A_14 = vector.load %arg1[%get3A_12, %get3A_13] : memref<128x128xf32, #tpu.memory_space<vmem>>, vector<128x128xf32>
    %dot_general3A_15 = arith.constant dense<0.000000e+00> : vector<10000x128xf32>
    %dot_general3A_16 = tpu.matmul %get3A_1, %get3A_14, %dot_general3A_15 {dimension_numbers = #tpu.dot_dimension_numbers<[1], [0], [0], [1], [0, 0, 1, 1], [], []>, transpose_lhs_hint = false} : vector<10000x128xf32>, vector<128x128xf32>, vector<10000x128xf32> -> vector<10000x128xf32>
    %add3A_17 = vector.broadcast %add3A : vector<1x128xf32> to vector<10000x128xf32>
    %add3A_18 = arith.addf %dot_general3A_16, %add3A_17 : vector<10000x128xf32>
    %swap3A = arith.constant 0 : index
    %swap3A_19 = arith.constant 0 : index
    %swap3A_20 = vector.load %arg8[%swap3A, %swap3A_19] : memref<10000x128xf32, #tpu.memory_space<vmem>>, vector<10000x128xf32>
    tpu.vector_store %arg8[%swap3A, %swap3A_19], %add3A_18 {strides = array<i32>} : memref<10000x128xf32, #tpu.memory_space<vmem>>, vector<10000x128xf32>,
    %get3A_21 = arith.constant 0 : index
    %get3A_22 = arith.constant 0 : index
    %get3A_23 = vector.load %arg2[%get3A_21, %get3A_22] : memref<128x128xf32, #tpu.memory_space<vmem>>, vector<128x128xf32>
    %dot_general3A_24 = arith.constant dense<0.000000e+00> : vector<10000x128xf32>
    %dot_general3A_25 = tpu.matmul %get3A_1, %get3A_23, %dot_general3A_24 {dimension_numbers = #tpu.dot_dimension_numbers<[1], [0], [0], [1], [0, 0, 1, 1], [], []>, transpose_lhs_hint = false} : vector<10000x128xf32>, vector<128x128xf32>, vector<10000x128xf32> -> vector<10000x128xf32>
    %swap3A_26 = arith.constant 0 : index
    %swap3A_27 = arith.constant 0 : index
    %swap3A_28 = vector.load %arg9[%swap3A_26, %swap3A_27] : memref<10000x128xf32, #tpu.memory_space<vmem>>, vector<10000x128xf32>
    tpu.vector_store %arg9[%swap3A_26, %swap3A_27], %dot_general3A_25 {strides = array<i32>} : memref<10000x128xf32, #tpu.memory_space<vmem>>, vector<10000x128xf32>,
    %get3A_29 = arith.constant 0 : index
    %get3A_30 = arith.constant 0 : index
    %get3A_31 = vector.load %arg7[%get3A_29, %get3A_30] : memref<1x16xf32, #tpu.memory_space<vmem>>, vector<1x16xf32>
    %get3A_32 = arith.constant 0 : index
    %get3A_33 = arith.constant 0 : index
    %get3A_34 = vector.load %arg5[%get3A_32, %get3A_33] : memref<16x128xf32, #tpu.memory_space<vmem>>, vector<16x128xf32>
    %dot_general3A_35 = arith.constant dense<0.000000e+00> : vector<1x128xf32>
    %dot_general3A_36 = tpu.matmul %get3A_31, %get3A_34, %dot_general3A_35 {dimension_numbers = #tpu.dot_dimension_numbers<[1], [0], [0], [1], [0, 0, 1, 1], [], []>, transpose_lhs_hint = false} : vector<1x16xf32>, vector<16x128xf32>, vector<1x128xf32> -> vector<1x128xf32>
    %get3A_37 = arith.constant 0 : index
    %get3A_38 = arith.constant 0 : index
    %get3A_39 = vector.load %arg6[%get3A_37, %get3A_38] : memref<1x128xf32, #tpu.memory_space<vmem>>, vector<1x128xf32>
    %add3A_40 = arith.addf %dot_general3A_36, %get3A_39 : vector<1x128xf32>
    %swap3A_41 = arith.constant 0 : index
    %swap3A_42 = arith.constant 0 : index
    %swap3A_43 = vector.load %arg10[%swap3A_41, %swap3A_42] : memref<1x128xf32, #tpu.memory_space<vmem>>, vector<1x128xf32>
    tpu.vector_store %arg10[%swap3A_41, %swap3A_42], %add3A_40 {strides = array<i32>} : memref<1x128xf32, #tpu.memory_space<vmem>>, vector<1x128xf32>,
    return
  }
}

module attributes {stable_mosaic.version = 14 : i64} {
  func.func @_edge_body(%arg0: i32, %arg1: memref<4000x128xf32, #tpu.memory_space<vmem>>, %arg2: memref<4000x16xf32, #tpu.memory_space<vmem>>, %arg3: memref<16x128xf32, #tpu.memory_space<vmem>>, %arg4: memref<128x64xf32, #tpu.memory_space<vmem>>, %arg5: memref<1x64xf32, #tpu.memory_space<vmem>>, %arg6: memref<64x64xf32, #tpu.memory_space<vmem>>, %arg7: memref<1x64xf32, #tpu.memory_space<vmem>>, %arg8: memref<4000x64xf32, #tpu.memory_space<vmem>>, %arg9: memref<4000x128xf32, #tpu.memory_space<vmem>>, %arg10: memref<1x1x64xf32, #tpu.memory_space<vmem>>) attributes {dimension_semantics = [#tpu.dimension_semantics<arbitrary>], iteration_bounds = array<i64: 80>, scalar_prefetch = 0 : i64, scratch_operands = 0 : i64, tpu.core_type = #tpu.core_type<tc>, window_params = [{transform_indices = @transform_0, window_bounds = array<i64: 4000, 128>}, {transform_indices = @transform_1, window_bounds = array<i64: 4000, 16>}, {pipeline_mode = #tpu.pipeline_mode<synchronous>, transform_indices = @transform_2, window_bounds = array<i64: 16, 128>}, {pipeline_mode = #tpu.pipeline_mode<synchronous>, transform_indices = @transform_3, window_bounds = array<i64: 128, 64>}, {pipeline_mode = #tpu.pipeline_mode<synchronous>, transform_indices = @transform_4, window_bounds = array<i64: 1, 64>}, {pipeline_mode = #tpu.pipeline_mode<synchronous>, transform_indices = @transform_5, window_bounds = array<i64: 64, 64>}, {pipeline_mode = #tpu.pipeline_mode<synchronous>, transform_indices = @transform_6, window_bounds = array<i64: 1, 64>}, {transform_indices = @transform_7, window_bounds = array<i64: 4000, 64>}, {transform_indices = @transform_8, window_bounds = array<i64: 4000, 128>}, {transform_indices = @transform_9, window_bounds = array<i64: 1, 1, 64>}]} {
    %get3A = arith.constant 0 : index
    %get3A_0 = arith.constant 0 : index
    %get3A_1 = vector.load %arg1[%get3A, %get3A_0] : memref<4000x128xf32, #tpu.memory_space<vmem>>, vector<4000x128xf32>
    %get3A_2 = arith.constant 0 : index
    %get3A_3 = arith.constant 0 : index
    %get3A_4 = vector.load %arg2[%get3A_2, %get3A_3] : memref<4000x16xf32, #tpu.memory_space<vmem>>, vector<4000x16xf32>
    %get3A_5 = arith.constant 0 : index
    %get3A_6 = arith.constant 0 : index
    %get3A_7 = vector.load %arg3[%get3A_5, %get3A_6] : memref<16x128xf32, #tpu.memory_space<vmem>>, vector<16x128xf32>
    %dot_general3A = arith.constant dense<0.000000e+00> : vector<4000x128xf32>
    %dot_general3A_8 = tpu.matmul %get3A_4, %get3A_7, %dot_general3A {dimension_numbers = #tpu.dot_dimension_numbers<[1], [0], [0], [1], [0, 0, 1, 1], [], []>, transpose_lhs_hint = false} : vector<4000x16xf32>, vector<16x128xf32>, vector<4000x128xf32> -> vector<4000x128xf32>
    %add3A = arith.addf %get3A_1, %dot_general3A_8 : vector<4000x128xf32>
    %max3A = arith.constant 0.000000e+00 : f32
    %max3A_9 = vector.broadcast %max3A : f32 to vector<4000x128xf32>
    %max3A_10 = arith.maximumf %add3A, %max3A_9 : vector<4000x128xf32>
    %get3A_11 = arith.constant 0 : index
    %get3A_12 = arith.constant 0 : index
    %get3A_13 = vector.load %arg4[%get3A_11, %get3A_12] : memref<128x64xf32, #tpu.memory_space<vmem>>, vector<128x64xf32>
    %dot_general3A_14 = arith.constant dense<0.000000e+00> : vector<4000x64xf32>
    %dot_general3A_15 = tpu.matmul %max3A_10, %get3A_13, %dot_general3A_14 {dimension_numbers = #tpu.dot_dimension_numbers<[1], [0], [0], [1], [0, 0, 1, 1], [], []>, transpose_lhs_hint = false} : vector<4000x128xf32>, vector<128x64xf32>, vector<4000x64xf32> -> vector<4000x64xf32>
    %get3A_16 = arith.constant 0 : index
    %get3A_17 = arith.constant 0 : index
    %get3A_18 = vector.load %arg5[%get3A_16, %get3A_17] : memref<1x64xf32, #tpu.memory_space<vmem>>, vector<1x64xf32>
    %add3A_19 = vector.broadcast %get3A_18 : vector<1x64xf32> to vector<4000x64xf32>
    %add3A_20 = arith.addf %dot_general3A_15, %add3A_19 : vector<4000x64xf32>
    %max3A_21 = arith.constant 0.000000e+00 : f32
    %max3A_22 = vector.broadcast %max3A_21 : f32 to vector<4000x64xf32>
    %max3A_23 = arith.maximumf %add3A_20, %max3A_22 : vector<4000x64xf32>
    %get3A_24 = arith.constant 0 : index
    %get3A_25 = arith.constant 0 : index
    %get3A_26 = vector.load %arg6[%get3A_24, %get3A_25] : memref<64x64xf32, #tpu.memory_space<vmem>>, vector<64x64xf32>
    %dot_general3A_27 = arith.constant dense<0.000000e+00> : vector<4000x64xf32>
    %dot_general3A_28 = tpu.matmul %max3A_23, %get3A_26, %dot_general3A_27 {dimension_numbers = #tpu.dot_dimension_numbers<[1], [0], [0], [1], [0, 0, 1, 1], [], []>, transpose_lhs_hint = false} : vector<4000x64xf32>, vector<64x64xf32>, vector<4000x64xf32> -> vector<4000x64xf32>
    %get3A_29 = arith.constant 0 : index
    %get3A_30 = arith.constant 0 : index
    %get3A_31 = vector.load %arg7[%get3A_29, %get3A_30] : memref<1x64xf32, #tpu.memory_space<vmem>>, vector<1x64xf32>
    %add3A_32 = vector.broadcast %get3A_31 : vector<1x64xf32> to vector<4000x64xf32>
    %add3A_33 = arith.addf %dot_general3A_28, %add3A_32 : vector<4000x64xf32>
    %swap3A = arith.constant 0 : index
    %swap3A_34 = arith.constant 0 : index
    %swap3A_35 = vector.load %arg8[%swap3A, %swap3A_34] : memref<4000x64xf32, #tpu.memory_space<vmem>>, vector<4000x64xf32>
    tpu.vector_store %arg8[%swap3A, %swap3A_34], %add3A_33 {strides = array<i32>} : memref<4000x64xf32, #tpu.memory_space<vmem>>, vector<4000x64xf32>,
    %broadcast_in_dim3A = arith.constant 0.000000e+00 : f32
    %broadcast_in_dim3A_36 = vector.broadcast %broadcast_in_dim3A : f32 to vector<4000x64xf32>
    %concatenate3A = tpu.concatenate %add3A_33, %broadcast_in_dim3A_36 in 1 : vector<4000x64xf32>, vector<4000x64xf32> -> vector<4000x128xf32>
    %swap3A_37 = arith.constant 0 : index
    %swap3A_38 = arith.constant 0 : index
    %swap3A_39 = vector.load %arg9[%swap3A_37, %swap3A_38] : memref<4000x128xf32, #tpu.memory_space<vmem>>, vector<4000x128xf32>
    tpu.vector_store %arg9[%swap3A_37, %swap3A_38], %concatenate3A {strides = array<i32>} : memref<4000x128xf32, #tpu.memory_space<vmem>>, vector<4000x128xf32>,
    %reduce_sum3A = arith.constant dense<0.000000e+00> : vector<64xf32>
    %reduce_sum3A_40 = vector.multi_reduction <add>, %add3A_33, %reduce_sum3A [0] : vector<4000x64xf32> to vector<64xf32>
    %broadcast_in_dim3A_41 = vector.shape_cast %reduce_sum3A_40 : vector<64xf32> to vector<1x64xf32>
    %broadcast_in_dim3A_42 = vector.shape_cast %broadcast_in_dim3A_41 : vector<1x64xf32> to vector<1x1x64xf32>
    %swap3A_43 = arith.constant 0 : index
    %swap3A_44 = arith.constant 0 : index
    %swap3A_45 = arith.constant 0 : index
    %swap3A_46 = vector.load %arg10[%swap3A_43, %swap3A_44, %swap3A_45] : memref<1x1x64xf32, #tpu.memory_space<vmem>>, vector<1x1x64xf32>
    tpu.vector_store %arg10[%swap3A_43, %swap3A_44, %swap3A_45], %broadcast_in_dim3A_42 {strides = array<i32>} : memref<1x1x64xf32, #tpu.memory_space<vmem>>, vector<1x1x64xf32>,
    return
  }
  func.func @transform_0(%arg0: i32) -> (i32, i32) {
    %c0_i32 = arith.constant 0 : i32
    %c0_i32_0 = arith.constant 0 : i32
    return %arg0, %c0_i32 : i32, i32
  }
  func.func @transform_1(%arg0: i32) -> (i32, i32) {
    %c0_i32 = arith.constant 0 : i32
    %c0_i32_0 = arith.constant 0 : i32
    return %arg0, %c0_i32 : i32, i32
  }
  func.func @transform_2(%arg0: i32) -> (i32, i32) {
    %c0_i32 = arith.constant 0 : i32
    %c0_i32_0 = arith.constant 0 : i32
    %c0_i32_1 = arith.constant 0 : i32
    return %c0_i32, %c0_i32_0 : i32, i32
  }
  func.func @transform_3(%arg0: i32) -> (i32, i32) {
    %c0_i32 = arith.constant 0 : i32
    %c0_i32_0 = arith.constant 0 : i32
    %c0_i32_1 = arith.constant 0 : i32
    return %c0_i32, %c0_i32_0 : i32, i32
  }
  func.func @transform_4(%arg0: i32) -> (i32, i32) {
    %c0_i32 = arith.constant 0 : i32
    %c0_i32_0 = arith.constant 0 : i32
    %c0_i32_1 = arith.constant 0 : i32
    return %c0_i32, %c0_i32_0 : i32, i32
  }
  func.func @transform_5(%arg0: i32) -> (i32, i32) {
    %c0_i32 = arith.constant 0 : i32
    %c0_i32_0 = arith.constant 0 : i32
    %c0_i32_1 = arith.constant 0 : i32
    return %c0_i32, %c0_i32_0 : i32, i32
  }
  func.func @transform_6(%arg0: i32) -> (i32, i32) {
    %c0_i32 = arith.constant 0 : i32
    %c0_i32_0 = arith.constant 0 : i32
    %c0_i32_1 = arith.constant 0 : i32
    return %c0_i32, %c0_i32_0 : i32, i32
  }
  func.func @transform_7(%arg0: i32) -> (i32, i32) {
    %c0_i32 = arith.constant 0 : i32
    %c0_i32_0 = arith.constant 0 : i32
    return %arg0, %c0_i32 : i32, i32
  }
  func.func @transform_8(%arg0: i32) -> (i32, i32) {
    %c0_i32 = arith.constant 0 : i32
    %c0_i32_0 = arith.constant 0 : i32
    return %arg0, %c0_i32 : i32, i32
  }
  func.func @transform_9(%arg0: i32) -> (i32, i32, i32) {
    %c0_i32 = arith.constant 0 : i32
    %c0_i32_0 = arith.constant 0 : i32
    %c0_i32_1 = arith.constant 0 : i32
    return %arg0, %c0_i32, %c0_i32_0 : i32, i32, i32
  }
}

module attributes {stable_mosaic.version = 14 : i64} {
  func.func @_node_body(%arg0: i32, %arg1: memref<2000x128xf32, #tpu.memory_space<vmem>>, %arg2: memref<2000x128xf32, #tpu.memory_space<vmem>>, %arg3: memref<2000x128xf32, #tpu.memory_space<vmem>>, %arg4: memref<128x128xf32, #tpu.memory_space<vmem>>, %arg5: memref<64x128xf32, #tpu.memory_space<vmem>>, %arg6: memref<1x128xf32, #tpu.memory_space<vmem>>, %arg7: memref<128x64xf32, #tpu.memory_space<vmem>>, %arg8: memref<1x64xf32, #tpu.memory_space<vmem>>, %arg9: memref<64x64xf32, #tpu.memory_space<vmem>>, %arg10: memref<1x64xf32, #tpu.memory_space<vmem>>, %arg11: memref<80x1x64xf32, #tpu.memory_space<vmem>>, %arg12: memref<1x16xf32, #tpu.memory_space<vmem>>, %arg13: memref<144x128xf32, #tpu.memory_space<vmem>>, %arg14: memref<1x128xf32, #tpu.memory_space<vmem>>, %arg15: memref<128x64xf32, #tpu.memory_space<vmem>>, %arg16: memref<1x64xf32, #tpu.memory_space<vmem>>, %arg17: memref<64x64xf32, #tpu.memory_space<vmem>>, %arg18: memref<1x64xf32, #tpu.memory_space<vmem>>, %arg19: memref<2000x64xf32, #tpu.memory_space<vmem>>, %arg20: memref<1x64xf32, #tpu.memory_space<vmem>>, %arg21: memref<1x64xf32, #tpu.memory_space<vmem>>) attributes {dimension_semantics = [#tpu.dimension_semantics<arbitrary>], iteration_bounds = array<i64: 5>, scalar_prefetch = 0 : i64, scratch_operands = 1 : i64, tpu.core_type = #tpu.core_type<tc>, window_params = [{transform_indices = @transform_0, window_bounds = array<i64: 2000, 128>}, {transform_indices = @transform_1, window_bounds = array<i64: 2000, 128>}, {transform_indices = @transform_2, window_bounds = array<i64: 2000, 128>}, {pipeline_mode = #tpu.pipeline_mode<synchronous>, transform_indices = @transform_3, window_bounds = array<i64: 128, 128>}, {pipeline_mode = #tpu.pipeline_mode<synchronous>, transform_indices = @transform_4, window_bounds = array<i64: 64, 128>}, {pipeline_mode = #tpu.pipeline_mode<synchronous>, transform_indices = @transform_5, window_bounds = array<i64: 1, 128>}, {pipeline_mode = #tpu.pipeline_mode<synchronous>, transform_indices = @transform_6, window_bounds = array<i64: 128, 64>}, {pipeline_mode = #tpu.pipeline_mode<synchronous>, transform_indices = @transform_7, window_bounds = array<i64: 1, 64>}, {pipeline_mode = #tpu.pipeline_mode<synchronous>, transform_indices = @transform_8, window_bounds = array<i64: 64, 64>}, {pipeline_mode = #tpu.pipeline_mode<synchronous>, transform_indices = @transform_9, window_bounds = array<i64: 1, 64>}, {pipeline_mode = #tpu.pipeline_mode<synchronous>, transform_indices = @transform_10, window_bounds = array<i64: 80, 1, 64>}, {pipeline_mode = #tpu.pipeline_mode<synchronous>, transform_indices = @transform_11, window_bounds = array<i64: 1, 16>}, {pipeline_mode = #tpu.pipeline_mode<synchronous>, transform_indices = @transform_12, window_bounds = array<i64: 144, 128>}, {pipeline_mode = #tpu.pipeline_mode<synchronous>, transform_indices = @transform_13, window_bounds = array<i64: 1, 128>}, {pipeline_mode = #tpu.pipeline_mode<synchronous>, transform_indices = @transform_14, window_bounds = array<i64: 128, 64>}, {pipeline_mode = #tpu.pipeline_mode<synchronous>, transform_indices = @transform_15, window_bounds = array<i64: 1, 64>}, {pipeline_mode = #tpu.pipeline_mode<synchronous>, transform_indices = @transform_16, window_bounds = array<i64: 64, 64>}, {pipeline_mode = #tpu.pipeline_mode<synchronous>, transform_indices = @transform_17, window_bounds = array<i64: 1, 64>}, {transform_indices = @transform_18, window_bounds = array<i64: 2000, 64>}, {pipeline_mode = #tpu.pipeline_mode<synchronous>, transform_indices = @transform_19, window_bounds = array<i64: 1, 64>}]} {
    %get3A = arith.constant 0 : index
    %get3A_0 = arith.constant 0 : index
    %get3A_1 = vector.load %arg2[%get3A, %get3A_0] : memref<2000x128xf32, #tpu.memory_space<vmem>>, vector<2000x128xf32>
    %get3A_2 = arith.constant 0 : index
    %get3A_3 = arith.constant 0 : index
    %get3A_4 = vector.load %arg3[%get3A_2, %get3A_3] : memref<2000x128xf32, #tpu.memory_space<vmem>>, vector<2000x128xf32>
    %add3A = arith.addf %get3A_1, %get3A_4 : vector<2000x128xf32>
    %slice3A = vector.extract_strided_slice %add3A {offsets = [0, 0], sizes = [2000, 64], strides = [1, 1]} : vector<2000x128xf32> to vector<2000x64xf32>
    %get3A_5 = arith.constant 0 : index
    %get3A_6 = arith.constant 0 : index
    %get3A_7 = vector.load %arg1[%get3A_5, %get3A_6] : memref<2000x128xf32, #tpu.memory_space<vmem>>, vector<2000x128xf32>
    %get3A_8 = arith.constant 0 : index
    %get3A_9 = arith.constant 0 : index
    %get3A_10 = vector.load %arg4[%get3A_8, %get3A_9] : memref<128x128xf32, #tpu.memory_space<vmem>>, vector<128x128xf32>
    %dot_general3A = arith.constant dense<0.000000e+00> : vector<2000x128xf32>
    %dot_general3A_11 = tpu.matmul %get3A_7, %get3A_10, %dot_general3A {dimension_numbers = #tpu.dot_dimension_numbers<[1], [0], [0], [1], [0, 0, 1, 1], [], []>, transpose_lhs_hint = false} : vector<2000x128xf32>, vector<128x128xf32>, vector<2000x128xf32> -> vector<2000x128xf32>
    %get3A_12 = arith.constant 0 : index
    %get3A_13 = arith.constant 0 : index
    %get3A_14 = vector.load %arg5[%get3A_12, %get3A_13] : memref<64x128xf32, #tpu.memory_space<vmem>>, vector<64x128xf32>
    %dot_general3A_15 = arith.constant dense<0.000000e+00> : vector<2000x128xf32>
    %dot_general3A_16 = tpu.matmul %slice3A, %get3A_14, %dot_general3A_15 {dimension_numbers = #tpu.dot_dimension_numbers<[1], [0], [0], [1], [0, 0, 1, 1], [], []>, transpose_lhs_hint = false} : vector<2000x64xf32>, vector<64x128xf32>, vector<2000x128xf32> -> vector<2000x128xf32>
    %add3A_17 = arith.addf %dot_general3A_11, %dot_general3A_16 : vector<2000x128xf32>
    %get3A_18 = arith.constant 0 : index
    %get3A_19 = arith.constant 0 : index
    %get3A_20 = vector.load %arg6[%get3A_18, %get3A_19] : memref<1x128xf32, #tpu.memory_space<vmem>>, vector<1x128xf32>
    %add3A_21 = vector.broadcast %get3A_20 : vector<1x128xf32> to vector<2000x128xf32>
    %add3A_22 = arith.addf %add3A_17, %add3A_21 : vector<2000x128xf32>
    %max3A = arith.constant 0.000000e+00 : f32
    %max3A_23 = vector.broadcast %max3A : f32 to vector<2000x128xf32>
    %max3A_24 = arith.maximumf %add3A_22, %max3A_23 : vector<2000x128xf32>
    %get3A_25 = arith.constant 0 : index
    %get3A_26 = arith.constant 0 : index
    %get3A_27 = vector.load %arg7[%get3A_25, %get3A_26] : memref<128x64xf32, #tpu.memory_space<vmem>>, vector<128x64xf32>
    %dot_general3A_28 = arith.constant dense<0.000000e+00> : vector<2000x64xf32>
    %dot_general3A_29 = tpu.matmul %max3A_24, %get3A_27, %dot_general3A_28 {dimension_numbers = #tpu.dot_dimension_numbers<[1], [0], [0], [1], [0, 0, 1, 1], [], []>, transpose_lhs_hint = false} : vector<2000x128xf32>, vector<128x64xf32>, vector<2000x64xf32> -> vector<2000x64xf32>
    %get3A_30 = arith.constant 0 : index
    %get3A_31 = arith.constant 0 : index
    %get3A_32 = vector.load %arg8[%get3A_30, %get3A_31] : memref<1x64xf32, #tpu.memory_space<vmem>>, vector<1x64xf32>
    %add3A_33 = vector.broadcast %get3A_32 : vector<1x64xf32> to vector<2000x64xf32>
    %add3A_34 = arith.addf %dot_general3A_29, %add3A_33 : vector<2000x64xf32>
    %max3A_35 = arith.constant 0.000000e+00 : f32
    %max3A_36 = vector.broadcast %max3A_35 : f32 to vector<2000x64xf32>
    %max3A_37 = arith.maximumf %add3A_34, %max3A_36 : vector<2000x64xf32>
    %get3A_38 = arith.constant 0 : index
    %get3A_39 = arith.constant 0 : index
    %get3A_40 = vector.load %arg9[%get3A_38, %get3A_39] : memref<64x64xf32, #tpu.memory_space<vmem>>, vector<64x64xf32>
    %dot_general3A_41 = arith.constant dense<0.000000e+00> : vector<2000x64xf32>
    %dot_general3A_42 = tpu.matmul %max3A_37, %get3A_40, %dot_general3A_41 {dimension_numbers = #tpu.dot_dimension_numbers<[1], [0], [0], [1], [0, 0, 1, 1], [], []>, transpose_lhs_hint = false} : vector<2000x64xf32>, vector<64x64xf32>, vector<2000x64xf32> -> vector<2000x64xf32>
    %get3A_43 = arith.constant 0 : index
    %get3A_44 = arith.constant 0 : index
    %get3A_45 = vector.load %arg10[%get3A_43, %get3A_44] : memref<1x64xf32, #tpu.memory_space<vmem>>, vector<1x64xf32>
    %add3A_46 = vector.broadcast %get3A_45 : vector<1x64xf32> to vector<2000x64xf32>
    %add3A_47 = arith.addf %dot_general3A_42, %add3A_46 : vector<2000x64xf32>
    %swap3A = arith.constant 0 : index
    %swap3A_48 = arith.constant 0 : index
    %swap3A_49 = vector.load %arg19[%swap3A, %swap3A_48] : memref<2000x64xf32, #tpu.memory_space<vmem>>, vector<2000x64xf32>
    tpu.vector_store %arg19[%swap3A, %swap3A_48], %add3A_47 {strides = array<i32>} : memref<2000x64xf32, #tpu.memory_space<vmem>>, vector<2000x64xf32>,
    %eq3A = arith.constant 0 : i32
    %eq3A_50 = arith.cmpi eq, %arg0, %eq3A : i32
    %convert_element_type3A = arith.extui %eq3A_50 : i1 to i32
    %cond3A = arith.constant 0 : i32
    %cond3A_51 = arith.cmpi ne, %convert_element_type3A, %cond3A : i32
    scf.if %cond3A_51 {
      %broadcast_in_dim3A_65 = arith.constant 0.000000e+00 : f32
      %broadcast_in_dim3A_66 = vector.broadcast %broadcast_in_dim3A_65 : f32 to vector<1x64xf32>
      %swap3A_67 = arith.constant 0 : index
      %swap3A_68 = arith.constant 0 : index
      %swap3A_69 = vector.load %arg21[%swap3A_67, %swap3A_68] : memref<1x64xf32, #tpu.memory_space<vmem>>, vector<1x64xf32>
      tpu.vector_store %arg21[%swap3A_67, %swap3A_68], %broadcast_in_dim3A_66 {strides = array<i32>} : memref<1x64xf32, #tpu.memory_space<vmem>>, vector<1x64xf32>,
    } else {
    }
    %get3A_52 = arith.constant 0 : index
    %get3A_53 = arith.constant 0 : index
    %get3A_54 = vector.load %arg21[%get3A_52, %get3A_53] : memref<1x64xf32, #tpu.memory_space<vmem>>, vector<1x64xf32>
    %reduce_sum3A = arith.constant dense<0.000000e+00> : vector<64xf32>
    %reduce_sum3A_55 = vector.multi_reduction <add>, %add3A_47, %reduce_sum3A [0] : vector<2000x64xf32> to vector<64xf32>
    %broadcast_in_dim3A = vector.shape_cast %reduce_sum3A_55 : vector<64xf32> to vector<1x64xf32>
    %add3A_56 = arith.addf %get3A_54, %broadcast_in_dim3A : vector<1x64xf32>
    %swap3A_57 = arith.constant 0 : index
    %swap3A_58 = arith.constant 0 : index
    %swap3A_59 = vector.load %arg21[%swap3A_57, %swap3A_58] : memref<1x64xf32, #tpu.memory_space<vmem>>, vector<1x64xf32>
    tpu.vector_store %arg21[%swap3A_57, %swap3A_58], %add3A_56 {strides = array<i32>} : memref<1x64xf32, #tpu.memory_space<vmem>>, vector<1x64xf32>,
    %eq3A_60 = arith.constant 4 : i32
    %eq3A_61 = arith.cmpi eq, %arg0, %eq3A_60 : i32
    %convert_element_type3A_62 = arith.extui %eq3A_61 : i1 to i32
    %cond3A_63 = arith.constant 0 : i32
    %cond3A_64 = arith.cmpi ne, %convert_element_type3A_62, %cond3A_63 : i32
    scf.if %cond3A_64 {
      %get3A_65 = arith.constant 0 : index
      %get3A_66 = arith.constant 0 : index
      %get3A_67 = arith.constant 0 : index
      %get3A_68 = vector.load %arg11[%get3A_65, %get3A_66, %get3A_67] : memref<80x1x64xf32, #tpu.memory_space<vmem>>, vector<80x1x64xf32>
      %reduce_sum3A_69 = arith.constant dense<0.000000e+00> : vector<1x64xf32>
      %reduce_sum3A_70 = vector.multi_reduction <add>, %get3A_68, %reduce_sum3A_69 [0] : vector<80x1x64xf32> to vector<1x64xf32>
      %get3A_71 = arith.constant 0 : index
      %get3A_72 = arith.constant 0 : index
      %get3A_73 = vector.load %arg21[%get3A_71, %get3A_72] : memref<1x64xf32, #tpu.memory_space<vmem>>, vector<1x64xf32>
      %get3A_74 = arith.constant 0 : index
      %get3A_75 = arith.constant 0 : index
      %get3A_76 = vector.load %arg12[%get3A_74, %get3A_75] : memref<1x16xf32, #tpu.memory_space<vmem>>, vector<1x16xf32>
      %concatenate3A = tpu.concatenate %get3A_73, %reduce_sum3A_70, %get3A_76 in 1 : vector<1x64xf32>, vector<1x64xf32>, vector<1x16xf32> -> vector<1x144xf32>
      %get3A_77 = arith.constant 0 : index
      %get3A_78 = arith.constant 0 : index
      %get3A_79 = vector.load %arg13[%get3A_77, %get3A_78] : memref<144x128xf32, #tpu.memory_space<vmem>>, vector<144x128xf32>
      %dot_general3A_80 = arith.constant dense<0.000000e+00> : vector<1x128xf32>
      %dot_general3A_81 = tpu.matmul %concatenate3A, %get3A_79, %dot_general3A_80 {dimension_numbers = #tpu.dot_dimension_numbers<[1], [0], [0], [1], [0, 0, 1, 1], [], []>, transpose_lhs_hint = false} : vector<1x144xf32>, vector<144x128xf32>, vector<1x128xf32> -> vector<1x128xf32>
      %get3A_82 = arith.constant 0 : index
      %get3A_83 = arith.constant 0 : index
      %get3A_84 = vector.load %arg14[%get3A_82, %get3A_83] : memref<1x128xf32, #tpu.memory_space<vmem>>, vector<1x128xf32>
      %add3A_85 = arith.addf %dot_general3A_81, %get3A_84 : vector<1x128xf32>
      %max3A_86 = arith.constant 0.000000e+00 : f32
      %max3A_87 = vector.broadcast %max3A_86 : f32 to vector<1x128xf32>
      %max3A_88 = arith.maximumf %add3A_85, %max3A_87 : vector<1x128xf32>
      %get3A_89 = arith.constant 0 : index
      %get3A_90 = arith.constant 0 : index
      %get3A_91 = vector.load %arg15[%get3A_89, %get3A_90] : memref<128x64xf32, #tpu.memory_space<vmem>>, vector<128x64xf32>
      %dot_general3A_92 = arith.constant dense<0.000000e+00> : vector<1x64xf32>
      %dot_general3A_93 = tpu.matmul %max3A_88, %get3A_91, %dot_general3A_92 {dimension_numbers = #tpu.dot_dimension_numbers<[1], [0], [0], [1], [0, 0, 1, 1], [], []>, transpose_lhs_hint = false} : vector<1x128xf32>, vector<128x64xf32>, vector<1x64xf32> -> vector<1x64xf32>
      %get3A_94 = arith.constant 0 : index
      %get3A_95 = arith.constant 0 : index
      %get3A_96 = vector.load %arg16[%get3A_94, %get3A_95] : memref<1x64xf32, #tpu.memory_space<vmem>>, vector<1x64xf32>
      %add3A_97 = arith.addf %dot_general3A_93, %get3A_96 : vector<1x64xf32>
      %max3A_98 = arith.constant 0.000000e+00 : f32
      %max3A_99 = vector.broadcast %max3A_98 : f32 to vector<1x64xf32>
      %max3A_100 = arith.maximumf %add3A_97, %max3A_99 : vector<1x64xf32>
      %get3A_101 = arith.constant 0 : index
      %get3A_102 = arith.constant 0 : index
      %get3A_103 = vector.load %arg17[%get3A_101, %get3A_102] : memref<64x64xf32, #tpu.memory_space<vmem>>, vector<64x64xf32>
      %dot_general3A_104 = arith.constant dense<0.000000e+00> : vector<1x64xf32>
      %dot_general3A_105 = tpu.matmul %max3A_100, %get3A_103, %dot_general3A_104 {dimension_numbers = #tpu.dot_dimension_numbers<[1], [0], [0], [1], [0, 0, 1, 1], [], []>, transpose_lhs_hint = false} : vector<1x64xf32>, vector<64x64xf32>, vector<1x64xf32> -> vector<1x64xf32>
      %get3A_106 = arith.constant 0 : index
      %get3A_107 = arith.constant 0 : index
      %get3A_108 = vector.load %arg18[%get3A_106, %get3A_107] : memref<1x64xf32, #tpu.memory_space<vmem>>, vector<1x64xf32>
      %add3A_109 = arith.addf %dot_general3A_105, %get3A_108 : vector<1x64xf32>
      %swap3A_110 = arith.constant 0 : index
      %swap3A_111 = arith.constant 0 : index
      %swap3A_112 = vector.load %arg20[%swap3A_110, %swap3A_111] : memref<1x64xf32, #tpu.memory_space<vmem>>, vector<1x64xf32>
      tpu.vector_store %arg20[%swap3A_110, %swap3A_111], %add3A_109 {strides = array<i32>} : memref<1x64xf32, #tpu.memory_space<vmem>>, vector<1x64xf32>,
    } else {
    }
    return
  }
  func.func @transform_0(%arg0: i32) -> (i32, i32) {
    %c0_i32 = arith.constant 0 : i32
    %c0_i32_0 = arith.constant 0 : i32
    return %arg0, %c0_i32 : i32, i32
  }
  func.func @transform_1(%arg0: i32) -> (i32, i32) {
    %c0_i32 = arith.constant 0 : i32
    %c0_i32_0 = arith.constant 0 : i32
    return %arg0, %c0_i32 : i32, i32
  }
  func.func @transform_2(%arg0: i32) -> (i32, i32) {
    %c0_i32 = arith.constant 0 : i32
    %c0_i32_0 = arith.constant 0 : i32
    return %arg0, %c0_i32 : i32, i32
  }
  func.func @transform_3(%arg0: i32) -> (i32, i32) {
    %c0_i32 = arith.constant 0 : i32
    %c0_i32_0 = arith.constant 0 : i32
    %c0_i32_1 = arith.constant 0 : i32
    return %c0_i32, %c0_i32_0 : i32, i32
  }
  func.func @transform_4(%arg0: i32) -> (i32, i32) {
    %c0_i32 = arith.constant 0 : i32
    %c0_i32_0 = arith.constant 0 : i32
    %c0_i32_1 = arith.constant 0 : i32
    return %c0_i32, %c0_i32_0 : i32, i32
  }
  func.func @transform_5(%arg0: i32) -> (i32, i32) {
    %c0_i32 = arith.constant 0 : i32
    %c0_i32_0 = arith.constant 0 : i32
    %c0_i32_1 = arith.constant 0 : i32
    return %c0_i32, %c0_i32_0 : i32, i32
  }
  func.func @transform_6(%arg0: i32) -> (i32, i32) {
    %c0_i32 = arith.constant 0 : i32
    %c0_i32_0 = arith.constant 0 : i32
    %c0_i32_1 = arith.constant 0 : i32
    return %c0_i32, %c0_i32_0 : i32, i32
  }
  func.func @transform_7(%arg0: i32) -> (i32, i32) {
    %c0_i32 = arith.constant 0 : i32
    %c0_i32_0 = arith.constant 0 : i32
    %c0_i32_1 = arith.constant 0 : i32
    return %c0_i32, %c0_i32_0 : i32, i32
  }
  func.func @transform_8(%arg0: i32) -> (i32, i32) {
    %c0_i32 = arith.constant 0 : i32
    %c0_i32_0 = arith.constant 0 : i32
    %c0_i32_1 = arith.constant 0 : i32
    return %c0_i32, %c0_i32_0 : i32, i32
  }
  func.func @transform_9(%arg0: i32) -> (i32, i32) {
    %c0_i32 = arith.constant 0 : i32
    %c0_i32_0 = arith.constant 0 : i32
    %c0_i32_1 = arith.constant 0 : i32
    return %c0_i32, %c0_i32_0 : i32, i32
  }
  func.func @transform_10(%arg0: i32) -> (i32, i32, i32) {
    %c0_i32 = arith.constant 0 : i32
    %c0_i32_0 = arith.constant 0 : i32
    %c0_i32_1 = arith.constant 0 : i32
    %c0_i32_2 = arith.constant 0 : i32
    return %c0_i32, %c0_i32_0, %c0_i32_1 : i32, i32, i32
  }
  func.func @transform_11(%arg0: i32) -> (i32, i32) {
    %c0_i32 = arith.constant 0 : i32
    %c0_i32_0 = arith.constant 0 : i32
    %c0_i32_1 = arith.constant 0 : i32
    return %c0_i32, %c0_i32_0 : i32, i32
  }
  func.func @transform_12(%arg0: i32) -> (i32, i32) {
    %c0_i32 = arith.constant 0 : i32
    %c0_i32_0 = arith.constant 0 : i32
    %c0_i32_1 = arith.constant 0 : i32
    return %c0_i32, %c0_i32_0 : i32, i32
  }
  func.func @transform_13(%arg0: i32) -> (i32, i32) {
    %c0_i32 = arith.constant 0 : i32
    %c0_i32_0 = arith.constant 0 : i32
    %c0_i32_1 = arith.constant 0 : i32
    return %c0_i32, %c0_i32_0 : i32, i32
  }
  func.func @transform_14(%arg0: i32) -> (i32, i32) {
    %c0_i32 = arith.constant 0 : i32
    %c0_i32_0 = arith.constant 0 : i32
    %c0_i32_1 = arith.constant 0 : i32
    return %c0_i32, %c0_i32_0 : i32, i32
  }
  func.func @transform_15(%arg0: i32) -> (i32, i32) {
    %c0_i32 = arith.constant 0 : i32
    %c0_i32_0 = arith.constant 0 : i32
    %c0_i32_1 = arith.constant 0 : i32
    return %c0_i32, %c0_i32_0 : i32, i32
  }
  func.func @transform_16(%arg0: i32) -> (i32, i32) {
    %c0_i32 = arith.constant 0 : i32
    %c0_i32_0 = arith.constant 0 : i32
    %c0_i32_1 = arith.constant 0 : i32
    return %c0_i32, %c0_i32_0 : i32, i32
  }
  func.func @transform_17(%arg0: i32) -> (i32, i32) {
    %c0_i32 = arith.constant 0 : i32
    %c0_i32_0 = arith.constant 0 : i32
    %c0_i32_1 = arith.constant 0 : i32
    return %c0_i32, %c0_i32_0 : i32, i32
  }
  func.func @transform_18(%arg0: i32) -> (i32, i32) {
    %c0_i32 = arith.constant 0 : i32
    %c0_i32_0 = arith.constant 0 : i32
    return %arg0, %c0_i32 : i32, i32
  }
  func.func @transform_19(%arg0: i32) -> (i32, i32) {
    %c0_i32 = arith.constant 0 : i32
    %c0_i32_0 = arith.constant 0 : i32
    %c0_i32_1 = arith.constant 0 : i32
    return %c0_i32, %c0_i32_0 : i32, i32
  }
}

</mosaic_0001>

<sc_bundles>
// kernel: kernel.10.cloned.1.call-start
scs
__scs_entry_jumppad:
0x0: {  	(pc) =	sbr.rel $0x88, $3  }
0x1: {  	(tag) =	ssettag $0x0;
	lr =	simm.s32 $0x1  }
0x2: {  	[smem:$0x3F8B] =	sst lr;
	_ =	strace $0xD0000000  }
0x3: {  	_ = 	snop  }
0x4: {  	_ = 	snop  }
0x5: {  	_ = 	snop  }
0x6: {  	_ = 	snop  }
0x7: {  	_ = 	snop  }
__scs_overlays_trampoline_lowered:
0x8: {  	[smem:$0x3F9A] =	sst s0  }
0x9: {  	[smem:$0x3F9B] =	sst s1  }
0xa: {  	[smem:$0x3F9C] =	sst s2  }
0xb: {  	[smem:$0x3F9D] =	sst s3  }
0xc: {  	[smem:$0x3F9E] =	sst s4  }
0xd: {  	[smem:$0x3F9F] =	sst s5  }
0xe: {  	[smem:$0x3FA0] =	sst s6  }
0xf: {  	[smem:$0x3FA1] =	sst s7  }
0x10: {  	[smem:$0x3FA2] =	sst s8  }
0x11: {  	[smem:$0x3FA3] =	sst s9;
	s0 =	simm.s32 @!p0 $0x0  }
0x12: {  	s1 =	sld [smem:$0x3F89];
	s0 =	simm.s32 @p0 $0x1  }
0x13: {  	[smem:$0x3FA4] =	sst s0;
	s0 =	simm.s32 @!p1 $0x0  }
0x14: {  	s2 =	sld [smem:$0x3F88];
	s0 =	simm.s32 @p1 $0x1  }
0x15: {  	[smem:$0x3FA5] =	sst s0;
	s0 =	simm.s32 @!p2 $0x0  }
0x16: {  	s3 =	sld [smem:$0x3FDB];
	s0 =	simm.s32 @p2 $0x1  }
0x17: {  	s4 =	simm.s32 $0x1BF5;
	[smem:$0x3FA7] =	sst s0  }
0x18: {  	s0 =	sld [smem:$0x3F8A];
	_ =	swait.ge [sflag:s4], $0x0  }
0x19: {  	s7 =	sld [smem:$0x3F8B]  }
0x1a: {  	s8 =	sadd.s32 $0xFFFFE003, lr  }
0x1b: {  	s9 =	sadd.s32 $0xFFFFFEF7, lr;
	s5 =	simm.s32 $0xFFFFFFFF;
	p2 =	slt.u32 s8, $0xFFFFF086  }
0x1c: {  	p1 =	slt.u32 s9, $0xF7A;
	s5 =	simm.s32 @!p2 $0x0  }
0x1d: {  	s5 =	simm.s32 @p1 $0x1;
	p0 =	seq.s32 s7, s2  }
0x1e: {  	s7 =	smul.u32 @!p0 $0xF7A, s2;
	p2 =	seq.s32 @!p0 s5, $0x0  }
0x1f: {  	s9 =	smul.u32 $0xF7A, s1;
	s8 =	simm.s32 @!p0 $0x1BF5;
	p2 =	por !p2, p0  }
0x20: {  	[sflag:s8] =	ssyncset.s32 @!p0 $0xFFFFF086;
	s6 =	sadd.s32 @!p0 s3, s7;
	s7 =	simm.s32 @!p0 $0x108  }
0x21: {  	s3 =	sadd.s32 s3, s9;
	s6 =	sadd.s32 @!p0 $0x88, s6;
	s7 =	simm.s32 @p2 $0x1082  }
0x22: {  	[simem:s7], [sflag:s8] =	dma.local @!p0 [hbm:s6], $0xF7A  }
0x23: {  	s9 =	sor.u32 $0xD0000000, s2;
	s6 =	simm.s32 $0x108;
	_ =	swait.ge @!p0 [sflag:s8], $0x0  }
0x24: {  	s3 =	sadd.s32 $0x88, s3;
	s6 =	simm.s32 @!p1 $0x1082;
	[sflag:s4] =	ssyncset.s32 $0xFFFFF086  }
0x25: {  	[simem:s6], [sflag:s4] =	dma.local [hbm:s3], $0xF7A  }
0x26: {  	[smem:$0x3F8B] =	sst s1;
	(tag) =	ssettag s2;
	_ =	strace s9  }
0x27: {  	s1 =	sld [smem:$0x3F9B]  }
0x28: {  	s2 =	sld [smem:$0x3F9C]  }
0x29: {  	s4 =	sld [smem:$0x3F9E]  }
0x2a: {  	p0 =	seq.s32 s5, $0x0;
	s5 =	sld [smem:$0x3F9F]  }
0x2b: {  	s6 =	sld [smem:$0x3FA0]  }
0x2c: {  	s7 =	sld [smem:$0x3FA1]  }
0x2d: {  	s3 =	simm.s32 $0x108;
	s8 =	sld [smem:$0x3FA2]  }
0x2e: {  	s3 =	simm.s32 @!p0 $0x1082;
	s9 =	sld [smem:$0x3FA3]  }
0x2f: {  	lr =	sadd.s32 s0, s3;
	s0 =	sld [smem:$0x3F9A]  }
0x30: {  	s3 =	sld [smem:$0x3F9D]  }
0x31: {  	[smem:$0x3FA6] =	sst s10  }
0x32: {  	s10 =	sld [smem:$0x3FA4];
	_ =	sdelay $0x3  }
0x33: {  	p0 =	seq.s32 s10, $0x1;
	s10 =	sld [smem:$0x3FA6];
	_ =	sdelay $0x3  }
0x34: {  	[smem:$0x3FA6] =	sst s10  }
0x35: {  	s10 =	sld [smem:$0x3FA5];
	_ =	sdelay $0x3  }
0x36: {  	p1 =	seq.s32 s10, $0x1;
	s10 =	sld [smem:$0x3FA6];
	_ =	sdelay $0x3  }
0x37: {  	[smem:$0x3FA6] =	sst s10  }
0x38: {  	s10 =	sld [smem:$0x3FA7]  }
0x39: {  	_ = 	snop;
	(pc) =	sbr.ind lr, $3  }
0x3a: {  	_ = 	snop  }
0x3b: {  	_ = 	snop  }
0x3c: {  	p2 =	seq.s32 s10, $0x1;
	s10 =	sld [smem:$0x3FA6]  }
0x3d: {  	_ =	shalt  }
0x3e: {  	_ =	shalt  }
0x3f: {  	_ =	shalt  }
0x40: {  	_ =	shalt  }
0x41: {  	_ =	shalt  }
0x42: {  	_ =	shalt  }
0x43: {  	_ =	shalt  }
0x44: {  	_ =	shalt  }
0x45: {  	_ =	shalt  }
0x46: {  	_ =	shalt  }
0x47: {  	_ =	shalt  }
0x48: {  	_ =	shalt  }
0x49: {  	_ =	shalt  }
0x4a: {  	_ =	shalt  }
0x4b: {  	_ =	shalt  }
0x4c: {  	_ =	shalt  }
0x4d: {  	_ =	shalt  }
0x4e: {  	_ =	shalt  }
0x4f: {  	_ =	shalt  }
0x50: {  	_ =	shalt  }
0x51: {  	_ =	shalt  }
0x52: {  	_ =	shalt  }
0x53: {  	_ =	shalt  }
0x54: {  	_ =	shalt  }
0x55: {  	_ =	shalt  }
0x56: {  	_ =	shalt  }
0x57: {  	_ =	shalt  }
0x58: {  	_ =	shalt  }
0x59: {  	_ =	shalt  }
0x5a: {  	_ =	shalt  }
0x5b: {  	_ =	shalt  }
0x5c: {  	_ =	shalt  }
0x5d: {  	_ =	shalt  }
0x5e: {  	_ =	shalt  }
0x5f: {  	_ =	shalt  }
0x60: {  	_ =	shalt  }
0x61: {  	_ =	shalt  }
0x62: {  	_ =	shalt  }
0x63: {  	_ =	shalt  }
0x64: {  	_ =	shalt  }
0x65: {  	_ =	shalt  }
0x66: {  	_ =	shalt  }
0x67: {  	_ =	shalt  }
0x68: {  	_ =	shalt  }
0x69: {  	_ =	shalt  }
0x6a: {  	_ =	shalt  }
0x6b: {  	_ =	shalt  }
0x6c: {  	_ =	shalt  }
0x6d: {  	_ =	shalt  }
0x6e: {  	_ =	shalt  }
0x6f: {  	_ =	shalt  }
0x70: {  	_ =	shalt  }
0x71: {  	_ =	shalt  }
0x72: {  	_ =	shalt  }
0x73: {  	_ =	shalt  }
0x74: {  	_ =	shalt  }
0x75: {  	_ =	shalt  }
0x76: {  	_ =	shalt  }
0x77: {  	_ =	shalt  }
0x78: {  	_ =	shalt  }
0x79: {  	_ =	shalt  }
0x7a: {  	_ =	shalt  }
0x7b: {  	_ =	shalt  }
0x7c: {  	_ =	shalt  }
0x7d: {  	_ =	shalt  }
0x7e: {  	_ =	shalt  }
0x7f: {  	_ =	shalt  }
0x80: {  	_ =	shalt  }
0x81: {  	_ =	shalt  }
0x82: {  	_ =	shalt  }
0x83: {  	_ =	shalt  }
0x84: {  	_ =	shalt  }
0x85: {  	_ =	shalt  }
0x86: {  	_ =	shalt  }
0x87: {  	_ =	shalt  }
.Lfunc_end0:
.L_simem_size_0:
called_computation.1_lowered:
.L_overlay_start_0:
0x88: {  	s2 =	sld [smem:$0x3FD9]  }
0x89: {  	s3 =	sld [smem:$0x3FFE];
	_ =	sdelay $0x1  }
0x8a: {  	s1 =	srdreg.scid  }
0x8b: {  	s0 =	sand.u32 $0x1, s1  }
0x8c: {  	s14 =	sshll.u32 s0, $0xA;
	s2 =	sadd.s32 s3, s2  }
0x8d: {  	s2 =	sadd.s32 s2, s14  }
0x8e: {  	[smem:$0x3FB2] =	sst s2  }
0x8f: {  	_ = 	snop  }
0x90: {  	s2 =	sld [smem:$0x3FD0];
	_ =	sdelay $0x2  }
0x91: {  	s15 =	simm.s32 $0xA;
	s4 =	simm.s32 $0x10  }
0x92: {  	[smem:s4], [sflag:s15] =	dma.local [hbm:s2], $0x1  }
0x93: {  	_ =	swait.eq [sflag:s15], $0x1  }
0x94: {  	[sflag:s15] =	ssyncset.done $0x0  }
0x95: {  	[sflag:s15] =	ssyncadd.s32 $0xFFFFFFFF  }
0x96: {  	s16 =	sld [smem:$0x11];
	(tm) =	ssettm $0x1  }
0x97: {  	s17 =	sld [smem:$0x3FFB];
	_ =	sdelay $0x3  }
0x98: {  	_ =	strace s17  }
0x99: {  	s3 =	sld [smem:$0x3FFC];
	_ =	sdelay $0x3  }
0x9a: {  	_ =	strace s3  }
0x9b: {  	s3 =	sld [smem:$0x3FFD];
	_ =	sdelay $0x3  }
0x9c: {  	_ =	strace s3  }
0x9d: {  	_ =	strace $0x8FFFFFFF  }
0x9e: {  	s18 =	sld [smem:$0x3FDB];
	_ =	sdelay $0x1  }
0x9f: {  	s19 =	simm.s32 $_scs_section_size  }
0xa0: {  	s5 =	simm.s32 $_size__tile_overlayer_lowered;
	s6 =	simm.s32 $_tile_overlayer_lowered  }
0xa1: {  	s22 =	simm.s32 $0x1BFF;
	s21 =	sshll.u32 s6, $0x1;
	s3 =	sadd.s32 s19, s18  }
0xa2: {  	s7 =	simm.s32 $0x0;
	s20 =	sshll.u32 s5, $0x1;
	s5 =	sadd.s32 s21, s3  }
0xa3: {  	[timem:s7], [sflag:s22] =	dma.local [hbm:s5], s20  }
0xa4: {  	_ =	swait.ge [sflag:s22], s20  }
0xa5: {  	s4 =	ssub.s32 $0x0, s20;
	[sflag:s22] =	ssyncset.done $0x0  }
0xa6: {  	[sflag:s22] =	ssyncadd.s32 s4;
	_ =	sdelay $0x1  }
0xa7: {  	s23 =	simm.s32 $0x1B8B  }
0xa8: {  	_ =	swait.ge [sflag:s23], $0x1  }
0xa9: {  	[sflag:s23] =	ssyncset.done $0x0  }
0xaa: {  	s25 =	simm.s32 $0x1B8E;
	s24 =	sld [smem:$0x3FFE];
	[sflag:s23] =	ssyncadd.s32 $0xFFFFFFFF  }
0xab: {  	s26 =	simm.s32 $execute0_lowered;
	[smem:$0x3FD2] =	sst s25  }
0xac: {  	s5 =	sshll.u32 s26, $0x1;
	_ =	strace $0x80000049;
	[dreg:$0x1] =	wrdreg $0xFFFFFFFF  }
0xad: {  	s28 =	simm.s32 $_size_execute0_lowered;
	s3 =	sadd.s32 s3, s5;
	[dreg:$0x0] =	wrdreg $0x0  }
0xae: {  	s5 =	sshll.u32 s28, $0x1;
	[dreg:$0x2] =	wrdreg s3  }
0xaf: {  	[dreg:$0x3] =	wrdreg s5  }
0xb0: {  	[dreg:$0x4] =	wrdreg $0xC0  }
0xb1: {  	_ =	task [dreg:s7], $0x5FFFF  }
0xb2: {  	[dreg:$0x1] =	wrdreg $0xFFFFFFFF  }
0xb3: {  	[dreg:$0x0] =	wrdreg $0x60  }
0xb4: {  	[dreg:$0x2] =	wrdreg s24  }
0xb5: {  	[dreg:$0x3] =	wrdreg s16  }
0xb6: {  	[dreg:$0x4] =	wrdreg $0x29000  }
0xb7: {  	[dreg:$0x5] =	wrdreg $0x9  }
0xb8: {  	_ =	task.clear_ibuf [dreg:s7], $0x6FFFF;
	_ =	strace $0x90000049  }
0xb9: {  	s29 =	simm.s32 $0x9;
	_ =	strace $0x8000004B  }
0xba: {  	_ =	swait.ge [sflag:s29], $0x1  }
0xbb: {  	[sflag:s29] =	ssyncadd.s32 $0xFFFFFFFF  }
0xbc: {  	_ =	strace $0x9000004B  }
0xbd: {  	_ =	sfence  }
0xbe: {  	s30 =	sld [smem:$0x0];
	_ =	sdelay $0x2  }
0xbf: {  	s31 =	sshll.u32 s1, $0xD;
	s1 =	sshrl.u32 s1, $0x2  }
0xc0: {  	s3 =	sand.u32 $0x4000, s31;
	s1 =	sadd.s32 s1, s30  }
0xc1: {  	s0 =	sor.u32 s3, s0;
	s1 =	sshll.u32 s1, $0x11  }
0xc2: {  	s0 =	sor.u32 s1, s0  }
0xc3: {  	s0 =	sadd.s32 $0x8F2B, s0  }
0xc4: {  	[sflag:s0] =	ssyncadd.remote.s32 $0x1  }
0xc5: {  	_ =	sfence.sel $0xFFFF  }
0xc6: {  	[dreg:$0x0] =	wrdreg $0xFFFFFFFF;
	(pc) =	sbr.abs _section_cstart, $3  }
0xc7: {  	[dreg:$0x1] =	wrdreg $0xFFFFFFFF  }
0xc8: {  	_ =	task.clear_ibuf [dreg:s7], $0x2FFFF;
	_ =	strace $0x9FFFFFFF  }
0xc9: {  	(tm) =	ssettm $0x7FFFFFFF  }
tec
execute0_lowered:
.L_overlay_start_1:
0x0: {  	(tag) =	ssettag $0x1  }
0x1: {  	s0 =	rddreg [dreg:$0x0]  }
0x2: {  	s1 =	rddreg [dreg:$0x1]  }
0x3: {  	s2 =	rddreg [dreg:$0x2];
	s13 =	stileid.u32  }
0x4: {  	s4 =	srdreg.scid;
	s12 =	smul.u32 $0x14000, s13  }
0x5: {  	s3 =	simm.s32 $0x0;
	s4 =	sand.u32 $0x1, s4;
	s22 =	smul.u32 $0x500, s13  }
0x6: {  	s31 =	simm.s32 $0x100;
	s5 =	sshll.u32 s13, $0x1;
	s11 =	smul.u32 $0x138800, s4  }
0x7: {  	[smem:$0x7FF] =	sst s3;
	s7 =	sadd.s32 $0xEDB600, s0;
	s25 =	smul.u32 $0x280, s4  }
0x8: {  	s5 =	sor.u32 s4, s5;
	s9 =	ssub.s32 $0x2, s4;
	s4 =	smul.u32 $0x5, s4  }
0x9: {  	s0 =	sadd.s32 $0x4A00, s0;
	p0 =	seq.s32 s13, $0xF;
	s6 =	smul.u32 $0x5, s5  }
0xa: {  	_ =	strace $0x8000004A;
	s8 =	smul.u32 $0x28, s5;
	s10 =	sshrl.u32 s9, $0x1  }
0xb: {  	s5 =	smul.u32 $0x280, s5;
	s10 =	ssub.s32 s9, s10;
	s9 =	sadd.s32 s12, s11  }
0xc: {  	s12 =	smul.u32 $0x50000, s13;
	s15 =	sshrl.u32 s11, $0x3;
	s11 =	simm.s32 $0x5  }
0xd: {  	s8 =	sadd.s32 $0x500, s8;
	s6 =	sadd.s32 s1, s6;
	s5 =	sadd.s32 s7, s5  }
0xe: {  	s14 =	sshrl.u32 s9, $0x3;
	s17 =	smax.u32 s10, $0x1;
	[dreg:$0x4] =	wrdreg s6  }
0xf: {  	s10 =	simm.s32 $0x4;
	s26 =	sshrl.u32 s8, $0x3;
	[dreg:$0x5] =	wrdreg s5  }
0x10: {  	s8 =	sshll.u32 s8, $0x4;
	s16 =	sshrl.u32 s12, $0x2;
	[dreg:$0xa] =	wrdreg s17  }
0x11: {  	s12 =	simm.s32 $0x6;
	s6 =	sadd.s32 s1, s26;
	s5 =	sadd.s32 s7, s8  }
0x12: {  	s9 =	sadd.s32 s16, s2;
	s26 =	smul.u32 $0xA, s13;
	[dreg:$0x6] =	wrdreg s6  }
0x13: {  	s8 =	simm.s32 $0x2;
	[dreg:$0x7] =	wrdreg s5;
	s5 =	sadd.s32 s0, s14  }
0x14: {  	s13 =	simm.s32 $0x0;
	s18 =	sadd.s32 $0x1400, s9;
	[dreg:$0x8] =	wrdreg s5  }
0x15: {  	s0 =	sadd.s32 s0, s15;
	s19 =	sadd.s32 $0x2800, s9;
	[dreg:$0xb] =	wrdreg s18  }
0x16: {  	s20 =	sadd.s32 $0x3C00, s9;
	s21 =	sadd.s32 $0x5000, s9;
	[dreg:$0xc] =	wrdreg s19  }
0x17: {  	s23 =	sadd.s32 $0x6400, s9;
	s24 =	sadd.s32 $0x7800, s9;
	[dreg:$0xd] =	wrdreg s20  }
0x18: {  	s28 =	sadd.s32 $0x10400, s9;
	s29 =	sadd.s32 $0x11800, s9;
	[dreg:$0xe] =	wrdreg s21  }
0x19: {  	s30 =	sadd.s32 $0x12C00, s9;
	s6 =	simm.s32 $0x3;
	[dreg:$0xf] =	wrdreg s23  }
0x1a: {  	s0 =	sadd.s32 $0x25800, s0;
	[dreg:$0x10] =	wrdreg s24;
	s18 =	sadd.s32 $0x8C00, s9  }
0x1b: {  	s5 =	sadd.s32 s22, s7;
	s19 =	sadd.s32 $0xA000, s9;
	s21 =	sadd.s32 $0xB400, s9  }
0x1c: {  	s1 =	sadd.s32 s26, s1;
	s22 =	sadd.s32 $0xC800, s9;
	s23 =	sadd.s32 $0xDC00, s9  }
0x1d: {  	s26 =	sadd.s32 $0xF000, s9;
	s7 =	simm.s32 $0x28;
	[dreg:$0x9] =	wrdreg s0  }
0x1e: {  	s0 =	sadd.s32 $0x12C000, s2;
	s20 =	sadd.s32 s25, s5;
	s1 =	sadd.s32 s4, s1  }
0x1f: {  	s4 =	simm.s32 $0x1500;
	s5 =	simm.s32 $0x1;
	s24 =	sadd.s32 $0x1E0, s1  }
0x20: {  	v0 =	vimm.f32 $0.0e+00;
	s25 =	sshrl.u32 @p0 s0, $0x3;
	s0 =	simm.s32 $0x7;
	s1 =	simm.s32 $0x80  }
.LBB2_1:
0x21: {  	s14 =	simm.s32 $0x180  }
0x22: {  	[tilespmem:s14+$0xFFFFFF80] =	vst v0  }
0x23: {  	[tilespmem:s14+$0x70] =	vst v0  }
0x24: {  	[tilespmem:s14+$0x60] =	vst v0  }
0x25: {  	[tilespmem:s14+$0x50] =	vst v0  }
0x26: {  	[tilespmem:s14+$0x40] =	vst v0  }
0x27: {  	[tilespmem:s14+$0x30] =	vst v0  }
0x28: {  	[tilespmem:s14+$0x20] =	vst v0  }
0x29: {  	[tilespmem:s14+$0x10] =	vst v0  }
0x2a: {  	[tilespmem:s14+$0x0] =	vst v0  }
0x2b: {  	[tilespmem:s14+$0xFFFFFFF0] =	vst v0  }
0x2c: {  	[tilespmem:s14+$0xFFFFFFE0] =	vst v0  }
0x2d: {  	[tilespmem:s14+$0xFFFFFFD0] =	vst v0  }
0x2e: {  	[tilespmem:s14+$0xFFFFFFC0] =	vst v0  }
0x2f: {  	[tilespmem:s14+$0xFFFFFFB0] =	vst v0  }
0x30: {  	s15 =	simm.s32 $0x0;
	[tilespmem:s14+$0xFFFFFFA0] =	vst v0  }
.LBB2_2:
0x31: {  	s15 =	sadd.s32 $0x2, s15;
	[tilespmem:s14+$0xFFFFFF90] =	vst v0;
	s14 =	sadd.s32 $0x100, s14  }
0x32: {  	[tilespmem:s14+$0xFFFFFF80] =	vst v0;
	p1 =	slt.u32 s15, $0x26  }
0x33: {  	[tilespmem:s14+$0x70] =	vst v0  }
0x34: {  	[tilespmem:s14+$0x60] =	vst v0  }
0x35: {  	[tilespmem:s14+$0x50] =	vst v0  }
0x36: {  	[tilespmem:s14+$0x40] =	vst v0  }
0x37: {  	[tilespmem:s14+$0x30] =	vst v0  }
0x38: {  	[tilespmem:s14+$0x20] =	vst v0  }
0x39: {  	[tilespmem:s14+$0x10] =	vst v0  }
0x3a: {  	[tilespmem:s14+$0x0] =	vst v0  }
0x3b: {  	[tilespmem:s14+$0xFFFFFFF0] =	vst v0  }
.Ltmp0:
0x3c: {  	[tilespmem:s14+$0xFFFFFFE0] =	vst v0;
	(pc) =	sbr.rel @p1 .LBB2_2-.Ltmp0, $4  }
0x3d: {  	[tilespmem:s14+$0xFFFFFFD0] =	vst v0  }
0x3e: {  	[tilespmem:s14+$0xFFFFFFC0] =	vst v0  }
0x3f: {  	[tilespmem:s14+$0xFFFFFFB0] =	vst v0  }
0x40: {  	[tilespmem:s14+$0xFFFFFFA0] =	vst v0  }
0x41: {  	[tilespmem:s14+$0xFFFFFF90] =	vst v0  }
0x42: {  	[spmem:s9] =	stream.linear.scatter [tilespmem:s31], [sflag:$0x7], $0x1400, $0x38;
	[tilespmem:$0x16900] =	vst v63  }
0x43: {  	_ =	swait.ge [sflag:s0], $0x1400  }
0x44: {  	[sflag:s0] =	ssyncset.done $0x0  }
0x45: {  	s17 =	rddreg [dreg:$0xb];
	[sflag:s0] =	ssyncadd.s32 $0xFFFFEC00  }
0x46: {  	[spmem:s17] =	stream.linear.scatter [tilespmem:s31], [sflag:$0x7], $0x1400, $0x38;
	[tilespmem:$0x16900] =	vst v63  }
0x47: {  	_ =	swait.ge [sflag:s0], $0x1400  }
0x48: {  	[sflag:s0] =	ssyncset.done $0x0  }
0x49: {  	s15 =	rddreg [dreg:$0xc];
	[sflag:s0] =	ssyncadd.s32 $0xFFFFEC00  }
0x4a: {  	[spmem:s15] =	stream.linear.scatter [tilespmem:s31], [sflag:$0x7], $0x1400, $0x38;
	[tilespmem:$0x16900] =	vst v63  }
0x4b: {  	_ =	swait.ge [sflag:s0], $0x1400  }
0x4c: {  	[sflag:s0] =	ssyncset.done $0x0  }
0x4d: {  	s16 =	rddreg [dreg:$0xd];
	[sflag:s0] =	ssyncadd.s32 $0xFFFFEC00  }
0x4e: {  	[spmem:s16] =	stream.linear.scatter [tilespmem:s31], [sflag:$0x7], $0x1400, $0x38;
	[tilespmem:$0x16900] =	vst v63  }
0x4f: {  	_ =	swait.ge [sflag:s0], $0x1400  }
0x50: {  	[sflag:s0] =	ssyncset.done $0x0  }
0x51: {  	s17 =	rddreg [dreg:$0xe];
	[sflag:s0] =	ssyncadd.s32 $0xFFFFEC00  }
0x52: {  	[spmem:s17] =	stream.linear.scatter [tilespmem:s31], [sflag:$0x7], $0x1400, $0x38;
	[tilespmem:$0x16900] =	vst v63  }
0x53: {  	_ =	swait.ge [sflag:s0], $0x1400  }
0x54: {  	[sflag:s0] =	ssyncset.done $0x0  }
0x55: {  	s15 =	rddreg [dreg:$0xf];
	[sflag:s0] =	ssyncadd.s32 $0xFFFFEC00  }
0x56: {  	[spmem:s15] =	stream.linear.scatter [tilespmem:s31], [sflag:$0x7], $0x1400, $0x38;
	[tilespmem:$0x16900] =	vst v63  }
0x57: {  	_ =	swait.ge [sflag:s0], $0x1400  }
0x58: {  	[sflag:s0] =	ssyncset.done $0x0  }
0x59: {  	s16 =	rddreg [dreg:$0x10];
	[sflag:s0] =	ssyncadd.s32 $0xFFFFEC00  }
0x5a: {  	[spmem:s16] =	stream.linear.scatter [tilespmem:s31], [sflag:$0x7], $0x1400, $0x38;
	[tilespmem:$0x16900] =	vst v63  }
0x5b: {  	_ =	swait.ge [sflag:s0], $0x1400  }
0x5c: {  	[sflag:s0] =	ssyncset.done $0x0  }
0x5d: {  	[sflag:s0] =	ssyncadd.s32 $0xFFFFEC00  }
0x5e: {  	[spmem:s18] =	stream.linear.scatter [tilespmem:s31], [sflag:$0x7], $0x1400, $0x38;
	[tilespmem:$0x16900] =	vst v63  }
0x5f: {  	_ =	swait.ge [sflag:s0], $0x1400  }
0x60: {  	[sflag:s0] =	ssyncset.done $0x0  }
0x61: {  	[sflag:s0] =	ssyncadd.s32 $0xFFFFEC00  }
0x62: {  	[spmem:s19] =	stream.linear.scatter [tilespmem:s31], [sflag:$0x7], $0x1400, $0x38;
	[tilespmem:$0x16900] =	vst v63  }
0x63: {  	_ =	swait.ge [sflag:s0], $0x1400  }
0x64: {  	[sflag:s0] =	ssyncset.done $0x0  }
0x65: {  	[sflag:s0] =	ssyncadd.s32 $0xFFFFEC00  }
0x66: {  	[spmem:s21] =	stream.linear.scatter [tilespmem:s31], [sflag:$0x7], $0x1400, $0x38;
	[tilespmem:$0x16900] =	vst v63  }
0x67: {  	_ =	swait.ge [sflag:s0], $0x1400  }
0x68: {  	[sflag:s0] =	ssyncset.done $0x0  }
0x69: {  	[sflag:s0] =	ssyncadd.s32 $0xFFFFEC00  }
0x6a: {  	[spmem:s22] =	stream.linear.scatter [tilespmem:s31], [sflag:$0x7], $0x1400, $0x38;
	[tilespmem:$0x16900] =	vst v63  }
0x6b: {  	_ =	swait.ge [sflag:s0], $0x1400  }
0x6c: {  	[sflag:s0] =	ssyncset.done $0x0  }
0x6d: {  	[sflag:s0] =	ssyncadd.s32 $0xFFFFEC00  }
0x6e: {  	[spmem:s23] =	stream.linear.scatter [tilespmem:s31], [sflag:$0x7], $0x1400, $0x38;
	[tilespmem:$0x16900] =	vst v63  }
0x6f: {  	_ =	swait.ge [sflag:s0], $0x1400  }
0x70: {  	[sflag:s0] =	ssyncset.done $0x0  }
0x71: {  	[sflag:s0] =	ssyncadd.s32 $0xFFFFEC00  }
0x72: {  	[spmem:s26] =	stream.linear.scatter [tilespmem:s31], [sflag:$0x7], $0x1400, $0x38;
	[tilespmem:$0x16900] =	vst v63  }
0x73: {  	_ =	swait.ge [sflag:s0], $0x1400  }
0x74: {  	[sflag:s0] =	ssyncset.done $0x0  }
0x75: {  	[sflag:s0] =	ssyncadd.s32 $0xFFFFEC00  }
0x76: {  	[spmem:s28] =	stream.linear.scatter [tilespmem:s31], [sflag:$0x7], $0x1400, $0x38;
	[tilespmem:$0x16900] =	vst v63  }
0x77: {  	_ =	swait.ge [sflag:s0], $0x1400  }
0x78: {  	[sflag:s0] =	ssyncset.done $0x0  }
0x79: {  	[sflag:s0] =	ssyncadd.s32 $0xFFFFEC00  }
0x7a: {  	[spmem:s29] =	stream.linear.scatter [tilespmem:s31], [sflag:$0x7], $0x1400, $0x38;
	[tilespmem:$0x16900] =	vst v63  }
0x7b: {  	_ =	swait.ge [sflag:s0], $0x1400  }
0x7c: {  	[sflag:s0] =	ssyncset.done $0x0  }
0x7d: {  	[sflag:s0] =	ssyncadd.s32 $0xFFFFEC00  }
0x7e: {  	[spmem:s30] =	stream.linear.scatter [tilespmem:s31], [sflag:$0x7], $0x1400, $0x38;
	[tilespmem:$0x16900] =	vst v63  }
0x7f: {  	_ =	swait.ge [sflag:s0], $0x1400  }
0x80: {  	[sflag:s0] =	ssyncset.done $0x0  }
0x81: {  	[sflag:s0] =	ssyncadd.s32 $0xFFFFEC00  }
0x82: {  	[bflag:$0x0] =	sbarrier.arrive $0xFFFF  }
0x83: {  	s14 =	simm.s32 $0x0;
	s15 =	rddreg [dreg:$0x4]  }
0x84: {  	[tilespmem:s14], [sflag:$0x1] =	stream.linear.gather [hbm4b:s15+s14], $0x28, $0x38;
	[tilespmem:$0x16900] =	vst v63  }
0x85: {  	s17 =	rddreg [dreg:$0x5]  }
0x86: {  	[tilespmem:s31], [sflag:$0x3] =	stream.linear.gather [hbm4b:s17+s14], $0x1400, $0x38;
	[tilespmem:$0x16900] =	vst v63  }
0x87: {  	s16 =	rddreg [dreg:$0x6]  }
0x88: {  	[tilespmem:s1], [sflag:$0x2] =	stream.linear.gather [hbm4b:s16+s14], $0x28, $0x38;
	[tilespmem:$0x16900] =	vst v63  }
0x89: {  	s17 =	rddreg [dreg:$0x7]  }
0x8a: {  	[tilespmem:s4], [sflag:$0x4] =	stream.linear.gather [hbm4b:s17+s14], $0x1400, $0x38;
	[tilespmem:$0x16900] =	vst v63  }
0x8b: {  	_ =	swait.ge [sflag:s5], $0x28  }
0x8c: {  	[sflag:s5] =	ssyncset.done $0x0  }
0x8d: {  	[sflag:s5] =	ssyncadd.s32 $0xFFFFFFD8  }
0x8e: {  	_ =	swait.ge [sflag:s6], $0x1400  }
0x8f: {  	[sflag:s6] =	ssyncset.done $0x0  }
0x90: {  	[sflag:s6] =	ssyncadd.s32 $0xFFFFEC00  }
0x91: {  	[spmem:s2] =	stream.indirect.scatter.add.f32 [tilespmem:s31], [sflag:$0x5], $0x80, s3, s7, $0xb8;
	[tilespmem:$0x16900] =	vst v63  }
0x92: {  	_ =	swait.ge [sflag:s8], $0x28  }
0x93: {  	[sflag:s8] =	ssyncset.done $0x0  }
0x94: {  	[sflag:s8] =	ssyncadd.s32 $0xFFFFFFD8  }
0x95: {  	_ =	swait.ge [sflag:s10], $0x1400  }
0x96: {  	[sflag:s10] =	ssyncset.done $0x0  }
0x97: {  	[sflag:s10] =	ssyncadd.s32 $0xFFFFEC00  }
0x98: {  	[spmem:s2] =	stream.indirect.scatter.add.f32 [tilespmem:s4], [sflag:$0x6], $0x80, s1, s7, $0xb8;
	[tilespmem:$0x16900] =	vst v63  }
0x99: {  	_ =	swait.ge [sflag:s11], $0x1400  }
0x9a: {  	[sflag:s11] =	ssyncset.done $0x0  }
0x9b: {  	s15 =	sadd.s32 $0xFFFFFF60, s24;
	s16 =	sadd.s32 $0x0, s20;
	[sflag:s11] =	ssyncadd.s32 $0xFFFFEC00  }
0x9c: {  	[tilespmem:s3], [sflag:$0x1] =	stream.linear.gather [hbm4b:s15+s3], $0x28, $0x38;
	[tilespmem:$0x16900] =	vst v63  }
0x9d: {  	s17 =	sadd.s32 $0xA000, s16  }
0x9e: {  	[tilespmem:s31], [sflag:$0x3] =	stream.linear.gather [hbm4b:s17+s3], $0x1400, $0x38;
	[tilespmem:$0x16900] =	vst v63  }
0x9f: {  	_ =	swait.ge [sflag:s12], $0x1400  }
0xa0: {  	s14 =	simm.s32 $0xA000;
	[sflag:s12] =	ssyncset.done $0x0  }
0xa1: {  	s16 =	sadd.s32 $0xF000, s16;
	s15 =	sadd.s32 $0x140, s24;
	[sflag:s12] =	ssyncadd.s32 $0xFFFFEC00  }
0xa2: {  	[tilespmem:s1], [sflag:$0x2] =	stream.linear.gather [hbm4b:s24+s3], $0x28, $0x38;
	[tilespmem:$0x16900] =	vst v63  }
.LBB2_4:
0xa3: {  	[tilespmem:s4], [sflag:$0x4] =	stream.linear.gather [hbm4b:s16+s3], $0x1400, $0x38;
	[tilespmem:$0x16900] =	vst v63  }
0xa4: {  	s16 =	smov.u32 s14  }
0xa5: {  	p1 =	sne.s32 s14, $0x4CE000;
	s14 =	sadd.s32 $0xA000, s14;
	_ =	swait.ge [sflag:s5], $0x28  }
0xa6: {  	[sflag:s5] =	ssyncset.done $0x0  }
0xa7: {  	[sflag:s5] =	ssyncadd.s32 $0xFFFFFFD8  }
0xa8: {  	_ =	swait.ge [sflag:s6], $0x1400  }
0xa9: {  	[sflag:s6] =	ssyncset.done $0x0  }
0xaa: {  	[sflag:s6] =	ssyncadd.s32 $0xFFFFEC00  }
0xab: {  	[spmem:s2] =	stream.indirect.scatter.add.f32 [tilespmem:s31], [sflag:$0x5], $0x80, s3, s7, $0xb8;
	[tilespmem:$0x16900] =	vst v63  }
0xac: {  	_ =	swait.ge [sflag:s8], $0x28  }
0xad: {  	[sflag:s8] =	ssyncset.done $0x0  }
0xae: {  	[sflag:s8] =	ssyncadd.s32 $0xFFFFFFD8  }
0xaf: {  	_ =	swait.ge [sflag:s10], $0x1400  }
0xb0: {  	[sflag:s10] =	ssyncset.done $0x0  }
0xb1: {  	[sflag:s10] =	ssyncadd.s32 $0xFFFFEC00  }
0xb2: {  	[spmem:s2] =	stream.indirect.scatter.add.f32 [tilespmem:s4], [sflag:$0x6], $0x80, s1, s7, $0xb8;
	[tilespmem:$0x16900] =	vst v63  }
0xb3: {  	_ =	swait.ge [sflag:s11], $0x1400  }
0xb4: {  	[sflag:s11] =	ssyncset.done $0x0  }
0xb5: {  	s17 =	sadd.s32 $0xFFFFFF60, s15;
	s16 =	sadd.s32 s16, s20;
	[sflag:s11] =	ssyncadd.s32 $0xFFFFEC00  }
0xb6: {  	[tilespmem:s3], [sflag:$0x1] =	stream.linear.gather [hbm4b:s17+s3], $0x28, $0x38;
	[tilespmem:$0x16900] =	vst v63  }
0xb7: {  	s17 =	sadd.s32 $0xA000, s16  }
0xb8: {  	[tilespmem:s31], [sflag:$0x3] =	stream.linear.gather [hbm4b:s17+s3], $0x1400, $0x38;
	[tilespmem:$0x16900] =	vst v63  }
.Ltmp1:
0xb9: {  	_ =	swait.ge [sflag:s12], $0x1400;
	(pc) =	sbr.rel @p1 .LBB2_4-.Ltmp1, $4  }
0xba: {  	[sflag:s12] =	ssyncset.done $0x0  }
0xbb: {  	[sflag:s12] =	ssyncadd.s32 $0xFFFFEC00  }
0xbc: {  	[tilespmem:s1], [sflag:$0x2] =	stream.linear.gather [hbm4b:s15+s3], $0x28, $0x38;
	[tilespmem:$0x16900] =	vst v63  }
0xbd: {  	s16 =	sadd.s32 $0xF000, s16;
	s15 =	sadd.s32 $0x140, s15  }
0xbe: {  	[tilespmem:s4], [sflag:$0x4] =	stream.linear.gather [hbm4b:s16+s3], $0x1400, $0x38;
	[tilespmem:$0x16900] =	vst v63  }
0xbf: {  	_ =	swait.ge [sflag:s5], $0x28  }
0xc0: {  	[sflag:s5] =	ssyncset.done $0x0  }
0xc1: {  	[sflag:s5] =	ssyncadd.s32 $0xFFFFFFD8  }
0xc2: {  	_ =	swait.ge [sflag:s6], $0x1400  }
0xc3: {  	[sflag:s6] =	ssyncset.done $0x0  }
0xc4: {  	[sflag:s6] =	ssyncadd.s32 $0xFFFFEC00  }
0xc5: {  	[spmem:s2] =	stream.indirect.scatter.add.f32 [tilespmem:s31], [sflag:$0x5], $0x80, s3, s7, $0xb8;
	[tilespmem:$0x16900] =	vst v63  }
0xc6: {  	_ =	swait.ge [sflag:s8], $0x28  }
0xc7: {  	[sflag:s8] =	ssyncset.done $0x0  }
0xc8: {  	[sflag:s8] =	ssyncadd.s32 $0xFFFFFFD8  }
0xc9: {  	_ =	swait.ge [sflag:s10], $0x1400  }
0xca: {  	[sflag:s10] =	ssyncset.done $0x0  }
0xcb: {  	[sflag:s10] =	ssyncadd.s32 $0xFFFFEC00  }
0xcc: {  	[spmem:s2] =	stream.indirect.scatter.add.f32 [tilespmem:s4], [sflag:$0x6], $0x80, s1, s7, $0xb8;
	[tilespmem:$0x16900] =	vst v63  }
0xcd: {  	_ =	swait.ge [sflag:s11], $0x1400  }
0xce: {  	[sflag:s11] =	ssyncset.done $0x0  }
0xcf: {  	[sflag:s11] =	ssyncadd.s32 $0xFFFFEC00  }
0xd0: {  	_ =	swait.ge [sflag:s12], $0x1400  }
0xd1: {  	[sflag:s12] =	ssyncset.done $0x0  }
0xd2: {  	[sflag:s12] =	ssyncadd.s32 $0xFFFFEC00  }
0xd3: {  	[bflag:$0x0] =	sbarrier.arrive $0xFFFF  }
0xd4: {  	s14 =	simm.s32 @p0 $0x1FC7;
	s15 =	rddreg [dreg:$0x9]  }
0xd5: {  	[hbm:s15], [sflag:s14] =	dma.local @p0 [spmem:s25], $0x1900  }
0xd6: {  	s14 =	simm.s32 @p0 $0x7  }
0xd7: {  	s15 =	stileid.u32;
	_ =	swait.ge @p0 [sflag:s14], $0x1900  }
0xd8: {  	s15 =	sshll.u32 @!p0 s15, $0x6;
	[sflag:s14] =	ssyncset.done @p0 $0x0;
	s16 =	rddreg [dreg:$0x8]  }
0xd9: {  	[sflag:s14] =	ssyncadd.s32 @p0 $0xFFFFE700;
	s14 =	sor.u32 @!p0 $0x1C07, s15;
	s15 =	sshrl.u32 @!p0 s9, $0x3  }
0xda: {  	[hbm:s16], [sflag:s14] =	dma.local @!p0 [spmem:s15], $0x2800  }
0xdb: {  	s14 =	simm.s32 @!p0 $0x7  }
0xdc: {  	_ =	swait.ge @!p0 [sflag:s14], $0x2800  }
0xdd: {  	s13 =	sadd.s32 $0x1, s13;
	s17 =	rddreg [dreg:$0xa]  }
0xde: {  	p1 =	sne.s32 s13, s17  }
.Ltmp2:
0xdf: {  	_ = 	snop;
	(pc) =	sbr.rel @p1 .LBB2_1-.Ltmp2, $3  }
0xe0: {  	_ =	sdelay $0x1  }
0xe1: {  	[sflag:s14] =	ssyncset.done @!p0 $0x0  }
0xe2: {  	[sflag:s14] =	ssyncadd.s32 @!p0 $0xFFFFD800  }
0xe3: {  	_ =	sfence.sel $0x180000  }
0xe4: {  	[bflag:$0x0] =	sbarrier.arrive $0xFFFF  }
0xe5: {  	_ =	strace $0x9000004A  }
0xe6: {  	s0 =	stileid.u32;
	[bflag:$0x2] =	sbarrier.arrive $0xFFFF  }
0xe7: {  	p0 =	sne.s32 s0, $0x0;
	s0 =	rddreg [dreg:$0x3]  }
0xe8: {  	s0 =	sadd.s32 @!p0 $0x100000, s0  }
0xe9: {  	[sflag:s0] =	ssyncadd.tile.s32 @!p0 $0x1;
	_ =	shalt  }
.Lfunc_end2:
_tile_overlayer_lowered:
.L_overlay_start_2:
0xea: {  	(tag) =	ssettag $0x2  }
0xeb: {  	s0 =	rddreg [dreg:$0x0];
	s2 =	stileid.u32  }
0xec: {  	s1 =	rddreg [dreg:$0x1];
	p0 =	sne.s32 s2, $0x0  }
0xed: {  	s3 =	rddreg [dreg:$0x2];
	[bflag:$0x3] =	sbarrier.arrive $0xFFFF;
	s2 =	simm.s32 @!p0 $0x1C07  }
0xee: {  	[timem:s3], [sflag:s2] =	dma.local @!p0 [hbm:s0], s1  }
0xef: {  	s0 =	simm.s32 @!p0 $0x7  }
0xf0: {  	_ =	swait.ge @!p0 [sflag:s0], s1  }
0xf1: {  	s1 =	ssub.s32 @!p0 $0x0, s1;
	[sflag:s0] =	ssyncset.done @!p0 $0x0  }
0xf2: {  	[sflag:s0] =	ssyncadd.s32 @!p0 s1  }
0xf3: {  	[bflag:$0x3] =	sbarrier.arrive $0xFFFF  }
0xf4: {  	_ =	shalt  }

// kernel: kernel.7.cloned.1.call-start
scs
__scs_entry_jumppad:
0x0: {  	(pc) =	sbr.rel $0x88, $3  }
0x1: {  	(tag) =	ssettag $0x0;
	lr =	simm.s32 $0x1  }
0x2: {  	[smem:$0x3F8B] =	sst lr;
	_ =	strace $0xD0000000  }
0x3: {  	_ = 	snop  }
0x4: {  	_ = 	snop  }
0x5: {  	_ = 	snop  }
0x6: {  	_ = 	snop  }
0x7: {  	_ = 	snop  }
__scs_overlays_trampoline_lowered:
0x8: {  	[smem:$0x3F9A] =	sst s0  }
0x9: {  	[smem:$0x3F9B] =	sst s1  }
0xa: {  	[smem:$0x3F9C] =	sst s2  }
0xb: {  	[smem:$0x3F9D] =	sst s3  }
0xc: {  	[smem:$0x3F9E] =	sst s4  }
0xd: {  	[smem:$0x3F9F] =	sst s5  }
0xe: {  	[smem:$0x3FA0] =	sst s6  }
0xf: {  	[smem:$0x3FA1] =	sst s7  }
0x10: {  	[smem:$0x3FA2] =	sst s8  }
0x11: {  	[smem:$0x3FA3] =	sst s9;
	s0 =	simm.s32 @!p0 $0x0  }
0x12: {  	s1 =	sld [smem:$0x3F89];
	s0 =	simm.s32 @p0 $0x1  }
0x13: {  	[smem:$0x3FA4] =	sst s0;
	s0 =	simm.s32 @!p1 $0x0  }
0x14: {  	s2 =	sld [smem:$0x3F88];
	s0 =	simm.s32 @p1 $0x1  }
0x15: {  	[smem:$0x3FA5] =	sst s0;
	s0 =	simm.s32 @!p2 $0x0  }
0x16: {  	s3 =	sld [smem:$0x3FDB];
	s0 =	simm.s32 @p2 $0x1  }
0x17: {  	s4 =	simm.s32 $0x1BF5;
	[smem:$0x3FA7] =	sst s0  }
0x18: {  	s0 =	sld [smem:$0x3F8A];
	_ =	swait.ge [sflag:s4], $0x0  }
0x19: {  	s7 =	sld [smem:$0x3F8B]  }
0x1a: {  	s8 =	sadd.s32 $0xFFFFE003, lr  }
0x1b: {  	s9 =	sadd.s32 $0xFFFFFEF7, lr;
	s5 =	simm.s32 $0xFFFFFFFF;
	p2 =	slt.u32 s8, $0xFFFFF086  }
0x1c: {  	p1 =	slt.u32 s9, $0xF7A;
	s5 =	simm.s32 @!p2 $0x0  }
0x1d: {  	s5 =	simm.s32 @p1 $0x1;
	p0 =	seq.s32 s7, s2  }
0x1e: {  	s7 =	smul.u32 @!p0 $0xF7A, s2;
	p2 =	seq.s32 @!p0 s5, $0x0  }
0x1f: {  	s9 =	smul.u32 $0xF7A, s1;
	s8 =	simm.s32 @!p0 $0x1BF5;
	p2 =	por !p2, p0  }
0x20: {  	[sflag:s8] =	ssyncset.s32 @!p0 $0xFFFFF086;
	s6 =	sadd.s32 @!p0 s3, s7;
	s7 =	simm.s32 @!p0 $0x108  }
0x21: {  	s3 =	sadd.s32 s3, s9;
	s6 =	sadd.s32 @!p0 $0x88, s6;
	s7 =	simm.s32 @p2 $0x1082  }
0x22: {  	[simem:s7], [sflag:s8] =	dma.local @!p0 [hbm:s6], $0xF7A  }
0x23: {  	s9 =	sor.u32 $0xD0000000, s2;
	s6 =	simm.s32 $0x108;
	_ =	swait.ge @!p0 [sflag:s8], $0x0  }
0x24: {  	s3 =	sadd.s32 $0x88, s3;
	s6 =	simm.s32 @!p1 $0x1082;
	[sflag:s4] =	ssyncset.s32 $0xFFFFF086  }
0x25: {  	[simem:s6], [sflag:s4] =	dma.local [hbm:s3], $0xF7A  }
0x26: {  	[smem:$0x3F8B] =	sst s1;
	(tag) =	ssettag s2;
	_ =	strace s9  }
0x27: {  	s1 =	sld [smem:$0x3F9B]  }
0x28: {  	s2 =	sld [smem:$0x3F9C]  }
0x29: {  	s4 =	sld [smem:$0x3F9E]  }
0x2a: {  	p0 =	seq.s32 s5, $0x0;
	s5 =	sld [smem:$0x3F9F]  }
0x2b: {  	s6 =	sld [smem:$0x3FA0]  }
0x2c: {  	s7 =	sld [smem:$0x3FA1]  }
0x2d: {  	s3 =	simm.s32 $0x108;
	s8 =	sld [smem:$0x3FA2]  }
0x2e: {  	s3 =	simm.s32 @!p0 $0x1082;
	s9 =	sld [smem:$0x3FA3]  }
0x2f: {  	lr =	sadd.s32 s0, s3;
	s0 =	sld [smem:$0x3F9A]  }
0x30: {  	s3 =	sld [smem:$0x3F9D]  }
0x31: {  	[smem:$0x3FA6] =	sst s10  }
0x32: {  	s10 =	sld [smem:$0x3FA4];
	_ =	sdelay $0x3  }
0x33: {  	p0 =	seq.s32 s10, $0x1;
	s10 =	sld [smem:$0x3FA6];
	_ =	sdelay $0x3  }
0x34: {  	[smem:$0x3FA6] =	sst s10  }
0x35: {  	s10 =	sld [smem:$0x3FA5];
	_ =	sdelay $0x3  }
0x36: {  	p1 =	seq.s32 s10, $0x1;
	s10 =	sld [smem:$0x3FA6];
	_ =	sdelay $0x3  }
0x37: {  	[smem:$0x3FA6] =	sst s10  }
0x38: {  	s10 =	sld [smem:$0x3FA7]  }
0x39: {  	_ = 	snop;
	(pc) =	sbr.ind lr, $3  }
0x3a: {  	_ = 	snop  }
0x3b: {  	_ = 	snop  }
0x3c: {  	p2 =	seq.s32 s10, $0x1;
	s10 =	sld [smem:$0x3FA6]  }
0x3d: {  	_ =	shalt  }
0x3e: {  	_ =	shalt  }
0x3f: {  	_ =	shalt  }
0x40: {  	_ =	shalt  }
0x41: {  	_ =	shalt  }
0x42: {  	_ =	shalt  }
0x43: {  	_ =	shalt  }
0x44: {  	_ =	shalt  }
0x45: {  	_ =	shalt  }
0x46: {  	_ =	shalt  }
0x47: {  	_ =	shalt  }
0x48: {  	_ =	shalt  }
0x49: {  	_ =	shalt  }
0x4a: {  	_ =	shalt  }
0x4b: {  	_ =	shalt  }
0x4c: {  	_ =	shalt  }
0x4d: {  	_ =	shalt  }
0x4e: {  	_ =	shalt  }
0x4f: {  	_ =	shalt  }
0x50: {  	_ =	shalt  }
0x51: {  	_ =	shalt  }
0x52: {  	_ =	shalt  }
0x53: {  	_ =	shalt  }
0x54: {  	_ =	shalt  }
0x55: {  	_ =	shalt  }
0x56: {  	_ =	shalt  }
0x57: {  	_ =	shalt  }
0x58: {  	_ =	shalt  }
0x59: {  	_ =	shalt  }
0x5a: {  	_ =	shalt  }
0x5b: {  	_ =	shalt  }
0x5c: {  	_ =	shalt  }
0x5d: {  	_ =	shalt  }
0x5e: {  	_ =	shalt  }
0x5f: {  	_ =	shalt  }
0x60: {  	_ =	shalt  }
0x61: {  	_ =	shalt  }
0x62: {  	_ =	shalt  }
0x63: {  	_ =	shalt  }
0x64: {  	_ =	shalt  }
0x65: {  	_ =	shalt  }
0x66: {  	_ =	shalt  }
0x67: {  	_ =	shalt  }
0x68: {  	_ =	shalt  }
0x69: {  	_ =	shalt  }
0x6a: {  	_ =	shalt  }
0x6b: {  	_ =	shalt  }
0x6c: {  	_ =	shalt  }
0x6d: {  	_ =	shalt  }
0x6e: {  	_ =	shalt  }
0x6f: {  	_ =	shalt  }
0x70: {  	_ =	shalt  }
0x71: {  	_ =	shalt  }
0x72: {  	_ =	shalt  }
0x73: {  	_ =	shalt  }
0x74: {  	_ =	shalt  }
0x75: {  	_ =	shalt  }
0x76: {  	_ =	shalt  }
0x77: {  	_ =	shalt  }
0x78: {  	_ =	shalt  }
0x79: {  	_ =	shalt  }
0x7a: {  	_ =	shalt  }
0x7b: {  	_ =	shalt  }
0x7c: {  	_ =	shalt  }
0x7d: {  	_ =	shalt  }
0x7e: {  	_ =	shalt  }
0x7f: {  	_ =	shalt  }
0x80: {  	_ =	shalt  }
0x81: {  	_ =	shalt  }
0x82: {  	_ =	shalt  }
0x83: {  	_ =	shalt  }
0x84: {  	_ =	shalt  }
0x85: {  	_ =	shalt  }
0x86: {  	_ =	shalt  }
0x87: {  	_ =	shalt  }
.Lfunc_end0:
.L_simem_size_0:
called_computation_lowered:
.L_overlay_start_0:
0x88: {  	s2 =	sld [smem:$0x3FD9]  }
0x89: {  	s3 =	sld [smem:$0x3FFE];
	_ =	sdelay $0x1  }
0x8a: {  	s1 =	srdreg.scid  }
0x8b: {  	s0 =	sand.u32 $0x1, s1  }
0x8c: {  	s14 =	sshll.u32 s0, $0xA;
	s2 =	sadd.s32 s3, s2  }
0x8d: {  	s2 =	sadd.s32 s2, s14  }
0x8e: {  	[smem:$0x3FB2] =	sst s2  }
0x8f: {  	_ = 	snop  }
0x90: {  	s2 =	sld [smem:$0x3FD0];
	_ =	sdelay $0x2  }
0x91: {  	s15 =	simm.s32 $0xA;
	s4 =	simm.s32 $0x10  }
0x92: {  	[smem:s4], [sflag:s15] =	dma.local [hbm:s2], $0x1  }
0x93: {  	_ =	swait.eq [sflag:s15], $0x1  }
0x94: {  	[sflag:s15] =	ssyncset.done $0x0  }
0x95: {  	s16 =	sld [smem:$0x10];
	[sflag:s15] =	ssyncadd.s32 $0xFFFFFFFF  }
0x96: {  	s17 =	sld [smem:$0x11];
	(tm) =	ssettm $0x1  }
0x97: {  	s18 =	sld [smem:$0x3FFB];
	_ =	sdelay $0x3  }
0x98: {  	_ =	strace s18  }
0x99: {  	s4 =	sld [smem:$0x3FFC];
	_ =	sdelay $0x3  }
0x9a: {  	_ =	strace s4  }
0x9b: {  	s4 =	sld [smem:$0x3FFD];
	_ =	sdelay $0x3  }
0x9c: {  	_ =	strace s4  }
0x9d: {  	_ =	strace $0x8FFFFFFF  }
0x9e: {  	s19 =	sld [smem:$0x3FDB];
	_ =	sdelay $0x1  }
0x9f: {  	s5 =	simm.s32 $_scs_section_size  }
0xa0: {  	s6 =	simm.s32 $_size__tile_overlayer_lowered;
	s7 =	simm.s32 $_tile_overlayer_lowered  }
0xa1: {  	s22 =	simm.s32 $0x1BFF;
	s21 =	sshll.u32 s7, $0x1;
	s4 =	sadd.s32 s5, s19  }
0xa2: {  	s8 =	simm.s32 $0x0;
	s20 =	sshll.u32 s6, $0x1;
	s6 =	sadd.s32 s21, s4  }
0xa3: {  	[timem:s8], [sflag:s22] =	dma.local [hbm:s6], s20  }
0xa4: {  	_ =	swait.ge [sflag:s22], s20  }
0xa5: {  	s5 =	ssub.s32 $0x0, s20;
	[sflag:s22] =	ssyncset.done $0x0  }
0xa6: {  	[sflag:s22] =	ssyncadd.s32 s5;
	_ =	sdelay $0x1  }
0xa7: {  	s23 =	simm.s32 $0x1B8B  }
0xa8: {  	_ =	swait.ge [sflag:s23], $0x1  }
0xa9: {  	[sflag:s23] =	ssyncset.done $0x0  }
0xaa: {  	s25 =	simm.s32 $0x1B8E;
	s24 =	sld [smem:$0x3FFE];
	[sflag:s23] =	ssyncadd.s32 $0xFFFFFFFF  }
0xab: {  	s26 =	simm.s32 $execute0_lowered;
	[smem:$0x3FD2] =	sst s25  }
0xac: {  	s6 =	sshll.u32 s26, $0x1;
	_ =	strace $0x80000046;
	[dreg:$0x1] =	wrdreg $0xFFFFFFFF  }
0xad: {  	s28 =	simm.s32 $_size_execute0_lowered;
	s4 =	sadd.s32 s4, s6;
	[dreg:$0x0] =	wrdreg $0x0  }
0xae: {  	s6 =	sshll.u32 s28, $0x1;
	[dreg:$0x2] =	wrdreg s4  }
0xaf: {  	[dreg:$0x3] =	wrdreg s6  }
0xb0: {  	[dreg:$0x4] =	wrdreg $0xC0  }
0xb1: {  	_ =	task [dreg:s8], $0x5FFFF  }
0xb2: {  	[dreg:$0x1] =	wrdreg $0xFFFFFFFF  }
0xb3: {  	[dreg:$0x0] =	wrdreg $0x60  }
0xb4: {  	[dreg:$0x2] =	wrdreg s16  }
0xb5: {  	[dreg:$0x3] =	wrdreg s24  }
0xb6: {  	[dreg:$0x4] =	wrdreg s17  }
0xb7: {  	[dreg:$0x5] =	wrdreg $0x9  }
0xb8: {  	_ =	task.clear_ibuf [dreg:s8], $0x6FFFF;
	_ =	strace $0x90000046  }
0xb9: {  	s29 =	simm.s32 $0x9;
	_ =	strace $0x80000048  }
0xba: {  	_ =	swait.ge [sflag:s29], $0x1  }
0xbb: {  	[sflag:s29] =	ssyncadd.s32 $0xFFFFFFFF  }
0xbc: {  	_ =	strace $0x90000048  }
0xbd: {  	_ =	sfence  }
0xbe: {  	s30 =	sld [smem:$0x0];
	_ =	sdelay $0x2  }
0xbf: {  	s31 =	sshll.u32 s1, $0xD;
	s1 =	sshrl.u32 s1, $0x2  }
0xc0: {  	s3 =	sand.u32 $0x4000, s31;
	s1 =	sadd.s32 s1, s30  }
0xc1: {  	s0 =	sor.u32 s3, s0;
	s1 =	sshll.u32 s1, $0x11  }
0xc2: {  	s0 =	sor.u32 s1, s0  }
0xc3: {  	s0 =	sadd.s32 $0x8F2B, s0  }
0xc4: {  	[sflag:s0] =	ssyncadd.remote.s32 $0x1  }
0xc5: {  	_ =	sfence.sel $0xFFFF  }
0xc6: {  	[dreg:$0x0] =	wrdreg $0xFFFFFFFF;
	(pc) =	sbr.abs _section_cstart, $3  }
0xc7: {  	[dreg:$0x1] =	wrdreg $0xFFFFFFFF  }
0xc8: {  	_ =	task.clear_ibuf [dreg:s8], $0x2FFFF;
	_ =	strace $0x9FFFFFFF  }
0xc9: {  	(tm) =	ssettm $0x7FFFFFFF  }
tec
execute0_lowered:
.L_overlay_start_1:
0x0: {  	(tag) =	ssettag $0x1  }
0x1: {  	s1 =	rddreg [dreg:$0x0]  }
0x2: {  	s0 =	rddreg [dreg:$0x1]  }
0x3: {  	s3 =	rddreg [dreg:$0x2]  }
0x4: {  	s2 =	srdreg.scid;
	s5 =	stileid.u32  }
0x5: {  	s4 =	simm.s32 $0x0;
	s17 =	simm.s32 $0x100;
	s18 =	simm.s32 $0x80  }
0x6: {  	s19 =	simm.s32 $0x180;
	s20 =	simm.s32 $0x1;
	s21 =	simm.s32 $0x28  }
0x7: {  	s22 =	simm.s32 $0x200;
	s24 =	simm.s32 $0x2;
	s28 =	simm.s32 $0x3  }
0x8: {  	s29 =	simm.s32 $0x5;
	s30 =	simm.s32 $0x4;
	s31 =	simm.s32 $0x6  }
0x9: {  	s2 =	sand.u32 $0x1, s2;
	s5 =	sshll.u32 s5, $0x1;
	[smem:$0x7FF] =	sst s4  }
0xa: {  	s6 =	sadd.s32 $0xE400, s0;
	s7 =	sadd.s32 $0x4600, s0;
	s5 =	sor.u32 s2, s5  }
0xb: {  	s8 =	sadd.s32 $0x35600, s0;
	s16 =	sadd.s32 $0x3A600, s0;
	s9 =	smul.u32 $0x28, s5  }
0xc: {  	s0 =	simm.s32 $0x7;
	s2 =	ssub.s32 $0x2, s2;
	s10 =	smul.u32 $0x5, s5  }
0xd: {  	_ =	strace $0x80000047;
	s11 =	sshrl.u32 s2, $0x1;
	s13 =	sor.u32 $0x40, s5  }
0xe: {  	s2 =	ssub.s32 s2, s11;
	s9 =	sshrl.u32 s9, $0x3;
	s25 =	sadd.s32 s7, s10  }
.Ltmp0:
0xf: {  	s10 =	sadd.s32 s3, s10;
	[dreg:$0x4] =	wrdreg s25;
	(pc) =	sbr.rel .LBB2_1-.Ltmp0, $4  }
0x10: {  	s2 =	smax.u32 s2, $0x1;
	s9 =	sadd.s32 $0xA0, s9;
	[dreg:$0x5] =	wrdreg s10  }
0x11: {  	s14 =	sor.u32 $0x60, s5;
	[dreg:$0x8] =	wrdreg s2;
	s26 =	sadd.s32 s7, s9  }
0x12: {  	s25 =	simm.s32 $0x2A00;
	s9 =	sadd.s32 s3, s9;
	[dreg:$0x6] =	wrdreg s26  }
0x13: {  	s10 =	simm.s32 $0x0;
	[dreg:$0x7] =	wrdreg s9;
	s26 =	simm.s32 $0x3E00  }
.LBB2_8:
0x14: {  	_ =	swait.ge [sflag:s0], $0x1400  }
0x15: {  	[sflag:s0] =	ssyncset.done $0x0  }
0x16: {  	s9 =	simm.s32 $0x8;
	[sflag:s0] =	ssyncadd.s32 $0xFFFFEC00  }
0x17: {  	_ =	swait.ge [sflag:s9], $0x1400  }
0x18: {  	s10 =	rddreg [dreg:$0x9]  }
0x19: {  	s2 =	rddreg [dreg:$0x8];
	s10 =	sadd.s32 $0x1, s10  }
0x1a: {  	p0 =	sne.s32 s10, s2  }
.Ltmp1:
0x1b: {  	_ = 	snop;
	(pc) =	sbr.rel @!p0 .LBB2_9-.Ltmp1, $3  }
0x1c: {  	_ =	sdelay $0x1  }
0x1d: {  	[sflag:s9] =	ssyncset.done $0x0  }
0x1e: {  	[sflag:s9] =	ssyncadd.s32 $0xFFFFEC00  }
.LBB2_1:
0x1f: {  	[dreg:$0x9] =	wrdreg s10  }
0x20: {  	s2 =	rddreg [dreg:$0x4]  }
0x21: {  	[tilespmem:s4], [sflag:$0x1] =	stream.linear.gather [hbm4b:s2+s4], $0x28, $0x38;
	[tilespmem:$0x5200] =	vst v63  }
0x22: {  	s11 =	rddreg [dreg:$0x5]  }
0x23: {  	[tilespmem:s17], [sflag:$0x1] =	stream.linear.gather [hbm4b:s11+s4], $0x28, $0x38;
	[tilespmem:$0x5200] =	vst v63  }
0x24: {  	s12 =	rddreg [dreg:$0x6]  }
0x25: {  	[tilespmem:s18], [sflag:$0x2] =	stream.linear.gather [hbm4b:s12+s4], $0x28, $0x38;
	[tilespmem:$0x5200] =	vst v63  }
0x26: {  	s15 =	rddreg [dreg:$0x7]  }
0x27: {  	[tilespmem:s19], [sflag:$0x2] =	stream.linear.gather [hbm4b:s15+s4], $0x28, $0x38;
	[tilespmem:$0x5200] =	vst v63  }
0x28: {  	_ =	swait.ge [sflag:s20], $0x28  }
0x29: {  	[sflag:s20] =	ssyncset.done $0x0  }
0x2a: {  	[sflag:s20] =	ssyncadd.s32 $0xFFFFFFD8  }
0x2b: {  	_ =	swait.ge [sflag:s20], $0x28  }
0x2c: {  	[sflag:s20] =	ssyncset.done $0x0  }
0x2d: {  	[sflag:s20] =	ssyncadd.s32 $0xFFFFFFD8  }
0x2e: {  	[tilespmem:s22], [sflag:$0x3] =	stream.indirect.gather [hbm4b:s1+s21], $0x80, s4, s21, $0xb8;
	[tilespmem:$0x5200] =	vst v63  }
0x2f: {  	s23 =	simm.s32 $0x1600;
	s10 =	simm.s32 $0x0  }
0x30: {  	[tilespmem:s23], [sflag:$0x5] =	stream.indirect.gather [hbm4b:s6+s21], $0x80, s17, s21, $0xb8;
	[tilespmem:$0x5200] =	vst v63  }
.LBB2_2:
0x31: {  	_ =	swait.ge [sflag:s24], $0x28  }
0x32: {  	[sflag:s24] =	ssyncset.done $0x0  }
0x33: {  	[sflag:s24] =	ssyncadd.s32 $0xFFFFFFD8  }
0x34: {  	_ =	swait.ge [sflag:s24], $0x28  }
0x35: {  	p0 =	seq.s32 s10, $0x0;
	[sflag:s24] =	ssyncset.done $0x0  }
0x36: {  	s2 =	simm.s32 @!p0 $0x8;
	[sflag:s24] =	ssyncadd.s32 $0xFFFFFFD8  }
0x37: {  	_ =	swait.ge @!p0 [sflag:s2], $0x1400  }
0x38: {  	[sflag:s2] =	ssyncset.done @!p0 $0x0  }
0x39: {  	[sflag:s2] =	ssyncadd.s32 @!p0 $0xFFFFEC00  }
0x3a: {  	[tilespmem:s25], [sflag:$0x4] =	stream.indirect.gather [hbm4b:s1+s21], $0x80, s18, s21, $0xb8;
	[tilespmem:$0x5200] =	vst v63  }
0x3b: {  	_ = 	snop  }
0x3c: {  	[tilespmem:s26], [sflag:$0x6] =	stream.indirect.gather [hbm4b:s6+s21], $0x80, s19, s21, $0xb8;
	[tilespmem:$0x5200] =	vst v63  }
0x3d: {  	_ =	swait.ge [sflag:s28], $0x1400  }
0x3e: {  	s11 =	sshll.u32 s10, $0x6;
	p0 =	seq.s32 s10, $0x7C;
	[sflag:s28] =	ssyncset.done $0x0  }
0x3f: {  	s2 =	sadd.s32 @!p0 s13, s11;
	[sflag:s28] =	ssyncadd.s32 $0xFFFFEC00  }
0x40: {  	s2 =	smul.u32 @!p0 $0x5, s2;
	_ =	swait.ge [sflag:s29], $0x1400  }
0x41: {  	[sflag:s29] =	ssyncset.done $0x0  }
0x42: {  	s12 =	simm.s32 @!p0 $0x0;
	s9 =	sadd.s32 @!p0 s7, s2;
	[sflag:s29] =	ssyncadd.s32 $0xFFFFEC00  }
0x43: {  	[tilespmem:s12], [sflag:$0x1] =	stream.linear.gather @!p0 [hbm4b:s9+s12], $0x28, $0x38;
	[tilespmem:$0x5200] =	vst v63  }
0x44: {  	s15 =	simm.s32 $0x280;
	s2 =	sadd.s32 @!p0 s3, s2;
	s9 =	simm.s32 @!p0 $0x100  }
0x45: {  	[tilespmem:s9], [sflag:$0x1] =	stream.linear.gather @!p0 [hbm4b:s2+s12], $0x28, $0x38;
	[tilespmem:$0x5200] =	vst v63  }
0x46: {  	s12 =	simm.s32 $0x1680;
	v0 =	vld [tilespmem:s15+$0xFFFFFF80]  }
0x47: {  	v1 =	vld [tilespmem:s12+$0xFFFFFF80];
	_ =	sdelay $0x4  }
0x48: {  	v0 =	vadd.f32 v1, v0;
	_ =	sdelay $0x1  }
0x49: {  	[tilespmem:s15+$0xFFFFFF80] =	vst v0;
	v0 =	vld [tilespmem:s15+$0xFFFFFF90]  }
0x4a: {  	v1 =	vld [tilespmem:s12+$0xFFFFFF90];
	_ =	sdelay $0x4  }
0x4b: {  	v0 =	vadd.f32 v1, v0;
	_ =	sdelay $0x1  }
0x4c: {  	[tilespmem:s15+$0xFFFFFF90] =	vst v0;
	v0 =	vld [tilespmem:s15+$0xFFFFFFA0]  }
0x4d: {  	v1 =	vld [tilespmem:s12+$0xFFFFFFA0];
	_ =	sdelay $0x4  }
0x4e: {  	v0 =	vadd.f32 v1, v0;
	_ =	sdelay $0x1  }
0x4f: {  	[tilespmem:s15+$0xFFFFFFA0] =	vst v0;
	v0 =	vld [tilespmem:s15+$0xFFFFFFB0]  }
0x50: {  	v1 =	vld [tilespmem:s12+$0xFFFFFFB0];
	_ =	sdelay $0x4  }
0x51: {  	v0 =	vadd.f32 v1, v0;
	_ =	sdelay $0x1  }
0x52: {  	[tilespmem:s15+$0xFFFFFFB0] =	vst v0;
	v0 =	vld [tilespmem:s15+$0xFFFFFFC0]  }
0x53: {  	v1 =	vld [tilespmem:s12+$0xFFFFFFC0];
	_ =	sdelay $0x4  }
0x54: {  	v0 =	vadd.f32 v1, v0;
	_ =	sdelay $0x1  }
0x55: {  	[tilespmem:s15+$0xFFFFFFC0] =	vst v0;
	v0 =	vld [tilespmem:s15+$0xFFFFFFD0]  }
0x56: {  	v1 =	vld [tilespmem:s12+$0xFFFFFFD0];
	_ =	sdelay $0x4  }
0x57: {  	v0 =	vadd.f32 v1, v0;
	_ =	sdelay $0x1  }
0x58: {  	[tilespmem:s15+$0xFFFFFFD0] =	vst v0;
	v0 =	vld [tilespmem:s15+$0xFFFFFFE0]  }
0x59: {  	v1 =	vld [tilespmem:s12+$0xFFFFFFE0];
	_ =	sdelay $0x4  }
0x5a: {  	v0 =	vadd.f32 v1, v0;
	_ =	sdelay $0x1  }
0x5b: {  	[tilespmem:s15+$0xFFFFFFE0] =	vst v0;
	v0 =	vld [tilespmem:s15+$0xFFFFFFF0]  }
0x5c: {  	v1 =	vld [tilespmem:s12+$0xFFFFFFF0];
	_ =	sdelay $0x4  }
0x5d: {  	v0 =	vadd.f32 v1, v0;
	_ =	sdelay $0x1  }
0x5e: {  	[tilespmem:s15+$0xFFFFFFF0] =	vst v0;
	v0 =	vld [tilespmem:s15+$0x0]  }
0x5f: {  	v1 =	vld [tilespmem:s12+$0x0];
	_ =	sdelay $0x4  }
0x60: {  	v0 =	vadd.f32 v1, v0;
	_ =	sdelay $0x1  }
0x61: {  	[tilespmem:s15+$0x0] =	vst v0;
	v0 =	vld [tilespmem:s15+$0x10]  }
0x62: {  	v1 =	vld [tilespmem:s12+$0x10];
	_ =	sdelay $0x4  }
0x63: {  	v0 =	vadd.f32 v1, v0;
	_ =	sdelay $0x1  }
0x64: {  	[tilespmem:s15+$0x10] =	vst v0;
	v0 =	vld [tilespmem:s15+$0x20]  }
0x65: {  	v1 =	vld [tilespmem:s12+$0x20];
	_ =	sdelay $0x4  }
0x66: {  	v0 =	vadd.f32 v1, v0;
	_ =	sdelay $0x1  }
0x67: {  	[tilespmem:s15+$0x20] =	vst v0;
	v0 =	vld [tilespmem:s15+$0x30]  }
0x68: {  	v1 =	vld [tilespmem:s12+$0x30];
	_ =	sdelay $0x4  }
0x69: {  	v0 =	vadd.f32 v1, v0;
	_ =	sdelay $0x1  }
0x6a: {  	[tilespmem:s15+$0x30] =	vst v0;
	v0 =	vld [tilespmem:s15+$0x40]  }
0x6b: {  	v1 =	vld [tilespmem:s12+$0x40];
	_ =	sdelay $0x4  }
0x6c: {  	v0 =	vadd.f32 v1, v0;
	_ =	sdelay $0x1  }
0x6d: {  	[tilespmem:s15+$0x40] =	vst v0;
	v0 =	vld [tilespmem:s15+$0x50]  }
0x6e: {  	v1 =	vld [tilespmem:s12+$0x50];
	_ =	sdelay $0x4  }
0x6f: {  	v0 =	vadd.f32 v1, v0;
	_ =	sdelay $0x1  }
0x70: {  	[tilespmem:s15+$0x50] =	vst v0;
	v0 =	vld [tilespmem:s15+$0x60]  }
0x71: {  	v1 =	vld [tilespmem:s12+$0x60];
	_ =	sdelay $0x4  }
0x72: {  	v0 =	vadd.f32 v1, v0;
	_ =	sdelay $0x1  }
0x73: {  	[tilespmem:s15+$0x60] =	vst v0;
	v0 =	vld [tilespmem:s15+$0x70]  }
0x74: {  	v1 =	vld [tilespmem:s12+$0x70];
	_ =	sdelay $0x4  }
0x75: {  	v0 =	vadd.f32 v1, v0  }
0x76: {  	s23 =	simm.s32 $0x380;
	s2 =	sor.u32 s5, s11;
	s9 =	simm.s32 $0x0  }
.LBB2_3:
0x77: {  	v1 =	vld [tilespmem:s23+$0xFFFFFF80];
	[tilespmem:s15+$0x70] =	vst v0;
	s12 =	sadd.s32 $0x100, s12;
	s15 =	smov.u32 s23  }
0x78: {  	s9 =	sadd.s32 $0x2, s9;
	v0 =	vld [tilespmem:s12+$0xFFFFFF80]  }
0x79: {  	p1 =	slt.u32 s9, $0x26;
	_ =	sdelay $0x3  }
0x7a: {  	v0 =	vadd.f32 v0, v1;
	_ =	sdelay $0x1  }
0x7b: {  	[tilespmem:s23+$0xFFFFFF80] =	vst v0;
	v0 =	vld [tilespmem:s23+$0xFFFFFF90]  }
0x7c: {  	v1 =	vld [tilespmem:s12+$0xFFFFFF90];
	_ =	sdelay $0x4  }
0x7d: {  	v0 =	vadd.f32 v1, v0;
	_ =	sdelay $0x1  }
0x7e: {  	[tilespmem:s23+$0xFFFFFF90] =	vst v0;
	v0 =	vld [tilespmem:s23+$0xFFFFFFA0]  }
0x7f: {  	v1 =	vld [tilespmem:s12+$0xFFFFFFA0];
	_ =	sdelay $0x4  }
0x80: {  	v0 =	vadd.f32 v1, v0;
	_ =	sdelay $0x1  }
0x81: {  	[tilespmem:s23+$0xFFFFFFA0] =	vst v0;
	v0 =	vld [tilespmem:s23+$0xFFFFFFB0]  }
0x82: {  	v1 =	vld [tilespmem:s12+$0xFFFFFFB0];
	_ =	sdelay $0x4  }
0x83: {  	v0 =	vadd.f32 v1, v0;
	_ =	sdelay $0x1  }
0x84: {  	[tilespmem:s23+$0xFFFFFFB0] =	vst v0;
	v0 =	vld [tilespmem:s23+$0xFFFFFFC0]  }
0x85: {  	v1 =	vld [tilespmem:s12+$0xFFFFFFC0];
	_ =	sdelay $0x4  }
0x86: {  	v0 =	vadd.f32 v1, v0;
	_ =	sdelay $0x1  }
0x87: {  	[tilespmem:s23+$0xFFFFFFC0] =	vst v0;
	v0 =	vld [tilespmem:s23+$0xFFFFFFD0]  }
0x88: {  	v1 =	vld [tilespmem:s12+$0xFFFFFFD0];
	_ =	sdelay $0x4  }
0x89: {  	v0 =	vadd.f32 v1, v0;
	_ =	sdelay $0x1  }
0x8a: {  	[tilespmem:s23+$0xFFFFFFD0] =	vst v0;
	v0 =	vld [tilespmem:s23+$0xFFFFFFE0]  }
0x8b: {  	v1 =	vld [tilespmem:s12+$0xFFFFFFE0];
	_ =	sdelay $0x4  }
0x8c: {  	v0 =	vadd.f32 v1, v0;
	_ =	sdelay $0x1  }
0x8d: {  	[tilespmem:s23+$0xFFFFFFE0] =	vst v0;
	v0 =	vld [tilespmem:s23+$0xFFFFFFF0]  }
0x8e: {  	v1 =	vld [tilespmem:s12+$0xFFFFFFF0];
	_ =	sdelay $0x4  }
0x8f: {  	v0 =	vadd.f32 v1, v0;
	_ =	sdelay $0x1  }
0x90: {  	[tilespmem:s23+$0xFFFFFFF0] =	vst v0;
	v0 =	vld [tilespmem:s23+$0x0]  }
0x91: {  	v1 =	vld [tilespmem:s12+$0x0];
	_ =	sdelay $0x4  }
0x92: {  	v0 =	vadd.f32 v1, v0;
	_ =	sdelay $0x1  }
0x93: {  	[tilespmem:s23+$0x0] =	vst v0;
	v0 =	vld [tilespmem:s23+$0x10]  }
0x94: {  	v1 =	vld [tilespmem:s12+$0x10];
	_ =	sdelay $0x4  }
0x95: {  	v0 =	vadd.f32 v1, v0;
	_ =	sdelay $0x1  }
0x96: {  	[tilespmem:s23+$0x10] =	vst v0;
	v0 =	vld [tilespmem:s23+$0x20]  }
0x97: {  	v1 =	vld [tilespmem:s12+$0x20];
	_ =	sdelay $0x4  }
0x98: {  	v0 =	vadd.f32 v1, v0;
	_ =	sdelay $0x1  }
0x99: {  	[tilespmem:s23+$0x20] =	vst v0;
	v0 =	vld [tilespmem:s23+$0x30]  }
0x9a: {  	v1 =	vld [tilespmem:s12+$0x30];
	_ =	sdelay $0x4  }
0x9b: {  	v0 =	vadd.f32 v1, v0;
	_ =	sdelay $0x1  }
0x9c: {  	[tilespmem:s23+$0x30] =	vst v0;
	v0 =	vld [tilespmem:s23+$0x40]  }
0x9d: {  	v1 =	vld [tilespmem:s12+$0x40];
	_ =	sdelay $0x4  }
0x9e: {  	v0 =	vadd.f32 v1, v0;
	_ =	sdelay $0x1  }
0x9f: {  	[tilespmem:s23+$0x40] =	vst v0;
	v0 =	vld [tilespmem:s23+$0x50]  }
0xa0: {  	v1 =	vld [tilespmem:s12+$0x50];
	_ =	sdelay $0x4  }
0xa1: {  	v0 =	vadd.f32 v1, v0;
	_ =	sdelay $0x1  }
0xa2: {  	[tilespmem:s23+$0x50] =	vst v0;
	v0 =	vld [tilespmem:s23+$0x60]  }
0xa3: {  	v1 =	vld [tilespmem:s12+$0x60];
	_ =	sdelay $0x4  }
0xa4: {  	v0 =	vadd.f32 v1, v0;
	_ =	sdelay $0x1  }
0xa5: {  	[tilespmem:s23+$0x60] =	vst v0;
	v0 =	vld [tilespmem:s23+$0x70]  }
0xa6: {  	v1 =	vld [tilespmem:s12+$0x70];
	_ =	sdelay $0x1  }
.Ltmp2:
0xa7: {  	(pc) =	sbr.rel @p1 .LBB2_3-.Ltmp2, $3  }
0xa8: {  	_ =	sdelay $0x1  }
0xa9: {  	v0 =	vadd.f32 v1, v0  }
0xaa: {  	s23 =	sadd.s32 $0x100, s23  }
0xab: {  	s12 =	smul.u32 $0x280, s2;
	_ =	sdelay $0x1  }
0xac: {  	[tilespmem:s15+$0x70] =	vst v0;
	s2 =	sadd.s32 s8, s12  }
0xad: {  	[hbm4b:s2+s4] =	stream.linear.scatter [tilespmem:s22], [sflag:$0x7], $0x1400, $0x38;
	[tilespmem:$0x5200] =	vst v63  }
0xae: {  	_ =	swait.ge [sflag:s30], $0x1400  }
0xaf: {  	[sflag:s30] =	ssyncset.done $0x0  }
0xb0: {  	s2 =	sadd.s32 @!p0 s14, s11;
	[sflag:s30] =	ssyncadd.s32 $0xFFFFEC00  }
0xb1: {  	s2 =	smul.u32 @!p0 $0x5, s2;
	_ =	swait.ge [sflag:s31], $0x1400  }
0xb2: {  	s15 =	simm.s32 @!p0 $0x80;
	[sflag:s31] =	ssyncset.done $0x0  }
0xb3: {  	s11 =	simm.s32 @!p0 $0x0;
	s9 =	sadd.s32 @!p0 s7, s2;
	[sflag:s31] =	ssyncadd.s32 $0xFFFFEC00  }
0xb4: {  	[tilespmem:s15], [sflag:$0x2] =	stream.linear.gather @!p0 [hbm4b:s9+s11], $0x28, $0x38;
	[tilespmem:$0x5200] =	vst v63  }
0xb5: {  	s2 =	sadd.s32 @!p0 s3, s2;
	s9 =	simm.s32 @!p0 $0x180  }
0xb6: {  	[tilespmem:s9], [sflag:$0x2] =	stream.linear.gather @!p0 [hbm4b:s2+s11], $0x28, $0x38;
	[tilespmem:$0x5200] =	vst v63  }
0xb7: {  	s11 =	simm.s32 $0x2A80  }
0xb8: {  	s15 =	simm.s32 $0x3E80;
	v0 =	vld [tilespmem:s11+$0xFFFFFF80]  }
0xb9: {  	v1 =	vld [tilespmem:s15+$0xFFFFFF80];
	_ =	sdelay $0x4  }
0xba: {  	v0 =	vadd.f32 v1, v0;
	_ =	sdelay $0x1  }
0xbb: {  	[tilespmem:s11+$0xFFFFFF80] =	vst v0;
	v0 =	vld [tilespmem:s11+$0xFFFFFF90]  }
0xbc: {  	v1 =	vld [tilespmem:s15+$0xFFFFFF90];
	_ =	sdelay $0x4  }
0xbd: {  	v0 =	vadd.f32 v1, v0;
	_ =	sdelay $0x1  }
0xbe: {  	[tilespmem:s11+$0xFFFFFF90] =	vst v0;
	v0 =	vld [tilespmem:s11+$0xFFFFFFA0]  }
0xbf: {  	v1 =	vld [tilespmem:s15+$0xFFFFFFA0];
	_ =	sdelay $0x4  }
0xc0: {  	v0 =	vadd.f32 v1, v0;
	_ =	sdelay $0x1  }
0xc1: {  	[tilespmem:s11+$0xFFFFFFA0] =	vst v0;
	v0 =	vld [tilespmem:s11+$0xFFFFFFB0]  }
0xc2: {  	v1 =	vld [tilespmem:s15+$0xFFFFFFB0];
	_ =	sdelay $0x4  }
0xc3: {  	v0 =	vadd.f32 v1, v0;
	_ =	sdelay $0x1  }
0xc4: {  	[tilespmem:s11+$0xFFFFFFB0] =	vst v0;
	v0 =	vld [tilespmem:s11+$0xFFFFFFC0]  }
0xc5: {  	v1 =	vld [tilespmem:s15+$0xFFFFFFC0];
	_ =	sdelay $0x4  }
0xc6: {  	v0 =	vadd.f32 v1, v0;
	_ =	sdelay $0x1  }
0xc7: {  	[tilespmem:s11+$0xFFFFFFC0] =	vst v0;
	v0 =	vld [tilespmem:s11+$0xFFFFFFD0]  }
0xc8: {  	v1 =	vld [tilespmem:s15+$0xFFFFFFD0];
	_ =	sdelay $0x4  }
0xc9: {  	v0 =	vadd.f32 v1, v0;
	_ =	sdelay $0x1  }
0xca: {  	[tilespmem:s11+$0xFFFFFFD0] =	vst v0;
	v0 =	vld [tilespmem:s11+$0xFFFFFFE0]  }
0xcb: {  	v1 =	vld [tilespmem:s15+$0xFFFFFFE0];
	_ =	sdelay $0x4  }
0xcc: {  	v0 =	vadd.f32 v1, v0;
	_ =	sdelay $0x1  }
0xcd: {  	[tilespmem:s11+$0xFFFFFFE0] =	vst v0;
	v0 =	vld [tilespmem:s11+$0xFFFFFFF0]  }
0xce: {  	v1 =	vld [tilespmem:s15+$0xFFFFFFF0];
	_ =	sdelay $0x4  }
0xcf: {  	v0 =	vadd.f32 v1, v0;
	_ =	sdelay $0x1  }
0xd0: {  	[tilespmem:s11+$0xFFFFFFF0] =	vst v0;
	v0 =	vld [tilespmem:s11+$0x0]  }
0xd1: {  	v1 =	vld [tilespmem:s15+$0x0];
	_ =	sdelay $0x4  }
0xd2: {  	v0 =	vadd.f32 v1, v0;
	_ =	sdelay $0x1  }
0xd3: {  	[tilespmem:s11+$0x0] =	vst v0;
	v0 =	vld [tilespmem:s11+$0x10]  }
0xd4: {  	v1 =	vld [tilespmem:s15+$0x10];
	_ =	sdelay $0x4  }
0xd5: {  	v0 =	vadd.f32 v1, v0;
	_ =	sdelay $0x1  }
0xd6: {  	[tilespmem:s11+$0x10] =	vst v0;
	v0 =	vld [tilespmem:s11+$0x20]  }
0xd7: {  	v1 =	vld [tilespmem:s15+$0x20];
	_ =	sdelay $0x4  }
0xd8: {  	v0 =	vadd.f32 v1, v0;
	_ =	sdelay $0x1  }
0xd9: {  	[tilespmem:s11+$0x20] =	vst v0;
	v0 =	vld [tilespmem:s11+$0x30]  }
0xda: {  	v1 =	vld [tilespmem:s15+$0x30];
	_ =	sdelay $0x4  }
0xdb: {  	v0 =	vadd.f32 v1, v0;
	_ =	sdelay $0x1  }
0xdc: {  	[tilespmem:s11+$0x30] =	vst v0;
	v0 =	vld [tilespmem:s11+$0x40]  }
0xdd: {  	v1 =	vld [tilespmem:s15+$0x40];
	_ =	sdelay $0x4  }
0xde: {  	v0 =	vadd.f32 v1, v0;
	_ =	sdelay $0x1  }
0xdf: {  	[tilespmem:s11+$0x40] =	vst v0;
	v0 =	vld [tilespmem:s11+$0x50]  }
0xe0: {  	v1 =	vld [tilespmem:s15+$0x50];
	_ =	sdelay $0x4  }
0xe1: {  	v0 =	vadd.f32 v1, v0;
	_ =	sdelay $0x1  }
0xe2: {  	[tilespmem:s11+$0x50] =	vst v0;
	v0 =	vld [tilespmem:s11+$0x60]  }
0xe3: {  	v1 =	vld [tilespmem:s15+$0x60];
	_ =	sdelay $0x4  }
0xe4: {  	v0 =	vadd.f32 v1, v0;
	_ =	sdelay $0x1  }
0xe5: {  	[tilespmem:s11+$0x60] =	vst v0;
	v0 =	vld [tilespmem:s11+$0x70]  }
0xe6: {  	v1 =	vld [tilespmem:s15+$0x70];
	_ =	sdelay $0x4  }
0xe7: {  	v0 =	vadd.f32 v1, v0  }
0xe8: {  	s2 =	simm.s32 $0x0;
	s9 =	simm.s32 $0x2B80  }
.LBB2_5:
0xe9: {  	v1 =	vld [tilespmem:s9+$0xFFFFFF80];
	[tilespmem:s11+$0x70] =	vst v0;
	s15 =	sadd.s32 $0x100, s15;
	s11 =	smov.u32 s9  }
0xea: {  	s2 =	sadd.s32 $0x2, s2;
	v0 =	vld [tilespmem:s15+$0xFFFFFF80]  }
0xeb: {  	p1 =	slt.u32 s2, $0x26;
	_ =	sdelay $0x3  }
0xec: {  	v0 =	vadd.f32 v0, v1;
	_ =	sdelay $0x1  }
0xed: {  	[tilespmem:s9+$0xFFFFFF80] =	vst v0;
	v0 =	vld [tilespmem:s9+$0xFFFFFF90]  }
0xee: {  	v1 =	vld [tilespmem:s15+$0xFFFFFF90];
	_ =	sdelay $0x4  }
0xef: {  	v0 =	vadd.f32 v1, v0;
	_ =	sdelay $0x1  }
0xf0: {  	[tilespmem:s9+$0xFFFFFF90] =	vst v0;
	v0 =	vld [tilespmem:s9+$0xFFFFFFA0]  }
0xf1: {  	v1 =	vld [tilespmem:s15+$0xFFFFFFA0];
	_ =	sdelay $0x4  }
0xf2: {  	v0 =	vadd.f32 v1, v0;
	_ =	sdelay $0x1  }
0xf3: {  	[tilespmem:s9+$0xFFFFFFA0] =	vst v0;
	v0 =	vld [tilespmem:s9+$0xFFFFFFB0]  }
0xf4: {  	v1 =	vld [tilespmem:s15+$0xFFFFFFB0];
	_ =	sdelay $0x4  }
0xf5: {  	v0 =	vadd.f32 v1, v0;
	_ =	sdelay $0x1  }
0xf6: {  	[tilespmem:s9+$0xFFFFFFB0] =	vst v0;
	v0 =	vld [tilespmem:s9+$0xFFFFFFC0]  }
0xf7: {  	v1 =	vld [tilespmem:s15+$0xFFFFFFC0];
	_ =	sdelay $0x4  }
0xf8: {  	v0 =	vadd.f32 v1, v0;
	_ =	sdelay $0x1  }
0xf9: {  	[tilespmem:s9+$0xFFFFFFC0] =	vst v0;
	v0 =	vld [tilespmem:s9+$0xFFFFFFD0]  }
0xfa: {  	v1 =	vld [tilespmem:s15+$0xFFFFFFD0];
	_ =	sdelay $0x4  }
0xfb: {  	v0 =	vadd.f32 v1, v0;
	_ =	sdelay $0x1  }
0xfc: {  	[tilespmem:s9+$0xFFFFFFD0] =	vst v0;
	v0 =	vld [tilespmem:s9+$0xFFFFFFE0]  }
0xfd: {  	v1 =	vld [tilespmem:s15+$0xFFFFFFE0];
	_ =	sdelay $0x4  }
0xfe: {  	v0 =	vadd.f32 v1, v0;
	_ =	sdelay $0x1  }
0xff: {  	[tilespmem:s9+$0xFFFFFFE0] =	vst v0;
	v0 =	vld [tilespmem:s9+$0xFFFFFFF0]  }
0x100: {  	v1 =	vld [tilespmem:s15+$0xFFFFFFF0];
	_ =	sdelay $0x4  }
0x101: {  	v0 =	vadd.f32 v1, v0;
	_ =	sdelay $0x1  }
0x102: {  	[tilespmem:s9+$0xFFFFFFF0] =	vst v0;
	v0 =	vld [tilespmem:s9+$0x0]  }
0x103: {  	v1 =	vld [tilespmem:s15+$0x0];
	_ =	sdelay $0x4  }
0x104: {  	v0 =	vadd.f32 v1, v0;
	_ =	sdelay $0x1  }
0x105: {  	[tilespmem:s9+$0x0] =	vst v0;
	v0 =	vld [tilespmem:s9+$0x10]  }
0x106: {  	v1 =	vld [tilespmem:s15+$0x10];
	_ =	sdelay $0x4  }
0x107: {  	v0 =	vadd.f32 v1, v0;
	_ =	sdelay $0x1  }
0x108: {  	[tilespmem:s9+$0x10] =	vst v0;
	v0 =	vld [tilespmem:s9+$0x20]  }
0x109: {  	v1 =	vld [tilespmem:s15+$0x20];
	_ =	sdelay $0x4  }
0x10a: {  	v0 =	vadd.f32 v1, v0;
	_ =	sdelay $0x1  }
0x10b: {  	[tilespmem:s9+$0x20] =	vst v0;
	v0 =	vld [tilespmem:s9+$0x30]  }
0x10c: {  	v1 =	vld [tilespmem:s15+$0x30];
	_ =	sdelay $0x4  }
0x10d: {  	v0 =	vadd.f32 v1, v0;
	_ =	sdelay $0x1  }
0x10e: {  	[tilespmem:s9+$0x30] =	vst v0;
	v0 =	vld [tilespmem:s9+$0x40]  }
0x10f: {  	v1 =	vld [tilespmem:s15+$0x40];
	_ =	sdelay $0x4  }
0x110: {  	v0 =	vadd.f32 v1, v0;
	_ =	sdelay $0x1  }
0x111: {  	[tilespmem:s9+$0x40] =	vst v0;
	v0 =	vld [tilespmem:s9+$0x50]  }
0x112: {  	v1 =	vld [tilespmem:s15+$0x50];
	_ =	sdelay $0x4  }
0x113: {  	v0 =	vadd.f32 v1, v0;
	_ =	sdelay $0x1  }
0x114: {  	[tilespmem:s9+$0x50] =	vst v0;
	v0 =	vld [tilespmem:s9+$0x60]  }
0x115: {  	v1 =	vld [tilespmem:s15+$0x60];
	_ =	sdelay $0x4  }
0x116: {  	v0 =	vadd.f32 v1, v0;
	_ =	sdelay $0x1  }
0x117: {  	[tilespmem:s9+$0x60] =	vst v0;
	v0 =	vld [tilespmem:s9+$0x70]  }
0x118: {  	v1 =	vld [tilespmem:s15+$0x70];
	_ =	sdelay $0x1  }
.Ltmp3:
0x119: {  	(pc) =	sbr.rel @p1 .LBB2_5-.Ltmp3, $3  }
0x11a: {  	_ =	sdelay $0x1  }
0x11b: {  	v0 =	vadd.f32 v1, v0  }
0x11c: {  	s9 =	sadd.s32 $0x100, s9  }
.Ltmp4:
0x11d: {  	(pc) =	sbr.rel @p0 .LBB2_8-.Ltmp4, $3  }
0x11e: {  	_ =	sdelay $0x1  }
0x11f: {  	[tilespmem:s11+$0x70] =	vst v0;
	s2 =	sadd.s32 s16, s12  }
0x120: {  	[hbm4b:s2+s4] =	stream.linear.scatter [tilespmem:s25], [sflag:$0x8], $0x1400, $0x38;
	[tilespmem:$0x5200] =	vst v63  }
0x121: {  	_ =	swait.ge [sflag:s20], $0x28  }
0x122: {  	[sflag:s20] =	ssyncset.done $0x0  }
0x123: {  	[sflag:s20] =	ssyncadd.s32 $0xFFFFFFD8  }
0x124: {  	_ =	swait.ge [sflag:s20], $0x28  }
0x125: {  	[sflag:s20] =	ssyncset.done $0x0  }
0x126: {  	[sflag:s20] =	ssyncadd.s32 $0xFFFFFFD8  }
0x127: {  	_ =	swait.ge [sflag:s0], $0x1400  }
.Ltmp5:
0x128: {  	[sflag:s0] =	ssyncset.done $0x0;
	(pc) =	sbr.rel .LBB2_2-.Ltmp5, $4  }
0x129: {  	[sflag:s0] =	ssyncadd.s32 $0xFFFFEC00  }
0x12a: {  	[tilespmem:s22], [sflag:$0x3] =	stream.indirect.gather [hbm4b:s1+s21], $0x80, s4, s21, $0xb8;
	[tilespmem:$0x5200] =	vst v63  }
0x12b: {  	s2 =	simm.s32 $0x1600;
	s10 =	sadd.s32 $0x1, s10  }
0x12c: {  	[tilespmem:s2], [sflag:$0x5] =	stream.indirect.gather [hbm4b:s6+s21], $0x80, s17, s21, $0xb8;
	[tilespmem:$0x5200] =	vst v63  }
.LBB2_9:
0x12d: {  	_ =	sfence.sel $0x180000  }
0x12e: {  	[bflag:$0x0] =	sbarrier.arrive $0xFFFF  }
0x12f: {  	_ =	strace $0x90000047  }
0x130: {  	s0 =	stileid.u32;
	[bflag:$0x2] =	sbarrier.arrive $0xFFFF  }
0x131: {  	p0 =	sne.s32 s0, $0x0;
	s0 =	rddreg [dreg:$0x3]  }
0x132: {  	s0 =	sadd.s32 @!p0 $0x100000, s0  }
0x133: {  	[sflag:s0] =	ssyncadd.tile.s32 @!p0 $0x1;
	_ =	shalt  }
.Lfunc_end2:
_tile_overlayer_lowered:
.L_overlay_start_2:
0x134: {  	(tag) =	ssettag $0x2  }
0x135: {  	s0 =	rddreg [dreg:$0x0];
	s2 =	stileid.u32  }
0x136: {  	s1 =	rddreg [dreg:$0x1];
	p0 =	sne.s32 s2, $0x0  }
0x137: {  	s3 =	rddreg [dreg:$0x2];
	[bflag:$0x3] =	sbarrier.arrive $0xFFFF;
	s2 =	simm.s32 @!p0 $0x1C09  }
0x138: {  	[timem:s3], [sflag:s2] =	dma.local @!p0 [hbm:s0], s1  }
0x139: {  	s0 =	simm.s32 @!p0 $0x9  }
0x13a: {  	_ =	swait.ge @!p0 [sflag:s0], s1  }
0x13b: {  	s1 =	ssub.s32 @!p0 $0x0, s1;
	[sflag:s0] =	ssyncset.done @!p0 $0x0  }
0x13c: {  	[sflag:s0] =	ssyncadd.s32 @!p0 s1  }
0x13d: {  	[bflag:$0x3] =	sbarrier.arrive $0xFFFF  }
0x13e: {  	_ =	shalt  }

</sc_bundles>
